<compile_context>
chip_gen: v7x
topology: tpu7x:2x2x1
jax: 0.10.2.dev20260603
libtpu: 0.0.44.dev20260713+nightly
codegen_flags: <defaults>
</compile_context>

<pallas_src>
import functools

import jax
import jax.numpy as jnp
from jax import lax
from jax.experimental import pallas as pl
from jax.experimental.pallas import tpu as pltpu
from jax.experimental.pallas import tpu_sc as plsc

L = 16
NW = 32
CPW = 12
CROP = 14
CELLS = CROP * CROP
FULLG = CELLS // L
CPAD = 256
BLK = 4
NBLK = 128

_mesh = plsc.VectorSubcoreMesh(
    core_axis_name="c", subcore_axis_name="s", num_cores=2, num_subcores=16
)


@functools.partial(
    pl.kernel,
    mesh=_mesh,
    out_type=jax.ShapeDtypeStruct((512, 384, CPAD), jnp.float32),
    scratch_types=[
        pltpu.VMEM((CPW, 4096), jnp.float32),
        pltpu.VMEM((2048, L), jnp.float32),
        pltpu.VMEM((5 * 512,), jnp.float32),
        pltpu.VMEM((2, BLK, CPW, CPAD), jnp.float32),
        pltpu.SemaphoreType.DMA,
    ],
    compiler_params=pltpu.CompilerParams(
        use_tc_tiling_on_sc=False, needs_layout_passes=False
    ),
)
def _roi_align_sc(tab_hbm, rois_hbm, out_hbm, tab_vm, stage_vm, rois_vm, outbuf, sem):
    cid = lax.axis_index("c")
    sid = lax.axis_index("s")
    wid = cid * 16 + sid
    c0 = wid * CPW

    iota = lax.iota(jnp.int32, L)

    pltpu.sync_copy(rois_hbm, rois_vm)
    al = (c0 // 8) * 8
    sub = c0 - al
    for half in range(2):
        pltpu.sync_copy(
            tab_hbm.at[pl.ds(half * 2048, 2048), pl.ds(al, L)], stage_vm
        )

        def tr_body(g, _, half=half):
            rbase = g * L
            for c in range(CPW):
                col = plsc.load_gather(
                    stage_vm, [rbase + iota, jnp.full((L,), c, jnp.int32) + sub]
                )
                tab_vm[c, pl.ds(half * 2048 + rbase, L)] = col
            return 0

        lax.fori_loop(0, 2048 // L, tr_body, 0)
    tab_c = [tab_vm.at[c] for c in range(CPW)]

    def blk_body(t, _):
        buf = t % 2

        @pl.when(t >= 2)
        def _wait():
            pltpu.make_async_copy(
                outbuf.at[0],
                out_hbm.at[pl.ds(0, BLK), pl.ds(c0, CPW), :],
                sem,
            ).wait()

        def roi_body(mo, _):
            m = t * BLK + mo
            msplat = jnp.full((L,), m, jnp.int32)
            b_f = plsc.load_gather(rois_vm, [msplat])
            x1v = plsc.load_gather(rois_vm, [msplat + 512])
            y1v = plsc.load_gather(rois_vm, [msplat + 1024])
            dxv = plsc.load_gather(rois_vm, [msplat + 1536])
            dyv = plsc.load_gather(rois_vm, [msplat + 2048])
            bb = b_f.astype(jnp.int32) * 1024

            def cell_group(q, store):
                i_ = jnp.right_shift(q * 4682, 16)
                j_ = q - i_ * CROP
                ys = y1v + dyv * i_.astype(jnp.float32)
                xs = x1v + dxv * j_.astype(jnp.float32)
                y0 = jnp.minimum(ys.astype(jnp.int32), 31)
                x0 = jnp.minimum(xs.astype(jnp.int32), 31)
                wy = ys - y0.astype(jnp.float32)
                wx = xs - x0.astype(jnp.float32)
                y1c = jnp.minimum(y0 + 1, 31)
                x1c = jnp.minimum(x0 + 1, 31)
                row0 = bb + y0 * 32
                row1 = bb + y1c * 32
                b00 = row0 + x0
                b01 = row0 + x1c
                b10 = row1 + x0
                b11 = row1 + x1c
                w11 = wy * wx
                w10 = wy - w11
                w01 = wx - w11
                w00 = (1.0 - wy) - w01
                def issue(c3):
                    return [
                        (
                            plsc.load_gather(tab_c[c3 * 4 + cc], [b00]),
                            plsc.load_gather(tab_c[c3 * 4 + cc], [b01]),
                            plsc.load_gather(tab_c[c3 * 4 + cc], [b10]),
                            plsc.load_gather(tab_c[c3 * 4 + cc], [b11]),
                        )
                        for cc in range(4)
                    ]

                def blend(c3, loads):
                    for cc in range(4):
                        g00, g01, g10, g11 = loads[cc]
                        v = (w00 * g00 + w01 * g01) + (w10 * g10 + w11 * g11)
                        store(c3 * 4 + cc, v)

                nq = CPW // 4
                pend = [issue(0), issue(1)]
                for c3 in range(nq):
                    if c3 + 2 < nq:
                        pend.append(issue(c3 + 2))
                    blend(c3, pend.pop(0))

            def grp_body(g, _):
                q = jnp.full((L,), g * L, jnp.int32) + iota
                g16 = g * L

                def store(c, v):
                    outbuf[buf, mo, c, pl.ds(g16, L)] = v

                cell_group(q, store)
                return 0

            lax.fori_loop(0, FULLG, grp_body, 0)

            qt = jnp.full((L,), FULLG * L, jnp.int32) + iota
            mt = qt < CELLS

            def store_tail(c, v):
                plsc.store_scatter(outbuf.at[buf, mo, c], [qt], v, mask=mt)

            cell_group(qt, store_tail)
            return 0

        lax.fori_loop(0, BLK, roi_body, 0)

        pltpu.async_copy(
            outbuf.at[buf],
            out_hbm.at[pl.ds(t * BLK, BLK), pl.ds(c0, CPW), :],
            sem,
        )
        return 0

    lax.fori_loop(0, NBLK, blk_body, 0)

    for _ in range(2):
        pltpu.make_async_copy(
            outbuf.at[0],
            out_hbm.at[pl.ds(0, BLK), pl.ds(c0, CPW), :],
            sem,
        ).wait()


def kernel(feature_map, rois, img_height):
    N, C, H, W = feature_map.shape
    M = rois.shape[0]
    inv = jnp.float32(H) / jnp.asarray(img_height, jnp.float32)
    b = rois[:, 0]
    x1 = rois[:, 2] * inv
    y1 = rois[:, 3] * inv
    dx = (rois[:, 4] - rois[:, 2]) * inv * (1.0 / (CROP - 1))
    dy = (rois[:, 5] - rois[:, 3]) * inv * (1.0 / (CROP - 1))
    rois_p = jnp.concatenate([b, x1, y1, dx, dy])

    tab = feature_map.transpose(0, 2, 3, 1).reshape(N * H * W, C)
    out = _roi_align_sc(tab, rois_p)
    return out[:, :, :CELLS].reshape(M, C, CROP, CROP)

# --- scband reference (transcript-rebuilt; emitter-appended) ---
"""Pipeline reference for scband-roi-align-19576460935212 (READ-ONLY COPY).

The authoritative reference and input builder live on the scoring server;
editing this copy changes nothing except your own understanding.
"""

import jax, jax.numpy as jnp
import numpy as np

CROP_H = 14
CROP_W = 14


def setup_inputs(seed: int = 0) -> dict:
    key = jax.random.key(seed)
    k1, k2, k3, k4, k5, k6, k7 = jax.random.split(key, 7)
    N, C, H, W = 4, 384, 32, 32
    M = 512
    img_height = 512
    feature_map = jax.random.normal(k1, (N, C, H, W), dtype=jnp.float32)
    n_idx = jax.random.randint(k2, (M,), 0, N).astype(jnp.float32)
    score = jax.random.uniform(k3, (M,), dtype=jnp.float32)
    x1 = jax.random.uniform(k4, (M,), minval=0.0, maxval=0.6 * img_height, dtype=jnp.float32)
    y1 = jax.random.uniform(k5, (M,), minval=0.0, maxval=0.6 * img_height, dtype=jnp.float32)
    wbox = jax.random.uniform(k6, (M,), minval=0.05 * img_height, maxval=0.39 * img_height, dtype=jnp.float32)
    hbox = jax.random.uniform(k7, (M,), minval=0.05 * img_height, maxval=0.39 * img_height, dtype=jnp.float32)
    x2 = jnp.clip(x1 + wbox, 0.0, img_height - 1.0)
    y2 = jnp.clip(y1 + hbox, 0.0, img_height - 1.0)
    rois = jnp.stack([n_idx, score, x1, y1, x2, y2], axis=1)
    return {"feature_map": feature_map, "rois": rois, "img_height": img_height}


def _crop_and_resize(feature_map, bboxes, bbox_idx, crop_h, crop_w):
    N, C, H, W = feature_map.shape
    x1, y1, x2, y2 = bboxes[:, 0], bboxes[:, 1], bboxes[:, 2], bboxes[:, 3]
    iy = jnp.arange(crop_h, dtype=jnp.float32) / (crop_h - 1)
    ix = jnp.arange(crop_w, dtype=jnp.float32) / (crop_w - 1)
    ys = y1[:, None] + (y2 - y1)[:, None] * iy[None, :]  # [M, crop_h]
    xs = x1[:, None] + (x2 - x1)[:, None] * ix[None, :]  # [M, crop_w]
    y0f = jnp.floor(ys)
    x0f = jnp.floor(xs)
    ly = ys - y0f
    lx = xs - x0f
    y0i = jnp.clip(y0f.astype(jnp.int32), 0, H - 1)
    y1i = jnp.clip(y0i + 1, 0, H - 1)
    x0i = jnp.clip(x0f.astype(jnp.int32), 0, W - 1)
    x1i = jnp.clip(x0i + 1, 0, W - 1)
    b = bbox_idx[:, None, None]
    Y0 = y0i[:, :, None]
    Y1 = y1i[:, :, None]
    X0 = x0i[:, None, :]
    X1 = x1i[:, None, :]
    # advanced indices separated by a slice -> result [M, crop_h, crop_w, C]
    v00 = feature_map[b, :, Y0, X0]
    v01 = feature_map[b, :, Y0, X1]
    v10 = feature_map[b, :, Y1, X0]
    v11 = feature_map[b, :, Y1, X1]
    wy = ly[:, :, None, None]
    wx = lx[:, None, :, None]
    out = (v00 * (1.0 - wy) * (1.0 - wx)
           + v01 * (1.0 - wy) * wx
           + v10 * wy * (1.0 - wx)
           + v11 * wy * wx)
    return jnp.transpose(out, (0, 3, 1, 2))  # [M, C, crop_h, crop_w]


def reference(feature_map, rois, img_height):
    bbox_idx = rois[:, 0].astype(jnp.int32)
    bboxes = rois[:, 2:]
    stride = img_height / feature_map.shape[2]
    bboxes = bboxes / stride
    return _crop_and_resize(feature_map, bboxes, bbox_idx, CROP_H, CROP_W)

if __name__ == "__main__":
    import jax
    _d = setup_inputs()
    print(jax.jit(kernel)(*tuple(_d.values())))

</pallas_src>

<mosaic_0001>
#map = affine_map<(d0, d1) -> (0, 0)>
#map1 = affine_map<(d0, d1) -> (0)>
#map2 = affine_map<(d0, d1) -> (0, 0, 0)>
module attributes {stable_mosaic.version = 14 : i64} {
  func.func @_roi_align_sc(%arg0: i32, %arg1: i32, %arg2: memref<4096x384xf32, #tpu.memory_space<hbm>>, %arg3: memref<2560xf32, #tpu.memory_space<hbm>>, %arg4: memref<512x384x256xf32, #tpu.memory_space<hbm>>, %arg5: memref<12x4096xf32, #tpu.memory_space<vmem>>, %arg6: memref<2048x16xf32, #tpu.memory_space<vmem>>, %arg7: memref<2560xf32, #tpu.memory_space<vmem>>, %arg8: memref<2x4x12x256xf32, #tpu.memory_space<vmem>>, %arg9: memref<!tpu.dma_semaphore, #tpu.memory_space<semaphore_mem>>) attributes {dimension_semantics = [#tpu.dimension_semantics<core_parallel>, #tpu.dimension_semantics<subcore_parallel>], iteration_bounds = array<i64: 2, 16>, scalar_prefetch = 0 : i64, scratch_operands = 5 : i64, tpu.core_type = #tpu.core_type<sc_vector_subcore>, window_params = [{transform_indices = #map}, {transform_indices = #map1}, {transform_indices = #map2}]} {
    %mul3A = arith.constant 16 : i32
    %mul3A_0 = arith.muli %arg0, %mul3A : i32
    %add3A = arith.addi %mul3A_0, %arg1 : i32
    %mul3A_1 = arith.constant 12 : i32
    %mul3A_2 = arith.muli %add3A, %mul3A_1 : i32
    %iota3A = tpu.iota {dimensions = array<i32: 0>} : vector<16xi32>
    "tpu.region"() ({
      %run_scoped3A = tpu.sem_alloc : memref<!tpu.dma_semaphore, #tpu.memory_space<semaphore_mem>>
      tpu.enqueue_dma source(%arg3 : memref<2560xf32, #tpu.memory_space<hbm>>) target(%arg7 : memref<2560xf32, #tpu.memory_space<vmem>>) target_semaphore(%run_scoped3A : memref<!tpu.dma_semaphore, #tpu.memory_space<semaphore_mem>>)
      tpu.wait_dma2 semaphore(%run_scoped3A : memref<!tpu.dma_semaphore, #tpu.memory_space<semaphore_mem>>) src(%arg3 : memref<2560xf32, #tpu.memory_space<hbm>>) dst(%arg7 : memref<2560xf32, #tpu.memory_space<vmem>>)
      tpu.yield
    }) : () -> ()
    %jit3A = arith.constant 8 : i32
    %div3A = arith.divsi %mul3A_2, %jit3A : i32
    %sign3A = arith.constant 0 : i32
    %sign3A_3 = arith.cmpi sgt, %mul3A_2, %sign3A : i32
    %sign3A_4 = arith.extui %sign3A_3 : i1 to i32
    %sign3A_5 = arith.constant 0 : i32
    %sign3A_6 = arith.cmpi slt, %mul3A_2, %sign3A_5 : i32
    %sign3A_7 = arith.extui %sign3A_6 : i1 to i32
    %sign3A_8 = arith.subi %sign3A_4, %sign3A_7 : i32
    %sign3A_9 = arith.constant 0 : i32
    %sign3A_10 = arith.cmpi sgt, %jit3A, %sign3A_9 : i32
    %sign3A_11 = arith.extui %sign3A_10 : i1 to i32
    %sign3A_12 = arith.constant 0 : i32
    %sign3A_13 = arith.cmpi slt, %jit3A, %sign3A_12 : i32
    %sign3A_14 = arith.extui %sign3A_13 : i1 to i32
    %sign3A_15 = arith.subi %sign3A_11, %sign3A_14 : i32
    %ne3A = arith.cmpi ne, %sign3A_8, %sign3A_15 : i32
    %rem3A = arith.remsi %mul3A_2, %jit3A : i32
    %ne3A_16 = arith.constant 0 : i32
    %ne3A_17 = arith.cmpi ne, %rem3A, %ne3A_16 : i32
    %and3A = arith.andi %ne3A, %ne3A_17 : i1
    %sub3A = arith.constant 1 : i32
    %sub3A_18 = arith.subi %div3A, %sub3A : i32
    %select_n3A = arith.select %and3A, %sub3A_18, %div3A : i32
    %mul3A_19 = arith.constant 8 : i32
    %mul3A_20 = arith.muli %select_n3A, %mul3A_19 : i32
    %sub3A_21 = arith.subi %mul3A_2, %mul3A_20 : i32
    "tpu.region"() ({
      %run_scoped3A = tpu.sem_alloc : memref<!tpu.dma_semaphore, #tpu.memory_space<semaphore_mem>>
      %dma_start3A = arith.constant 0 : i32
      %dma_start3A_87 = tpu.memref_slice %arg2[%dma_start3A, %mul3A_20] : memref<4096x384xf32, #tpu.memory_space<hbm>> -> memref<2048x16xf32, #tpu.memory_space<hbm>>
      %dma_start3A_88 = arith.constant 0 : i32
      %dma_start3A_89 = tpu.memref_slice %arg2[%dma_start3A_88, %mul3A_20] : memref<4096x384xf32, #tpu.memory_space<hbm>> -> memref<2048x16xf32, #tpu.memory_space<hbm>>
      tpu.enqueue_dma source(%dma_start3A_89 : memref<2048x16xf32, #tpu.memory_space<hbm>>) target(%arg6 : memref<2048x16xf32, #tpu.memory_space<vmem>>) target_semaphore(%run_scoped3A : memref<!tpu.dma_semaphore, #tpu.memory_space<semaphore_mem>>)
      %dma_wait3A_90 = arith.constant 0 : i32
      %dma_wait3A_91 = tpu.memref_slice %arg2[%dma_wait3A_90, %mul3A_20] : memref<4096x384xf32, #tpu.memory_space<hbm>> -> memref<2048x16xf32, #tpu.memory_space<hbm>>
      %dma_wait3A_92 = arith.constant 0 : i32
      %dma_wait3A_93 = tpu.memref_slice %arg2[%dma_wait3A_92, %mul3A_20] : memref<4096x384xf32, #tpu.memory_space<hbm>> -> memref<2048x16xf32, #tpu.memory_space<hbm>>
      tpu.wait_dma2 semaphore(%run_scoped3A : memref<!tpu.dma_semaphore, #tpu.memory_space<semaphore_mem>>) src(%dma_wait3A_93 : memref<2048x16xf32, #tpu.memory_space<hbm>>) dst(%arg6 : memref<2048x16xf32, #tpu.memory_space<vmem>>)
      tpu.yield
    }) : () -> ()
    %scan3A = arith.constant 0 : i32
    %scan3A_22 = arith.constant 0 : i32
    %scan3A_23 = arith.constant 128 : i32
    %scan3A_24 = arith.addi %scan3A_22, %scan3A_23 : i32
    %scan3A_25 = arith.constant 1 : i32
    %scan3A_26 = scf.for %scan3A_87 = %scan3A_22 to %scan3A_24 step %scan3A_25 iter_args(%scan3A_88 = %scan3A) -> (i32)  : i32 {
      %mul3A_89 = arith.constant 16 : i32
      %mul3A_90 = arith.muli %scan3A_87, %mul3A_89 : i32
      %add3A_91 = vector.broadcast %mul3A_90 : i32 to vector<16xi32>
      %add3A_92 = arith.addi %add3A_91, %iota3A : vector<16xi32>
      %broadcast_in_dim3A = arith.constant 0 : i32
      %broadcast_in_dim3A_93 = vector.broadcast %broadcast_in_dim3A : i32 to vector<16xi32>
      %add3A_94 = vector.broadcast %sub3A_21 : i32 to vector<16xi32>
      %add3A_95 = arith.addi %broadcast_in_dim3A_93, %add3A_94 : vector<16xi32>
      %gather3A = tpu.vector_load_idx %arg6[%add3A_92, %add3A_95] : memref<2048x16xf32, #tpu.memory_space<vmem>>[vector<16xi32>, vector<16xi32>], vector<16xf32>,
      %add3A_96 = arith.constant 0 : i32
      %add3A_97 = arith.addi %add3A_96, %mul3A_90 : i32
      %swap3A = arith.constant 0 : i32
      %swap3A_98 = arith.index_cast %swap3A : i32 to index
      %swap3A_99 = arith.index_cast %add3A_97 : i32 to index
      %swap3A_100 = tpu.vector_load %arg5[%swap3A_98, %swap3A_99] {strides = array<i32>} : memref<12x4096xf32, #tpu.memory_space<vmem>>, vector<16xf32>,
      tpu.vector_store %arg5[%swap3A_98, %swap3A_99], %gather3A {strides = array<i32>} : memref<12x4096xf32, #tpu.memory_space<vmem>>, vector<16xf32>,
      %add3A_101 = vector.broadcast %mul3A_90 : i32 to vector<16xi32>
      %add3A_102 = arith.addi %add3A_101, %iota3A : vector<16xi32>
      %broadcast_in_dim3A_103 = arith.constant 1 : i32
      %broadcast_in_dim3A_104 = vector.broadcast %broadcast_in_dim3A_103 : i32 to vector<16xi32>
      %add3A_105 = vector.broadcast %sub3A_21 : i32 to vector<16xi32>
      %add3A_106 = arith.addi %broadcast_in_dim3A_104, %add3A_105 : vector<16xi32>
      %gather3A_107 = tpu.vector_load_idx %arg6[%add3A_102, %add3A_106] : memref<2048x16xf32, #tpu.memory_space<vmem>>[vector<16xi32>, vector<16xi32>], vector<16xf32>,
      %add3A_108 = arith.constant 0 : i32
      %add3A_109 = arith.addi %add3A_108, %mul3A_90 : i32
      %swap3A_110 = arith.constant 1 : i32
      %swap3A_111 = arith.index_cast %swap3A_110 : i32 to index
      %swap3A_112 = arith.index_cast %add3A_109 : i32 to index
      %swap3A_113 = tpu.vector_load %arg5[%swap3A_111, %swap3A_112] {strides = array<i32>} : memref<12x4096xf32, #tpu.memory_space<vmem>>, vector<16xf32>,
      tpu.vector_store %arg5[%swap3A_111, %swap3A_112], %gather3A_107 {strides = array<i32>} : memref<12x4096xf32, #tpu.memory_space<vmem>>, vector<16xf32>,
      %add3A_114 = vector.broadcast %mul3A_90 : i32 to vector<16xi32>
      %add3A_115 = arith.addi %add3A_114, %iota3A : vector<16xi32>
      %broadcast_in_dim3A_116 = arith.constant 2 : i32
      %broadcast_in_dim3A_117 = vector.broadcast %broadcast_in_dim3A_116 : i32 to vector<16xi32>
      %add3A_118 = vector.broadcast %sub3A_21 : i32 to vector<16xi32>
      %add3A_119 = arith.addi %broadcast_in_dim3A_117, %add3A_118 : vector<16xi32>
      %gather3A_120 = tpu.vector_load_idx %arg6[%add3A_115, %add3A_119] : memref<2048x16xf32, #tpu.memory_space<vmem>>[vector<16xi32>, vector<16xi32>], vector<16xf32>,
      %add3A_121 = arith.constant 0 : i32
      %add3A_122 = arith.addi %add3A_121, %mul3A_90 : i32
      %swap3A_123 = arith.constant 2 : i32
      %swap3A_124 = arith.index_cast %swap3A_123 : i32 to index
      %swap3A_125 = arith.index_cast %add3A_122 : i32 to index
      %swap3A_126 = tpu.vector_load %arg5[%swap3A_124, %swap3A_125] {strides = array<i32>} : memref<12x4096xf32, #tpu.memory_space<vmem>>, vector<16xf32>,
      tpu.vector_store %arg5[%swap3A_124, %swap3A_125], %gather3A_120 {strides = array<i32>} : memref<12x4096xf32, #tpu.memory_space<vmem>>, vector<16xf32>,
      %add3A_127 = vector.broadcast %mul3A_90 : i32 to vector<16xi32>
      %add3A_128 = arith.addi %add3A_127, %iota3A : vector<16xi32>
      %broadcast_in_dim3A_129 = arith.constant 3 : i32
      %broadcast_in_dim3A_130 = vector.broadcast %broadcast_in_dim3A_129 : i32 to vector<16xi32>
      %add3A_131 = vector.broadcast %sub3A_21 : i32 to vector<16xi32>
      %add3A_132 = arith.addi %broadcast_in_dim3A_130, %add3A_131 : vector<16xi32>
      %gather3A_133 = tpu.vector_load_idx %arg6[%add3A_128, %add3A_132] : memref<2048x16xf32, #tpu.memory_space<vmem>>[vector<16xi32>, vector<16xi32>], vector<16xf32>,
      %add3A_134 = arith.constant 0 : i32
      %add3A_135 = arith.addi %add3A_134, %mul3A_90 : i32
      %swap3A_136 = arith.constant 3 : i32
      %swap3A_137 = arith.index_cast %swap3A_136 : i32 to index
      %swap3A_138 = arith.index_cast %add3A_135 : i32 to index
      %swap3A_139 = tpu.vector_load %arg5[%swap3A_137, %swap3A_138] {strides = array<i32>} : memref<12x4096xf32, #tpu.memory_space<vmem>>, vector<16xf32>,
      tpu.vector_store %arg5[%swap3A_137, %swap3A_138], %gather3A_133 {strides = array<i32>} : memref<12x4096xf32, #tpu.memory_space<vmem>>, vector<16xf32>,
      %add3A_140 = vector.broadcast %mul3A_90 : i32 to vector<16xi32>
      %add3A_141 = arith.addi %add3A_140, %iota3A : vector<16xi32>
      %broadcast_in_dim3A_142 = arith.constant 4 : i32
      %broadcast_in_dim3A_143 = vector.broadcast %broadcast_in_dim3A_142 : i32 to vector<16xi32>
      %add3A_144 = vector.broadcast %sub3A_21 : i32 to vector<16xi32>
      %add3A_145 = arith.addi %broadcast_in_dim3A_143, %add3A_144 : vector<16xi32>
      %gather3A_146 = tpu.vector_load_idx %arg6[%add3A_141, %add3A_145] : memref<2048x16xf32, #tpu.memory_space<vmem>>[vector<16xi32>, vector<16xi32>], vector<16xf32>,
      %add3A_147 = arith.constant 0 : i32
      %add3A_148 = arith.addi %add3A_147, %mul3A_90 : i32
      %swap3A_149 = arith.constant 4 : i32
      %swap3A_150 = arith.index_cast %swap3A_149 : i32 to index
      %swap3A_151 = arith.index_cast %add3A_148 : i32 to index
      %swap3A_152 = tpu.vector_load %arg5[%swap3A_150, %swap3A_151] {strides = array<i32>} : memref<12x4096xf32, #tpu.memory_space<vmem>>, vector<16xf32>,
      tpu.vector_store %arg5[%swap3A_150, %swap3A_151], %gather3A_146 {strides = array<i32>} : memref<12x4096xf32, #tpu.memory_space<vmem>>, vector<16xf32>,
      %add3A_153 = vector.broadcast %mul3A_90 : i32 to vector<16xi32>
      %add3A_154 = arith.addi %add3A_153, %iota3A : vector<16xi32>
      %broadcast_in_dim3A_155 = arith.constant 5 : i32
      %broadcast_in_dim3A_156 = vector.broadcast %broadcast_in_dim3A_155 : i32 to vector<16xi32>
      %add3A_157 = vector.broadcast %sub3A_21 : i32 to vector<16xi32>
      %add3A_158 = arith.addi %broadcast_in_dim3A_156, %add3A_157 : vector<16xi32>
      %gather3A_159 = tpu.vector_load_idx %arg6[%add3A_154, %add3A_158] : memref<2048x16xf32, #tpu.memory_space<vmem>>[vector<16xi32>, vector<16xi32>], vector<16xf32>,
      %add3A_160 = arith.constant 0 : i32
      %add3A_161 = arith.addi %add3A_160, %mul3A_90 : i32
      %swap3A_162 = arith.constant 5 : i32
      %swap3A_163 = arith.index_cast %swap3A_162 : i32 to index
      %swap3A_164 = arith.index_cast %add3A_161 : i32 to index
      %swap3A_165 = tpu.vector_load %arg5[%swap3A_163, %swap3A_164] {strides = array<i32>} : memref<12x4096xf32, #tpu.memory_space<vmem>>, vector<16xf32>,
      tpu.vector_store %arg5[%swap3A_163, %swap3A_164], %gather3A_159 {strides = array<i32>} : memref<12x4096xf32, #tpu.memory_space<vmem>>, vector<16xf32>,
      %add3A_166 = vector.broadcast %mul3A_90 : i32 to vector<16xi32>
      %add3A_167 = arith.addi %add3A_166, %iota3A : vector<16xi32>
      %broadcast_in_dim3A_168 = arith.constant 6 : i32
      %broadcast_in_dim3A_169 = vector.broadcast %broadcast_in_dim3A_168 : i32 to vector<16xi32>
      %add3A_170 = vector.broadcast %sub3A_21 : i32 to vector<16xi32>
      %add3A_171 = arith.addi %broadcast_in_dim3A_169, %add3A_170 : vector<16xi32>
      %gather3A_172 = tpu.vector_load_idx %arg6[%add3A_167, %add3A_171] : memref<2048x16xf32, #tpu.memory_space<vmem>>[vector<16xi32>, vector<16xi32>], vector<16xf32>,
      %add3A_173 = arith.constant 0 : i32
      %add3A_174 = arith.addi %add3A_173, %mul3A_90 : i32
      %swap3A_175 = arith.constant 6 : i32
      %swap3A_176 = arith.index_cast %swap3A_175 : i32 to index
      %swap3A_177 = arith.index_cast %add3A_174 : i32 to index
      %swap3A_178 = tpu.vector_load %arg5[%swap3A_176, %swap3A_177] {strides = array<i32>} : memref<12x4096xf32, #tpu.memory_space<vmem>>, vector<16xf32>,
      tpu.vector_store %arg5[%swap3A_176, %swap3A_177], %gather3A_172 {strides = array<i32>} : memref<12x4096xf32, #tpu.memory_space<vmem>>, vector<16xf32>,
      %add3A_179 = vector.broadcast %mul3A_90 : i32 to vector<16xi32>
      %add3A_180 = arith.addi %add3A_179, %iota3A : vector<16xi32>
      %broadcast_in_dim3A_181 = arith.constant 7 : i32
      %broadcast_in_dim3A_182 = vector.broadcast %broadcast_in_dim3A_181 : i32 to vector<16xi32>
      %add3A_183 = vector.broadcast %sub3A_21 : i32 to vector<16xi32>
      %add3A_184 = arith.addi %broadcast_in_dim3A_182, %add3A_183 : vector<16xi32>
      %gather3A_185 = tpu.vector_load_idx %arg6[%add3A_180, %add3A_184] : memref<2048x16xf32, #tpu.memory_space<vmem>>[vector<16xi32>, vector<16xi32>], vector<16xf32>,
      %add3A_186 = arith.constant 0 : i32
      %add3A_187 = arith.addi %add3A_186, %mul3A_90 : i32
      %swap3A_188 = arith.constant 7 : i32
      %swap3A_189 = arith.index_cast %swap3A_188 : i32 to index
      %swap3A_190 = arith.index_cast %add3A_187 : i32 to index
      %swap3A_191 = tpu.vector_load %arg5[%swap3A_189, %swap3A_190] {strides = array<i32>} : memref<12x4096xf32, #tpu.memory_space<vmem>>, vector<16xf32>,
      tpu.vector_store %arg5[%swap3A_189, %swap3A_190], %gather3A_185 {strides = array<i32>} : memref<12x4096xf32, #tpu.memory_space<vmem>>, vector<16xf32>,
      %add3A_192 = vector.broadcast %mul3A_90 : i32 to vector<16xi32>
      %add3A_193 = arith.addi %add3A_192, %iota3A : vector<16xi32>
      %broadcast_in_dim3A_194 = arith.constant 8 : i32
      %broadcast_in_dim3A_195 = vector.broadcast %broadcast_in_dim3A_194 : i32 to vector<16xi32>
      %add3A_196 = vector.broadcast %sub3A_21 : i32 to vector<16xi32>
      %add3A_197 = arith.addi %broadcast_in_dim3A_195, %add3A_196 : vector<16xi32>
      %gather3A_198 = tpu.vector_load_idx %arg6[%add3A_193, %add3A_197] : memref<2048x16xf32, #tpu.memory_space<vmem>>[vector<16xi32>, vector<16xi32>], vector<16xf32>,
      %add3A_199 = arith.constant 0 : i32
      %add3A_200 = arith.addi %add3A_199, %mul3A_90 : i32
      %swap3A_201 = arith.constant 8 : i32
      %swap3A_202 = arith.index_cast %swap3A_201 : i32 to index
      %swap3A_203 = arith.index_cast %add3A_200 : i32 to index
      %swap3A_204 = tpu.vector_load %arg5[%swap3A_202, %swap3A_203] {strides = array<i32>} : memref<12x4096xf32, #tpu.memory_space<vmem>>, vector<16xf32>,
      tpu.vector_store %arg5[%swap3A_202, %swap3A_203], %gather3A_198 {strides = array<i32>} : memref<12x4096xf32, #tpu.memory_space<vmem>>, vector<16xf32>,
      %add3A_205 = vector.broadcast %mul3A_90 : i32 to vector<16xi32>
      %add3A_206 = arith.addi %add3A_205, %iota3A : vector<16xi32>
      %broadcast_in_dim3A_207 = arith.constant 9 : i32
      %broadcast_in_dim3A_208 = vector.broadcast %broadcast_in_dim3A_207 : i32 to vector<16xi32>
      %add3A_209 = vector.broadcast %sub3A_21 : i32 to vector<16xi32>
      %add3A_210 = arith.addi %broadcast_in_dim3A_208, %add3A_209 : vector<16xi32>
      %gather3A_211 = tpu.vector_load_idx %arg6[%add3A_206, %add3A_210] : memref<2048x16xf32, #tpu.memory_space<vmem>>[vector<16xi32>, vector<16xi32>], vector<16xf32>,
      %add3A_212 = arith.constant 0 : i32
      %add3A_213 = arith.addi %add3A_212, %mul3A_90 : i32
      %swap3A_214 = arith.constant 9 : i32
      %swap3A_215 = arith.index_cast %swap3A_214 : i32 to index
      %swap3A_216 = arith.index_cast %add3A_213 : i32 to index
      %swap3A_217 = tpu.vector_load %arg5[%swap3A_215, %swap3A_216] {strides = array<i32>} : memref<12x4096xf32, #tpu.memory_space<vmem>>, vector<16xf32>,
      tpu.vector_store %arg5[%swap3A_215, %swap3A_216], %gather3A_211 {strides = array<i32>} : memref<12x4096xf32, #tpu.memory_space<vmem>>, vector<16xf32>,
      %add3A_218 = vector.broadcast %mul3A_90 : i32 to vector<16xi32>
      %add3A_219 = arith.addi %add3A_218, %iota3A : vector<16xi32>
      %broadcast_in_dim3A_220 = arith.constant 10 : i32
      %broadcast_in_dim3A_221 = vector.broadcast %broadcast_in_dim3A_220 : i32 to vector<16xi32>
      %add3A_222 = vector.broadcast %sub3A_21 : i32 to vector<16xi32>
      %add3A_223 = arith.addi %broadcast_in_dim3A_221, %add3A_222 : vector<16xi32>
      %gather3A_224 = tpu.vector_load_idx %arg6[%add3A_219, %add3A_223] : memref<2048x16xf32, #tpu.memory_space<vmem>>[vector<16xi32>, vector<16xi32>], vector<16xf32>,
      %add3A_225 = arith.constant 0 : i32
      %add3A_226 = arith.addi %add3A_225, %mul3A_90 : i32
      %swap3A_227 = arith.constant 10 : i32
      %swap3A_228 = arith.index_cast %swap3A_227 : i32 to index
      %swap3A_229 = arith.index_cast %add3A_226 : i32 to index
      %swap3A_230 = tpu.vector_load %arg5[%swap3A_228, %swap3A_229] {strides = array<i32>} : memref<12x4096xf32, #tpu.memory_space<vmem>>, vector<16xf32>,
      tpu.vector_store %arg5[%swap3A_228, %swap3A_229], %gather3A_224 {strides = array<i32>} : memref<12x4096xf32, #tpu.memory_space<vmem>>, vector<16xf32>,
      %add3A_231 = vector.broadcast %mul3A_90 : i32 to vector<16xi32>
      %add3A_232 = arith.addi %add3A_231, %iota3A : vector<16xi32>
      %broadcast_in_dim3A_233 = arith.constant 11 : i32
      %broadcast_in_dim3A_234 = vector.broadcast %broadcast_in_dim3A_233 : i32 to vector<16xi32>
      %add3A_235 = vector.broadcast %sub3A_21 : i32 to vector<16xi32>
      %add3A_236 = arith.addi %broadcast_in_dim3A_234, %add3A_235 : vector<16xi32>
      %gather3A_237 = tpu.vector_load_idx %arg6[%add3A_232, %add3A_236] : memref<2048x16xf32, #tpu.memory_space<vmem>>[vector<16xi32>, vector<16xi32>], vector<16xf32>,
      %add3A_238 = arith.constant 0 : i32
      %add3A_239 = arith.addi %add3A_238, %mul3A_90 : i32
      %swap3A_240 = arith.constant 11 : i32
      %swap3A_241 = arith.index_cast %swap3A_240 : i32 to index
      %swap3A_242 = arith.index_cast %add3A_239 : i32 to index
      %swap3A_243 = tpu.vector_load %arg5[%swap3A_241, %swap3A_242] {strides = array<i32>} : memref<12x4096xf32, #tpu.memory_space<vmem>>, vector<16xf32>,
      tpu.vector_store %arg5[%swap3A_241, %swap3A_242], %gather3A_237 {strides = array<i32>} : memref<12x4096xf32, #tpu.memory_space<vmem>>, vector<16xf32>,
      %scan3A_244 = arith.constant 0 : i32
      scf.yield %scan3A_244 : i32
    }
    %scan3A_27 = arith.constant 128 : i32
    "tpu.region"() ({
      %run_scoped3A = tpu.sem_alloc : memref<!tpu.dma_semaphore, #tpu.memory_space<semaphore_mem>>
      %dma_start3A = arith.constant 2048 : i32
      %dma_start3A_87 = tpu.memref_slice %arg2[%dma_start3A, %mul3A_20] : memref<4096x384xf32, #tpu.memory_space<hbm>> -> memref<2048x16xf32, #tpu.memory_space<hbm>>
      %dma_start3A_88 = arith.constant 2048 : i32
      %dma_start3A_89 = tpu.memref_slice %arg2[%dma_start3A_88, %mul3A_20] : memref<4096x384xf32, #tpu.memory_space<hbm>> -> memref<2048x16xf32, #tpu.memory_space<hbm>>
      tpu.enqueue_dma source(%dma_start3A_89 : memref<2048x16xf32, #tpu.memory_space<hbm>>) target(%arg6 : memref<2048x16xf32, #tpu.memory_space<vmem>>) target_semaphore(%run_scoped3A : memref<!tpu.dma_semaphore, #tpu.memory_space<semaphore_mem>>)
      %dma_wait3A_90 = arith.constant 2048 : i32
      %dma_wait3A_91 = tpu.memref_slice %arg2[%dma_wait3A_90, %mul3A_20] : memref<4096x384xf32, #tpu.memory_space<hbm>> -> memref<2048x16xf32, #tpu.memory_space<hbm>>
      %dma_wait3A_92 = arith.constant 2048 : i32
      %dma_wait3A_93 = tpu.memref_slice %arg2[%dma_wait3A_92, %mul3A_20] : memref<4096x384xf32, #tpu.memory_space<hbm>> -> memref<2048x16xf32, #tpu.memory_space<hbm>>
      tpu.wait_dma2 semaphore(%run_scoped3A : memref<!tpu.dma_semaphore, #tpu.memory_space<semaphore_mem>>) src(%dma_wait3A_93 : memref<2048x16xf32, #tpu.memory_space<hbm>>) dst(%arg6 : memref<2048x16xf32, #tpu.memory_space<vmem>>)
      tpu.yield
    }) : () -> ()
    %scan3A_28 = arith.constant 0 : i32
    %scan3A_29 = arith.constant 0 : i32
    %scan3A_30 = arith.constant 128 : i32
    %scan3A_31 = arith.addi %scan3A_29, %scan3A_30 : i32
    %scan3A_32 = arith.constant 1 : i32
    %scan3A_33 = scf.for %scan3A_87 = %scan3A_29 to %scan3A_31 step %scan3A_32 iter_args(%scan3A_88 = %scan3A_28) -> (i32)  : i32 {
      %mul3A_89 = arith.constant 16 : i32
      %mul3A_90 = arith.muli %scan3A_87, %mul3A_89 : i32
      %add3A_91 = vector.broadcast %mul3A_90 : i32 to vector<16xi32>
      %add3A_92 = arith.addi %add3A_91, %iota3A : vector<16xi32>
      %broadcast_in_dim3A = arith.constant 0 : i32
      %broadcast_in_dim3A_93 = vector.broadcast %broadcast_in_dim3A : i32 to vector<16xi32>
      %add3A_94 = vector.broadcast %sub3A_21 : i32 to vector<16xi32>
      %add3A_95 = arith.addi %broadcast_in_dim3A_93, %add3A_94 : vector<16xi32>
      %gather3A = tpu.vector_load_idx %arg6[%add3A_92, %add3A_95] : memref<2048x16xf32, #tpu.memory_space<vmem>>[vector<16xi32>, vector<16xi32>], vector<16xf32>,
      %add3A_96 = arith.constant 2048 : i32
      %add3A_97 = arith.addi %add3A_96, %mul3A_90 : i32
      %swap3A = arith.constant 0 : i32
      %swap3A_98 = arith.index_cast %swap3A : i32 to index
      %swap3A_99 = arith.index_cast %add3A_97 : i32 to index
      %swap3A_100 = tpu.vector_load %arg5[%swap3A_98, %swap3A_99] {strides = array<i32>} : memref<12x4096xf32, #tpu.memory_space<vmem>>, vector<16xf32>,
      tpu.vector_store %arg5[%swap3A_98, %swap3A_99], %gather3A {strides = array<i32>} : memref<12x4096xf32, #tpu.memory_space<vmem>>, vector<16xf32>,
      %add3A_101 = vector.broadcast %mul3A_90 : i32 to vector<16xi32>
      %add3A_102 = arith.addi %add3A_101, %iota3A : vector<16xi32>
      %broadcast_in_dim3A_103 = arith.constant 1 : i32
      %broadcast_in_dim3A_104 = vector.broadcast %broadcast_in_dim3A_103 : i32 to vector<16xi32>
      %add3A_105 = vector.broadcast %sub3A_21 : i32 to vector<16xi32>
      %add3A_106 = arith.addi %broadcast_in_dim3A_104, %add3A_105 : vector<16xi32>
      %gather3A_107 = tpu.vector_load_idx %arg6[%add3A_102, %add3A_106] : memref<2048x16xf32, #tpu.memory_space<vmem>>[vector<16xi32>, vector<16xi32>], vector<16xf32>,
      %add3A_108 = arith.constant 2048 : i32
      %add3A_109 = arith.addi %add3A_108, %mul3A_90 : i32
      %swap3A_110 = arith.constant 1 : i32
      %swap3A_111 = arith.index_cast %swap3A_110 : i32 to index
      %swap3A_112 = arith.index_cast %add3A_109 : i32 to index
      %swap3A_113 = tpu.vector_load %arg5[%swap3A_111, %swap3A_112] {strides = array<i32>} : memref<12x4096xf32, #tpu.memory_space<vmem>>, vector<16xf32>,
      tpu.vector_store %arg5[%swap3A_111, %swap3A_112], %gather3A_107 {strides = array<i32>} : memref<12x4096xf32, #tpu.memory_space<vmem>>, vector<16xf32>,
      %add3A_114 = vector.broadcast %mul3A_90 : i32 to vector<16xi32>
      %add3A_115 = arith.addi %add3A_114, %iota3A : vector<16xi32>
      %broadcast_in_dim3A_116 = arith.constant 2 : i32
      %broadcast_in_dim3A_117 = vector.broadcast %broadcast_in_dim3A_116 : i32 to vector<16xi32>
      %add3A_118 = vector.broadcast %sub3A_21 : i32 to vector<16xi32>
      %add3A_119 = arith.addi %broadcast_in_dim3A_117, %add3A_118 : vector<16xi32>
      %gather3A_120 = tpu.vector_load_idx %arg6[%add3A_115, %add3A_119] : memref<2048x16xf32, #tpu.memory_space<vmem>>[vector<16xi32>, vector<16xi32>], vector<16xf32>,
      %add3A_121 = arith.constant 2048 : i32
      %add3A_122 = arith.addi %add3A_121, %mul3A_90 : i32
      %swap3A_123 = arith.constant 2 : i32
      %swap3A_124 = arith.index_cast %swap3A_123 : i32 to index
      %swap3A_125 = arith.index_cast %add3A_122 : i32 to index
      %swap3A_126 = tpu.vector_load %arg5[%swap3A_124, %swap3A_125] {strides = array<i32>} : memref<12x4096xf32, #tpu.memory_space<vmem>>, vector<16xf32>,
      tpu.vector_store %arg5[%swap3A_124, %swap3A_125], %gather3A_120 {strides = array<i32>} : memref<12x4096xf32, #tpu.memory_space<vmem>>, vector<16xf32>,
      %add3A_127 = vector.broadcast %mul3A_90 : i32 to vector<16xi32>
      %add3A_128 = arith.addi %add3A_127, %iota3A : vector<16xi32>
      %broadcast_in_dim3A_129 = arith.constant 3 : i32
      %broadcast_in_dim3A_130 = vector.broadcast %broadcast_in_dim3A_129 : i32 to vector<16xi32>
      %add3A_131 = vector.broadcast %sub3A_21 : i32 to vector<16xi32>
      %add3A_132 = arith.addi %broadcast_in_dim3A_130, %add3A_131 : vector<16xi32>
      %gather3A_133 = tpu.vector_load_idx %arg6[%add3A_128, %add3A_132] : memref<2048x16xf32, #tpu.memory_space<vmem>>[vector<16xi32>, vector<16xi32>], vector<16xf32>,
      %add3A_134 = arith.constant 2048 : i32
      %add3A_135 = arith.addi %add3A_134, %mul3A_90 : i32
      %swap3A_136 = arith.constant 3 : i32
      %swap3A_137 = arith.index_cast %swap3A_136 : i32 to index
      %swap3A_138 = arith.index_cast %add3A_135 : i32 to index
      %swap3A_139 = tpu.vector_load %arg5[%swap3A_137, %swap3A_138] {strides = array<i32>} : memref<12x4096xf32, #tpu.memory_space<vmem>>, vector<16xf32>,
      tpu.vector_store %arg5[%swap3A_137, %swap3A_138], %gather3A_133 {strides = array<i32>} : memref<12x4096xf32, #tpu.memory_space<vmem>>, vector<16xf32>,
      %add3A_140 = vector.broadcast %mul3A_90 : i32 to vector<16xi32>
      %add3A_141 = arith.addi %add3A_140, %iota3A : vector<16xi32>
      %broadcast_in_dim3A_142 = arith.constant 4 : i32
      %broadcast_in_dim3A_143 = vector.broadcast %broadcast_in_dim3A_142 : i32 to vector<16xi32>
      %add3A_144 = vector.broadcast %sub3A_21 : i32 to vector<16xi32>
      %add3A_145 = arith.addi %broadcast_in_dim3A_143, %add3A_144 : vector<16xi32>
      %gather3A_146 = tpu.vector_load_idx %arg6[%add3A_141, %add3A_145] : memref<2048x16xf32, #tpu.memory_space<vmem>>[vector<16xi32>, vector<16xi32>], vector<16xf32>,
      %add3A_147 = arith.constant 2048 : i32
      %add3A_148 = arith.addi %add3A_147, %mul3A_90 : i32
      %swap3A_149 = arith.constant 4 : i32
      %swap3A_150 = arith.index_cast %swap3A_149 : i32 to index
      %swap3A_151 = arith.index_cast %add3A_148 : i32 to index
      %swap3A_152 = tpu.vector_load %arg5[%swap3A_150, %swap3A_151] {strides = array<i32>} : memref<12x4096xf32, #tpu.memory_space<vmem>>, vector<16xf32>,
      tpu.vector_store %arg5[%swap3A_150, %swap3A_151], %gather3A_146 {strides = array<i32>} : memref<12x4096xf32, #tpu.memory_space<vmem>>, vector<16xf32>,
      %add3A_153 = vector.broadcast %mul3A_90 : i32 to vector<16xi32>
      %add3A_154 = arith.addi %add3A_153, %iota3A : vector<16xi32>
      %broadcast_in_dim3A_155 = arith.constant 5 : i32
      %broadcast_in_dim3A_156 = vector.broadcast %broadcast_in_dim3A_155 : i32 to vector<16xi32>
      %add3A_157 = vector.broadcast %sub3A_21 : i32 to vector<16xi32>
      %add3A_158 = arith.addi %broadcast_in_dim3A_156, %add3A_157 : vector<16xi32>
      %gather3A_159 = tpu.vector_load_idx %arg6[%add3A_154, %add3A_158] : memref<2048x16xf32, #tpu.memory_space<vmem>>[vector<16xi32>, vector<16xi32>], vector<16xf32>,
      %add3A_160 = arith.constant 2048 : i32
      %add3A_161 = arith.addi %add3A_160, %mul3A_90 : i32
      %swap3A_162 = arith.constant 5 : i32
      %swap3A_163 = arith.index_cast %swap3A_162 : i32 to index
      %swap3A_164 = arith.index_cast %add3A_161 : i32 to index
      %swap3A_165 = tpu.vector_load %arg5[%swap3A_163, %swap3A_164] {strides = array<i32>} : memref<12x4096xf32, #tpu.memory_space<vmem>>, vector<16xf32>,
      tpu.vector_store %arg5[%swap3A_163, %swap3A_164], %gather3A_159 {strides = array<i32>} : memref<12x4096xf32, #tpu.memory_space<vmem>>, vector<16xf32>,
      %add3A_166 = vector.broadcast %mul3A_90 : i32 to vector<16xi32>
      %add3A_167 = arith.addi %add3A_166, %iota3A : vector<16xi32>
      %broadcast_in_dim3A_168 = arith.constant 6 : i32
      %broadcast_in_dim3A_169 = vector.broadcast %broadcast_in_dim3A_168 : i32 to vector<16xi32>
      %add3A_170 = vector.broadcast %sub3A_21 : i32 to vector<16xi32>
      %add3A_171 = arith.addi %broadcast_in_dim3A_169, %add3A_170 : vector<16xi32>
      %gather3A_172 = tpu.vector_load_idx %arg6[%add3A_167, %add3A_171] : memref<2048x16xf32, #tpu.memory_space<vmem>>[vector<16xi32>, vector<16xi32>], vector<16xf32>,
      %add3A_173 = arith.constant 2048 : i32
      %add3A_174 = arith.addi %add3A_173, %mul3A_90 : i32
      %swap3A_175 = arith.constant 6 : i32
      %swap3A_176 = arith.index_cast %swap3A_175 : i32 to index
      %swap3A_177 = arith.index_cast %add3A_174 : i32 to index
      %swap3A_178 = tpu.vector_load %arg5[%swap3A_176, %swap3A_177] {strides = array<i32>} : memref<12x4096xf32, #tpu.memory_space<vmem>>, vector<16xf32>,
      tpu.vector_store %arg5[%swap3A_176, %swap3A_177], %gather3A_172 {strides = array<i32>} : memref<12x4096xf32, #tpu.memory_space<vmem>>, vector<16xf32>,
      %add3A_179 = vector.broadcast %mul3A_90 : i32 to vector<16xi32>
      %add3A_180 = arith.addi %add3A_179, %iota3A : vector<16xi32>
      %broadcast_in_dim3A_181 = arith.constant 7 : i32
      %broadcast_in_dim3A_182 = vector.broadcast %broadcast_in_dim3A_181 : i32 to vector<16xi32>
      %add3A_183 = vector.broadcast %sub3A_21 : i32 to vector<16xi32>
      %add3A_184 = arith.addi %broadcast_in_dim3A_182, %add3A_183 : vector<16xi32>
      %gather3A_185 = tpu.vector_load_idx %arg6[%add3A_180, %add3A_184] : memref<2048x16xf32, #tpu.memory_space<vmem>>[vector<16xi32>, vector<16xi32>], vector<16xf32>,
      %add3A_186 = arith.constant 2048 : i32
      %add3A_187 = arith.addi %add3A_186, %mul3A_90 : i32
      %swap3A_188 = arith.constant 7 : i32
      %swap3A_189 = arith.index_cast %swap3A_188 : i32 to index
      %swap3A_190 = arith.index_cast %add3A_187 : i32 to index
      %swap3A_191 = tpu.vector_load %arg5[%swap3A_189, %swap3A_190] {strides = array<i32>} : memref<12x4096xf32, #tpu.memory_space<vmem>>, vector<16xf32>,
      tpu.vector_store %arg5[%swap3A_189, %swap3A_190], %gather3A_185 {strides = array<i32>} : memref<12x4096xf32, #tpu.memory_space<vmem>>, vector<16xf32>,
      %add3A_192 = vector.broadcast %mul3A_90 : i32 to vector<16xi32>
      %add3A_193 = arith.addi %add3A_192, %iota3A : vector<16xi32>
      %broadcast_in_dim3A_194 = arith.constant 8 : i32
      %broadcast_in_dim3A_195 = vector.broadcast %broadcast_in_dim3A_194 : i32 to vector<16xi32>
      %add3A_196 = vector.broadcast %sub3A_21 : i32 to vector<16xi32>
      %add3A_197 = arith.addi %broadcast_in_dim3A_195, %add3A_196 : vector<16xi32>
      %gather3A_198 = tpu.vector_load_idx %arg6[%add3A_193, %add3A_197] : memref<2048x16xf32, #tpu.memory_space<vmem>>[vector<16xi32>, vector<16xi32>], vector<16xf32>,
      %add3A_199 = arith.constant 2048 : i32
      %add3A_200 = arith.addi %add3A_199, %mul3A_90 : i32
      %swap3A_201 = arith.constant 8 : i32
      %swap3A_202 = arith.index_cast %swap3A_201 : i32 to index
      %swap3A_203 = arith.index_cast %add3A_200 : i32 to index
      %swap3A_204 = tpu.vector_load %arg5[%swap3A_202, %swap3A_203] {strides = array<i32>} : memref<12x4096xf32, #tpu.memory_space<vmem>>, vector<16xf32>,
      tpu.vector_store %arg5[%swap3A_202, %swap3A_203], %gather3A_198 {strides = array<i32>} : memref<12x4096xf32, #tpu.memory_space<vmem>>, vector<16xf32>,
      %add3A_205 = vector.broadcast %mul3A_90 : i32 to vector<16xi32>
      %add3A_206 = arith.addi %add3A_205, %iota3A : vector<16xi32>
      %broadcast_in_dim3A_207 = arith.constant 9 : i32
      %broadcast_in_dim3A_208 = vector.broadcast %broadcast_in_dim3A_207 : i32 to vector<16xi32>
      %add3A_209 = vector.broadcast %sub3A_21 : i32 to vector<16xi32>
      %add3A_210 = arith.addi %broadcast_in_dim3A_208, %add3A_209 : vector<16xi32>
      %gather3A_211 = tpu.vector_load_idx %arg6[%add3A_206, %add3A_210] : memref<2048x16xf32, #tpu.memory_space<vmem>>[vector<16xi32>, vector<16xi32>], vector<16xf32>,
      %add3A_212 = arith.constant 2048 : i32
      %add3A_213 = arith.addi %add3A_212, %mul3A_90 : i32
      %swap3A_214 = arith.constant 9 : i32
      %swap3A_215 = arith.index_cast %swap3A_214 : i32 to index
      %swap3A_216 = arith.index_cast %add3A_213 : i32 to index
      %swap3A_217 = tpu.vector_load %arg5[%swap3A_215, %swap3A_216] {strides = array<i32>} : memref<12x4096xf32, #tpu.memory_space<vmem>>, vector<16xf32>,
      tpu.vector_store %arg5[%swap3A_215, %swap3A_216], %gather3A_211 {strides = array<i32>} : memref<12x4096xf32, #tpu.memory_space<vmem>>, vector<16xf32>,
      %add3A_218 = vector.broadcast %mul3A_90 : i32 to vector<16xi32>
      %add3A_219 = arith.addi %add3A_218, %iota3A : vector<16xi32>
      %broadcast_in_dim3A_220 = arith.constant 10 : i32
      %broadcast_in_dim3A_221 = vector.broadcast %broadcast_in_dim3A_220 : i32 to vector<16xi32>
      %add3A_222 = vector.broadcast %sub3A_21 : i32 to vector<16xi32>
      %add3A_223 = arith.addi %broadcast_in_dim3A_221, %add3A_222 : vector<16xi32>
      %gather3A_224 = tpu.vector_load_idx %arg6[%add3A_219, %add3A_223] : memref<2048x16xf32, #tpu.memory_space<vmem>>[vector<16xi32>, vector<16xi32>], vector<16xf32>,
      %add3A_225 = arith.constant 2048 : i32
      %add3A_226 = arith.addi %add3A_225, %mul3A_90 : i32
      %swap3A_227 = arith.constant 10 : i32
      %swap3A_228 = arith.index_cast %swap3A_227 : i32 to index
      %swap3A_229 = arith.index_cast %add3A_226 : i32 to index
      %swap3A_230 = tpu.vector_load %arg5[%swap3A_228, %swap3A_229] {strides = array<i32>} : memref<12x4096xf32, #tpu.memory_space<vmem>>, vector<16xf32>,
      tpu.vector_store %arg5[%swap3A_228, %swap3A_229], %gather3A_224 {strides = array<i32>} : memref<12x4096xf32, #tpu.memory_space<vmem>>, vector<16xf32>,
      %add3A_231 = vector.broadcast %mul3A_90 : i32 to vector<16xi32>
      %add3A_232 = arith.addi %add3A_231, %iota3A : vector<16xi32>
      %broadcast_in_dim3A_233 = arith.constant 11 : i32
      %broadcast_in_dim3A_234 = vector.broadcast %broadcast_in_dim3A_233 : i32 to vector<16xi32>
      %add3A_235 = vector.broadcast %sub3A_21 : i32 to vector<16xi32>
      %add3A_236 = arith.addi %broadcast_in_dim3A_234, %add3A_235 : vector<16xi32>
      %gather3A_237 = tpu.vector_load_idx %arg6[%add3A_232, %add3A_236] : memref<2048x16xf32, #tpu.memory_space<vmem>>[vector<16xi32>, vector<16xi32>], vector<16xf32>,
      %add3A_238 = arith.constant 2048 : i32
      %add3A_239 = arith.addi %add3A_238, %mul3A_90 : i32
      %swap3A_240 = arith.constant 11 : i32
      %swap3A_241 = arith.index_cast %swap3A_240 : i32 to index
      %swap3A_242 = arith.index_cast %add3A_239 : i32 to index
      %swap3A_243 = tpu.vector_load %arg5[%swap3A_241, %swap3A_242] {strides = array<i32>} : memref<12x4096xf32, #tpu.memory_space<vmem>>, vector<16xf32>,
      tpu.vector_store %arg5[%swap3A_241, %swap3A_242], %gather3A_237 {strides = array<i32>} : memref<12x4096xf32, #tpu.memory_space<vmem>>, vector<16xf32>,
      %scan3A_244 = arith.constant 0 : i32
      scf.yield %scan3A_244 : i32
    }
    %scan3A_34 = arith.constant 128 : i32
    %scan3A_35 = arith.constant 0 : i32
    %scan3A_36 = arith.constant 1 : i32
    %scan3A_37 = arith.constant 2 : i32
    %scan3A_38 = arith.constant 3 : i32
    %scan3A_39 = arith.constant 4 : i32
    %scan3A_40 = arith.constant 5 : i32
    %scan3A_41 = arith.constant 6 : i32
    %scan3A_42 = arith.constant 7 : i32
    %scan3A_43 = arith.constant 8 : i32
    %scan3A_44 = arith.constant 9 : i32
    %scan3A_45 = arith.constant 10 : i32
    %scan3A_46 = arith.constant 11 : i32
    %scan3A_47 = arith.constant 0 : i32
    %scan3A_48 = arith.constant 0 : i32
    %scan3A_49 = arith.constant 128 : i32
    %scan3A_50 = arith.addi %scan3A_48, %scan3A_49 : i32
    %scan3A_51 = arith.constant 1 : i32
    %scan3A_52 = scf.for %scan3A_87 = %scan3A_48 to %scan3A_50 step %scan3A_51 iter_args(%scan3A_88 = %scan3A_47) -> (i32)  : i32 {
      %jit3A_89 = arith.constant 2 : i32
      %eq3A = arith.constant 0 : i32
      %eq3A_90 = arith.cmpi eq, %jit3A_89, %eq3A : i32
      %jit3A_91 = arith.constant 1 : i32
      %select_n3A_92 = arith.select %eq3A_90, %jit3A_91, %jit3A_89 : i32
      %rem3A_93 = arith.remsi %scan3A_87, %select_n3A_92 : i32
      %ne3A_94 = arith.constant 0 : i32
      %ne3A_95 = arith.cmpi ne, %rem3A_93, %ne3A_94 : i32
      %lt3A = arith.constant 0 : i32
      %lt3A_96 = arith.cmpi slt, %rem3A_93, %lt3A : i32
      %lt3A_97 = arith.constant 0 : i32
      %lt3A_98 = arith.cmpi slt, %select_n3A_92, %lt3A_97 : i32
      %ne3A_99 = arith.xori %lt3A_96, %lt3A_98 : i1
      %and3A_100 = arith.andi %ne3A_99, %ne3A_95 : i1
      %add3A_101 = arith.addi %rem3A_93, %select_n3A_92 : i32
      %select_n3A_102 = arith.select %and3A_100, %add3A_101, %rem3A_93 : i32
      %ge3A = arith.constant 2 : i32
      %ge3A_103 = arith.cmpi sge, %scan3A_87, %ge3A : i32
      %convert_element_type3A = arith.extui %ge3A_103 : i1 to i32
      %cond3A = arith.constant 0 : i32
      %cond3A_104 = arith.cmpi ne, %convert_element_type3A, %cond3A : i32
      scf.if %cond3A_104 {
        %dma_wait3A_128 = arith.constant 0 : i32
        %dma_wait3A_129 = arith.constant 0 : i32
        %dma_wait3A_130 = arith.constant 0 : i32
        %dma_wait3A_131 = arith.constant 0 : i32
        %dma_wait3A_132 = tpu.memref_slice %arg8[%dma_wait3A_128, %dma_wait3A_129, %dma_wait3A_130, %dma_wait3A_131] : memref<2x4x12x256xf32, #tpu.memory_space<vmem>> -> memref<1x4x12x256xf32, #tpu.memory_space<vmem>>
        %dma_wait3A_133 = tpu.memref_squeeze %dma_wait3A_132 : memref<1x4x12x256xf32, #tpu.memory_space<vmem>> -> memref<4x12x256xf32, #tpu.memory_space<vmem>>
        %dma_wait3A_134 = arith.constant 0 : i32
        %dma_wait3A_135 = arith.constant 0 : i32
        %dma_wait3A_136 = tpu.memref_slice %arg4[%dma_wait3A_134, %mul3A_2, %dma_wait3A_135] : memref<512x384x256xf32, #tpu.memory_space<hbm>> -> memref<4x12x256xf32, #tpu.memory_space<hbm>>
        %dma_wait3A_137 = arith.constant 0 : i32
        %dma_wait3A_138 = arith.constant 0 : i32
        %dma_wait3A_139 = tpu.memref_slice %arg4[%dma_wait3A_137, %mul3A_2, %dma_wait3A_138] : memref<512x384x256xf32, #tpu.memory_space<hbm>> -> memref<4x12x256xf32, #tpu.memory_space<hbm>>
        %dma_wait3A_140 = arith.constant 0 : i32
        %dma_wait3A_141 = arith.constant 0 : i32
        %dma_wait3A_142 = arith.constant 0 : i32
        %dma_wait3A_143 = tpu.memref_slice %arg8[%dma_wait3A_128, %dma_wait3A_140, %dma_wait3A_141, %dma_wait3A_142] : memref<2x4x12x256xf32, #tpu.memory_space<vmem>> -> memref<1x4x12x256xf32, #tpu.memory_space<vmem>>
        %dma_wait3A_144 = tpu.memref_squeeze %dma_wait3A_143 : memref<1x4x12x256xf32, #tpu.memory_space<vmem>> -> memref<4x12x256xf32, #tpu.memory_space<vmem>>
        tpu.wait_dma2 semaphore(%arg9 : memref<!tpu.dma_semaphore, #tpu.memory_space<semaphore_mem>>) src(%dma_wait3A_144 : memref<4x12x256xf32, #tpu.memory_space<vmem>>) dst(%dma_wait3A_139 : memref<4x12x256xf32, #tpu.memory_space<hbm>>)
      } else {
      }
      %scan3A_105 = arith.constant 0 : i32
      %scan3A_106 = arith.constant 0 : i32
      %scan3A_107 = arith.constant 4 : i32
      %scan3A_108 = arith.addi %scan3A_106, %scan3A_107 : i32
      %scan3A_109 = arith.constant 1 : i32
      %scan3A_110 = scf.for %scan3A_128 = %scan3A_106 to %scan3A_108 step %scan3A_109 iter_args(%scan3A_129 = %scan3A_105) -> (i32)  : i32 {
        %mul3A_130 = arith.constant 4 : i32
        %mul3A_131 = arith.muli %scan3A_87, %mul3A_130 : i32
        %add3A_132 = arith.addi %mul3A_131, %scan3A_128 : i32
        %broadcast_in_dim3A = vector.broadcast %add3A_132 : i32 to vector<16xi32>
        %gather3A = tpu.vector_load_idx %arg7[%broadcast_in_dim3A] : memref<2560xf32, #tpu.memory_space<vmem>>[vector<16xi32>], vector<16xf32>,
        %add3A_133 = arith.constant 512 : i32
        %add3A_134 = vector.broadcast %add3A_133 : i32 to vector<16xi32>
        %add3A_135 = arith.addi %broadcast_in_dim3A, %add3A_134 : vector<16xi32>
        %gather3A_136 = tpu.vector_load_idx %arg7[%add3A_135] : memref<2560xf32, #tpu.memory_space<vmem>>[vector<16xi32>], vector<16xf32>,
        %add3A_137 = arith.constant 1024 : i32
        %add3A_138 = vector.broadcast %add3A_137 : i32 to vector<16xi32>
        %add3A_139 = arith.addi %broadcast_in_dim3A, %add3A_138 : vector<16xi32>
        %gather3A_140 = tpu.vector_load_idx %arg7[%add3A_139] : memref<2560xf32, #tpu.memory_space<vmem>>[vector<16xi32>], vector<16xf32>,
        %add3A_141 = arith.constant 1536 : i32
        %add3A_142 = vector.broadcast %add3A_141 : i32 to vector<16xi32>
        %add3A_143 = arith.addi %broadcast_in_dim3A, %add3A_142 : vector<16xi32>
        %gather3A_144 = tpu.vector_load_idx %arg7[%add3A_143] : memref<2560xf32, #tpu.memory_space<vmem>>[vector<16xi32>], vector<16xf32>,
        %add3A_145 = arith.constant 2048 : i32
        %add3A_146 = vector.broadcast %add3A_145 : i32 to vector<16xi32>
        %add3A_147 = arith.addi %broadcast_in_dim3A, %add3A_146 : vector<16xi32>
        %gather3A_148 = tpu.vector_load_idx %arg7[%add3A_147] : memref<2560xf32, #tpu.memory_space<vmem>>[vector<16xi32>], vector<16xf32>,
        %convert_element_type3A_149 = arith.fptosi %gather3A : vector<16xf32> to vector<16xi32>
        %mul3A_150 = arith.constant 1024 : i32
        %mul3A_151 = vector.broadcast %mul3A_150 : i32 to vector<16xi32>
        %mul3A_152 = arith.muli %convert_element_type3A_149, %mul3A_151 : vector<16xi32>
        %scan3A_153 = arith.constant 0 : i32
        %scan3A_154 = arith.constant 0 : i32
        %scan3A_155 = arith.constant 12 : i32
        %scan3A_156 = arith.addi %scan3A_154, %scan3A_155 : i32
        %scan3A_157 = arith.constant 1 : i32
        %scan3A_158 = scf.for %scan3A_547 = %scan3A_154 to %scan3A_156 step %scan3A_157 iter_args(%scan3A_548 = %scan3A_153) -> (i32)  : i32 {
          %mul3A_549 = arith.constant 16 : i32
          %mul3A_550 = arith.muli %scan3A_547, %mul3A_549 : i32
          %broadcast_in_dim3A_551 = vector.broadcast %mul3A_550 : i32 to vector<16xi32>
          %add3A_552 = arith.addi %broadcast_in_dim3A_551, %iota3A : vector<16xi32>
          %mul3A_553 = arith.constant 16 : i32
          %mul3A_554 = arith.muli %scan3A_547, %mul3A_553 : i32
          %mul3A_555 = arith.constant 4682 : i32
          %mul3A_556 = vector.broadcast %mul3A_555 : i32 to vector<16xi32>
          %mul3A_557 = arith.muli %add3A_552, %mul3A_556 : vector<16xi32>
          %shift_right_arithmetic3A_558 = arith.constant 16 : i32
          %shift_right_arithmetic3A_559 = vector.broadcast %shift_right_arithmetic3A_558 : i32 to vector<16xi32>
          %shift_right_arithmetic3A_560 = arith.shrsi %mul3A_557, %shift_right_arithmetic3A_559 : vector<16xi32>
          %mul3A_561 = arith.constant 14 : i32
          %mul3A_562 = vector.broadcast %mul3A_561 : i32 to vector<16xi32>
          %mul3A_563 = arith.muli %shift_right_arithmetic3A_560, %mul3A_562 : vector<16xi32>
          %sub3A_564 = arith.subi %add3A_552, %mul3A_563 : vector<16xi32>
          %convert_element_type3A_565 = arith.sitofp %shift_right_arithmetic3A_560 : vector<16xi32> to vector<16xf32>
          %mul3A_566 = arith.mulf %gather3A_148, %convert_element_type3A_565 : vector<16xf32>
          %add3A_567 = arith.addf %gather3A_140, %mul3A_566 : vector<16xf32>
          %convert_element_type3A_568 = arith.sitofp %sub3A_564 : vector<16xi32> to vector<16xf32>
          %mul3A_569 = arith.mulf %gather3A_144, %convert_element_type3A_568 : vector<16xf32>
          %add3A_570 = arith.addf %gather3A_136, %mul3A_569 : vector<16xf32>
          %convert_element_type3A_571 = arith.fptosi %add3A_567 : vector<16xf32> to vector<16xi32>
          %min3A_572 = arith.constant 31 : i32
          %min3A_573 = vector.broadcast %min3A_572 : i32 to vector<16xi32>
          %min3A_574 = arith.minsi %convert_element_type3A_571, %min3A_573 : vector<16xi32>
          %convert_element_type3A_575 = arith.fptosi %add3A_570 : vector<16xf32> to vector<16xi32>
          %min3A_576 = arith.constant 31 : i32
          %min3A_577 = vector.broadcast %min3A_576 : i32 to vector<16xi32>
          %min3A_578 = arith.minsi %convert_element_type3A_575, %min3A_577 : vector<16xi32>
          %convert_element_type3A_579 = arith.sitofp %min3A_574 : vector<16xi32> to vector<16xf32>
          %sub3A_580 = arith.subf %add3A_567, %convert_element_type3A_579 : vector<16xf32>
          %convert_element_type3A_581 = arith.sitofp %min3A_578 : vector<16xi32> to vector<16xf32>
          %sub3A_582 = arith.subf %add3A_570, %convert_element_type3A_581 : vector<16xf32>
          %add3A_583 = arith.constant 1 : i32
          %add3A_584 = vector.broadcast %add3A_583 : i32 to vector<16xi32>
          %add3A_585 = arith.addi %min3A_574, %add3A_584 : vector<16xi32>
          %min3A_586 = arith.constant 31 : i32
          %min3A_587 = vector.broadcast %min3A_586 : i32 to vector<16xi32>
          %min3A_588 = arith.minsi %add3A_585, %min3A_587 : vector<16xi32>
          %add3A_589 = arith.constant 1 : i32
          %add3A_590 = vector.broadcast %add3A_589 : i32 to vector<16xi32>
          %add3A_591 = arith.addi %min3A_578, %add3A_590 : vector<16xi32>
          %min3A_592 = arith.constant 31 : i32
          %min3A_593 = vector.broadcast %min3A_592 : i32 to vector<16xi32>
          %min3A_594 = arith.minsi %add3A_591, %min3A_593 : vector<16xi32>
          %mul3A_595 = arith.constant 32 : i32
          %mul3A_596 = vector.broadcast %mul3A_595 : i32 to vector<16xi32>
          %mul3A_597 = arith.muli %min3A_574, %mul3A_596 : vector<16xi32>
          %add3A_598 = arith.addi %mul3A_152, %mul3A_597 : vector<16xi32>
          %mul3A_599 = arith.constant 32 : i32
          %mul3A_600 = vector.broadcast %mul3A_599 : i32 to vector<16xi32>
          %mul3A_601 = arith.muli %min3A_588, %mul3A_600 : vector<16xi32>
          %add3A_602 = arith.addi %mul3A_152, %mul3A_601 : vector<16xi32>
          %add3A_603 = arith.addi %add3A_598, %min3A_578 : vector<16xi32>
          %add3A_604 = arith.addi %add3A_598, %min3A_594 : vector<16xi32>
          %add3A_605 = arith.addi %add3A_602, %min3A_578 : vector<16xi32>
          %add3A_606 = arith.addi %add3A_602, %min3A_594 : vector<16xi32>
          %mul3A_607 = arith.mulf %sub3A_580, %sub3A_582 : vector<16xf32>
          %sub3A_608 = arith.subf %sub3A_580, %mul3A_607 : vector<16xf32>
          %sub3A_609 = arith.subf %sub3A_582, %mul3A_607 : vector<16xf32>
          %sub3A_610 = arith.constant 1.000000e+00 : f32
          %sub3A_611 = vector.broadcast %sub3A_610 : f32 to vector<16xf32>
          %sub3A_612 = arith.subf %sub3A_611, %sub3A_580 : vector<16xf32>
          %sub3A_613 = arith.subf %sub3A_612, %sub3A_609 : vector<16xf32>
          %gather3A_614 = arith.constant 0 : i32
          %gather3A_615 = tpu.memref_slice %arg5[%scan3A_35, %gather3A_614] : memref<12x4096xf32, #tpu.memory_space<vmem>> -> memref<1x4096xf32, #tpu.memory_space<vmem>>
          %gather3A_616 = tpu.memref_squeeze %gather3A_615 : memref<1x4096xf32, #tpu.memory_space<vmem>> -> memref<4096xf32, #tpu.memory_space<vmem>>
          %gather3A_617 = tpu.vector_load_idx %gather3A_616[%add3A_603] : memref<4096xf32, #tpu.memory_space<vmem>>[vector<16xi32>], vector<16xf32>,
          %gather3A_618 = arith.constant 0 : i32
          %gather3A_619 = tpu.memref_slice %arg5[%scan3A_35, %gather3A_618] : memref<12x4096xf32, #tpu.memory_space<vmem>> -> memref<1x4096xf32, #tpu.memory_space<vmem>>
          %gather3A_620 = tpu.memref_squeeze %gather3A_619 : memref<1x4096xf32, #tpu.memory_space<vmem>> -> memref<4096xf32, #tpu.memory_space<vmem>>
          %gather3A_621 = tpu.vector_load_idx %gather3A_620[%add3A_604] : memref<4096xf32, #tpu.memory_space<vmem>>[vector<16xi32>], vector<16xf32>,
          %gather3A_622 = arith.constant 0 : i32
          %gather3A_623 = tpu.memref_slice %arg5[%scan3A_35, %gather3A_622] : memref<12x4096xf32, #tpu.memory_space<vmem>> -> memref<1x4096xf32, #tpu.memory_space<vmem>>
          %gather3A_624 = tpu.memref_squeeze %gather3A_623 : memref<1x4096xf32, #tpu.memory_space<vmem>> -> memref<4096xf32, #tpu.memory_space<vmem>>
          %gather3A_625 = tpu.vector_load_idx %gather3A_624[%add3A_605] : memref<4096xf32, #tpu.memory_space<vmem>>[vector<16xi32>], vector<16xf32>,
          %gather3A_626 = arith.constant 0 : i32
          %gather3A_627 = tpu.memref_slice %arg5[%scan3A_35, %gather3A_626] : memref<12x4096xf32, #tpu.memory_space<vmem>> -> memref<1x4096xf32, #tpu.memory_space<vmem>>
          %gather3A_628 = tpu.memref_squeeze %gather3A_627 : memref<1x4096xf32, #tpu.memory_space<vmem>> -> memref<4096xf32, #tpu.memory_space<vmem>>
          %gather3A_629 = tpu.vector_load_idx %gather3A_628[%add3A_606] : memref<4096xf32, #tpu.memory_space<vmem>>[vector<16xi32>], vector<16xf32>,
          %gather3A_630 = arith.constant 0 : i32
          %gather3A_631 = tpu.memref_slice %arg5[%scan3A_36, %gather3A_630] : memref<12x4096xf32, #tpu.memory_space<vmem>> -> memref<1x4096xf32, #tpu.memory_space<vmem>>
          %gather3A_632 = tpu.memref_squeeze %gather3A_631 : memref<1x4096xf32, #tpu.memory_space<vmem>> -> memref<4096xf32, #tpu.memory_space<vmem>>
          %gather3A_633 = tpu.vector_load_idx %gather3A_632[%add3A_603] : memref<4096xf32, #tpu.memory_space<vmem>>[vector<16xi32>], vector<16xf32>,
          %gather3A_634 = arith.constant 0 : i32
          %gather3A_635 = tpu.memref_slice %arg5[%scan3A_36, %gather3A_634] : memref<12x4096xf32, #tpu.memory_space<vmem>> -> memref<1x4096xf32, #tpu.memory_space<vmem>>
          %gather3A_636 = tpu.memref_squeeze %gather3A_635 : memref<1x4096xf32, #tpu.memory_space<vmem>> -> memref<4096xf32, #tpu.memory_space<vmem>>
          %gather3A_637 = tpu.vector_load_idx %gather3A_636[%add3A_604] : memref<4096xf32, #tpu.memory_space<vmem>>[vector<16xi32>], vector<16xf32>,
          %gather3A_638 = arith.constant 0 : i32
          %gather3A_639 = tpu.memref_slice %arg5[%scan3A_36, %gather3A_638] : memref<12x4096xf32, #tpu.memory_space<vmem>> -> memref<1x4096xf32, #tpu.memory_space<vmem>>
          %gather3A_640 = tpu.memref_squeeze %gather3A_639 : memref<1x4096xf32, #tpu.memory_space<vmem>> -> memref<4096xf32, #tpu.memory_space<vmem>>
          %gather3A_641 = tpu.vector_load_idx %gather3A_640[%add3A_605] : memref<4096xf32, #tpu.memory_space<vmem>>[vector<16xi32>], vector<16xf32>,
          %gather3A_642 = arith.constant 0 : i32
          %gather3A_643 = tpu.memref_slice %arg5[%scan3A_36, %gather3A_642] : memref<12x4096xf32, #tpu.memory_space<vmem>> -> memref<1x4096xf32, #tpu.memory_space<vmem>>
          %gather3A_644 = tpu.memref_squeeze %gather3A_643 : memref<1x4096xf32, #tpu.memory_space<vmem>> -> memref<4096xf32, #tpu.memory_space<vmem>>
          %gather3A_645 = tpu.vector_load_idx %gather3A_644[%add3A_606] : memref<4096xf32, #tpu.memory_space<vmem>>[vector<16xi32>], vector<16xf32>,
          %gather3A_646 = arith.constant 0 : i32
          %gather3A_647 = tpu.memref_slice %arg5[%scan3A_37, %gather3A_646] : memref<12x4096xf32, #tpu.memory_space<vmem>> -> memref<1x4096xf32, #tpu.memory_space<vmem>>
          %gather3A_648 = tpu.memref_squeeze %gather3A_647 : memref<1x4096xf32, #tpu.memory_space<vmem>> -> memref<4096xf32, #tpu.memory_space<vmem>>
          %gather3A_649 = tpu.vector_load_idx %gather3A_648[%add3A_603] : memref<4096xf32, #tpu.memory_space<vmem>>[vector<16xi32>], vector<16xf32>,
          %gather3A_650 = arith.constant 0 : i32
          %gather3A_651 = tpu.memref_slice %arg5[%scan3A_37, %gather3A_650] : memref<12x4096xf32, #tpu.memory_space<vmem>> -> memref<1x4096xf32, #tpu.memory_space<vmem>>
          %gather3A_652 = tpu.memref_squeeze %gather3A_651 : memref<1x4096xf32, #tpu.memory_space<vmem>> -> memref<4096xf32, #tpu.memory_space<vmem>>
          %gather3A_653 = tpu.vector_load_idx %gather3A_652[%add3A_604] : memref<4096xf32, #tpu.memory_space<vmem>>[vector<16xi32>], vector<16xf32>,
          %gather3A_654 = arith.constant 0 : i32
          %gather3A_655 = tpu.memref_slice %arg5[%scan3A_37, %gather3A_654] : memref<12x4096xf32, #tpu.memory_space<vmem>> -> memref<1x4096xf32, #tpu.memory_space<vmem>>
          %gather3A_656 = tpu.memref_squeeze %gather3A_655 : memref<1x4096xf32, #tpu.memory_space<vmem>> -> memref<4096xf32, #tpu.memory_space<vmem>>
          %gather3A_657 = tpu.vector_load_idx %gather3A_656[%add3A_605] : memref<4096xf32, #tpu.memory_space<vmem>>[vector<16xi32>], vector<16xf32>,
          %gather3A_658 = arith.constant 0 : i32
          %gather3A_659 = tpu.memref_slice %arg5[%scan3A_37, %gather3A_658] : memref<12x4096xf32, #tpu.memory_space<vmem>> -> memref<1x4096xf32, #tpu.memory_space<vmem>>
          %gather3A_660 = tpu.memref_squeeze %gather3A_659 : memref<1x4096xf32, #tpu.memory_space<vmem>> -> memref<4096xf32, #tpu.memory_space<vmem>>
          %gather3A_661 = tpu.vector_load_idx %gather3A_660[%add3A_606] : memref<4096xf32, #tpu.memory_space<vmem>>[vector<16xi32>], vector<16xf32>,
          %gather3A_662 = arith.constant 0 : i32
          %gather3A_663 = tpu.memref_slice %arg5[%scan3A_38, %gather3A_662] : memref<12x4096xf32, #tpu.memory_space<vmem>> -> memref<1x4096xf32, #tpu.memory_space<vmem>>
          %gather3A_664 = tpu.memref_squeeze %gather3A_663 : memref<1x4096xf32, #tpu.memory_space<vmem>> -> memref<4096xf32, #tpu.memory_space<vmem>>
          %gather3A_665 = tpu.vector_load_idx %gather3A_664[%add3A_603] : memref<4096xf32, #tpu.memory_space<vmem>>[vector<16xi32>], vector<16xf32>,
          %gather3A_666 = arith.constant 0 : i32
          %gather3A_667 = tpu.memref_slice %arg5[%scan3A_38, %gather3A_666] : memref<12x4096xf32, #tpu.memory_space<vmem>> -> memref<1x4096xf32, #tpu.memory_space<vmem>>
          %gather3A_668 = tpu.memref_squeeze %gather3A_667 : memref<1x4096xf32, #tpu.memory_space<vmem>> -> memref<4096xf32, #tpu.memory_space<vmem>>
          %gather3A_669 = tpu.vector_load_idx %gather3A_668[%add3A_604] : memref<4096xf32, #tpu.memory_space<vmem>>[vector<16xi32>], vector<16xf32>,
          %gather3A_670 = arith.constant 0 : i32
          %gather3A_671 = tpu.memref_slice %arg5[%scan3A_38, %gather3A_670] : memref<12x4096xf32, #tpu.memory_space<vmem>> -> memref<1x4096xf32, #tpu.memory_space<vmem>>
          %gather3A_672 = tpu.memref_squeeze %gather3A_671 : memref<1x4096xf32, #tpu.memory_space<vmem>> -> memref<4096xf32, #tpu.memory_space<vmem>>
          %gather3A_673 = tpu.vector_load_idx %gather3A_672[%add3A_605] : memref<4096xf32, #tpu.memory_space<vmem>>[vector<16xi32>], vector<16xf32>,
          %gather3A_674 = arith.constant 0 : i32
          %gather3A_675 = tpu.memref_slice %arg5[%scan3A_38, %gather3A_674] : memref<12x4096xf32, #tpu.memory_space<vmem>> -> memref<1x4096xf32, #tpu.memory_space<vmem>>
          %gather3A_676 = tpu.memref_squeeze %gather3A_675 : memref<1x4096xf32, #tpu.memory_space<vmem>> -> memref<4096xf32, #tpu.memory_space<vmem>>
          %gather3A_677 = tpu.vector_load_idx %gather3A_676[%add3A_606] : memref<4096xf32, #tpu.memory_space<vmem>>[vector<16xi32>], vector<16xf32>,
          %gather3A_678 = arith.constant 0 : i32
          %gather3A_679 = tpu.memref_slice %arg5[%scan3A_39, %gather3A_678] : memref<12x4096xf32, #tpu.memory_space<vmem>> -> memref<1x4096xf32, #tpu.memory_space<vmem>>
          %gather3A_680 = tpu.memref_squeeze %gather3A_679 : memref<1x4096xf32, #tpu.memory_space<vmem>> -> memref<4096xf32, #tpu.memory_space<vmem>>
          %gather3A_681 = tpu.vector_load_idx %gather3A_680[%add3A_603] : memref<4096xf32, #tpu.memory_space<vmem>>[vector<16xi32>], vector<16xf32>,
          %gather3A_682 = arith.constant 0 : i32
          %gather3A_683 = tpu.memref_slice %arg5[%scan3A_39, %gather3A_682] : memref<12x4096xf32, #tpu.memory_space<vmem>> -> memref<1x4096xf32, #tpu.memory_space<vmem>>
          %gather3A_684 = tpu.memref_squeeze %gather3A_683 : memref<1x4096xf32, #tpu.memory_space<vmem>> -> memref<4096xf32, #tpu.memory_space<vmem>>
          %gather3A_685 = tpu.vector_load_idx %gather3A_684[%add3A_604] : memref<4096xf32, #tpu.memory_space<vmem>>[vector<16xi32>], vector<16xf32>,
          %gather3A_686 = arith.constant 0 : i32
          %gather3A_687 = tpu.memref_slice %arg5[%scan3A_39, %gather3A_686] : memref<12x4096xf32, #tpu.memory_space<vmem>> -> memref<1x4096xf32, #tpu.memory_space<vmem>>
          %gather3A_688 = tpu.memref_squeeze %gather3A_687 : memref<1x4096xf32, #tpu.memory_space<vmem>> -> memref<4096xf32, #tpu.memory_space<vmem>>
          %gather3A_689 = tpu.vector_load_idx %gather3A_688[%add3A_605] : memref<4096xf32, #tpu.memory_space<vmem>>[vector<16xi32>], vector<16xf32>,
          %gather3A_690 = arith.constant 0 : i32
          %gather3A_691 = tpu.memref_slice %arg5[%scan3A_39, %gather3A_690] : memref<12x4096xf32, #tpu.memory_space<vmem>> -> memref<1x4096xf32, #tpu.memory_space<vmem>>
          %gather3A_692 = tpu.memref_squeeze %gather3A_691 : memref<1x4096xf32, #tpu.memory_space<vmem>> -> memref<4096xf32, #tpu.memory_space<vmem>>
          %gather3A_693 = tpu.vector_load_idx %gather3A_692[%add3A_606] : memref<4096xf32, #tpu.memory_space<vmem>>[vector<16xi32>], vector<16xf32>,
          %gather3A_694 = arith.constant 0 : i32
          %gather3A_695 = tpu.memref_slice %arg5[%scan3A_40, %gather3A_694] : memref<12x4096xf32, #tpu.memory_space<vmem>> -> memref<1x4096xf32, #tpu.memory_space<vmem>>
          %gather3A_696 = tpu.memref_squeeze %gather3A_695 : memref<1x4096xf32, #tpu.memory_space<vmem>> -> memref<4096xf32, #tpu.memory_space<vmem>>
          %gather3A_697 = tpu.vector_load_idx %gather3A_696[%add3A_603] : memref<4096xf32, #tpu.memory_space<vmem>>[vector<16xi32>], vector<16xf32>,
          %gather3A_698 = arith.constant 0 : i32
          %gather3A_699 = tpu.memref_slice %arg5[%scan3A_40, %gather3A_698] : memref<12x4096xf32, #tpu.memory_space<vmem>> -> memref<1x4096xf32, #tpu.memory_space<vmem>>
          %gather3A_700 = tpu.memref_squeeze %gather3A_699 : memref<1x4096xf32, #tpu.memory_space<vmem>> -> memref<4096xf32, #tpu.memory_space<vmem>>
          %gather3A_701 = tpu.vector_load_idx %gather3A_700[%add3A_604] : memref<4096xf32, #tpu.memory_space<vmem>>[vector<16xi32>], vector<16xf32>,
          %gather3A_702 = arith.constant 0 : i32
          %gather3A_703 = tpu.memref_slice %arg5[%scan3A_40, %gather3A_702] : memref<12x4096xf32, #tpu.memory_space<vmem>> -> memref<1x4096xf32, #tpu.memory_space<vmem>>
          %gather3A_704 = tpu.memref_squeeze %gather3A_703 : memref<1x4096xf32, #tpu.memory_space<vmem>> -> memref<4096xf32, #tpu.memory_space<vmem>>
          %gather3A_705 = tpu.vector_load_idx %gather3A_704[%add3A_605] : memref<4096xf32, #tpu.memory_space<vmem>>[vector<16xi32>], vector<16xf32>,
          %gather3A_706 = arith.constant 0 : i32
          %gather3A_707 = tpu.memref_slice %arg5[%scan3A_40, %gather3A_706] : memref<12x4096xf32, #tpu.memory_space<vmem>> -> memref<1x4096xf32, #tpu.memory_space<vmem>>
          %gather3A_708 = tpu.memref_squeeze %gather3A_707 : memref<1x4096xf32, #tpu.memory_space<vmem>> -> memref<4096xf32, #tpu.memory_space<vmem>>
          %gather3A_709 = tpu.vector_load_idx %gather3A_708[%add3A_606] : memref<4096xf32, #tpu.memory_space<vmem>>[vector<16xi32>], vector<16xf32>,
          %gather3A_710 = arith.constant 0 : i32
          %gather3A_711 = tpu.memref_slice %arg5[%scan3A_41, %gather3A_710] : memref<12x4096xf32, #tpu.memory_space<vmem>> -> memref<1x4096xf32, #tpu.memory_space<vmem>>
          %gather3A_712 = tpu.memref_squeeze %gather3A_711 : memref<1x4096xf32, #tpu.memory_space<vmem>> -> memref<4096xf32, #tpu.memory_space<vmem>>
          %gather3A_713 = tpu.vector_load_idx %gather3A_712[%add3A_603] : memref<4096xf32, #tpu.memory_space<vmem>>[vector<16xi32>], vector<16xf32>,
          %gather3A_714 = arith.constant 0 : i32
          %gather3A_715 = tpu.memref_slice %arg5[%scan3A_41, %gather3A_714] : memref<12x4096xf32, #tpu.memory_space<vmem>> -> memref<1x4096xf32, #tpu.memory_space<vmem>>
          %gather3A_716 = tpu.memref_squeeze %gather3A_715 : memref<1x4096xf32, #tpu.memory_space<vmem>> -> memref<4096xf32, #tpu.memory_space<vmem>>
          %gather3A_717 = tpu.vector_load_idx %gather3A_716[%add3A_604] : memref<4096xf32, #tpu.memory_space<vmem>>[vector<16xi32>], vector<16xf32>,
          %gather3A_718 = arith.constant 0 : i32
          %gather3A_719 = tpu.memref_slice %arg5[%scan3A_41, %gather3A_718] : memref<12x4096xf32, #tpu.memory_space<vmem>> -> memref<1x4096xf32, #tpu.memory_space<vmem>>
          %gather3A_720 = tpu.memref_squeeze %gather3A_719 : memref<1x4096xf32, #tpu.memory_space<vmem>> -> memref<4096xf32, #tpu.memory_space<vmem>>
          %gather3A_721 = tpu.vector_load_idx %gather3A_720[%add3A_605] : memref<4096xf32, #tpu.memory_space<vmem>>[vector<16xi32>], vector<16xf32>,
          %gather3A_722 = arith.constant 0 : i32
          %gather3A_723 = tpu.memref_slice %arg5[%scan3A_41, %gather3A_722] : memref<12x4096xf32, #tpu.memory_space<vmem>> -> memref<1x4096xf32, #tpu.memory_space<vmem>>
          %gather3A_724 = tpu.memref_squeeze %gather3A_723 : memref<1x4096xf32, #tpu.memory_space<vmem>> -> memref<4096xf32, #tpu.memory_space<vmem>>
          %gather3A_725 = tpu.vector_load_idx %gather3A_724[%add3A_606] : memref<4096xf32, #tpu.memory_space<vmem>>[vector<16xi32>], vector<16xf32>,
          %gather3A_726 = arith.constant 0 : i32
          %gather3A_727 = tpu.memref_slice %arg5[%scan3A_42, %gather3A_726] : memref<12x4096xf32, #tpu.memory_space<vmem>> -> memref<1x4096xf32, #tpu.memory_space<vmem>>
          %gather3A_728 = tpu.memref_squeeze %gather3A_727 : memref<1x4096xf32, #tpu.memory_space<vmem>> -> memref<4096xf32, #tpu.memory_space<vmem>>
          %gather3A_729 = tpu.vector_load_idx %gather3A_728[%add3A_603] : memref<4096xf32, #tpu.memory_space<vmem>>[vector<16xi32>], vector<16xf32>,
          %gather3A_730 = arith.constant 0 : i32
          %gather3A_731 = tpu.memref_slice %arg5[%scan3A_42, %gather3A_730] : memref<12x4096xf32, #tpu.memory_space<vmem>> -> memref<1x4096xf32, #tpu.memory_space<vmem>>
          %gather3A_732 = tpu.memref_squeeze %gather3A_731 : memref<1x4096xf32, #tpu.memory_space<vmem>> -> memref<4096xf32, #tpu.memory_space<vmem>>
          %gather3A_733 = tpu.vector_load_idx %gather3A_732[%add3A_604] : memref<4096xf32, #tpu.memory_space<vmem>>[vector<16xi32>], vector<16xf32>,
          %gather3A_734 = arith.constant 0 : i32
          %gather3A_735 = tpu.memref_slice %arg5[%scan3A_42, %gather3A_734] : memref<12x4096xf32, #tpu.memory_space<vmem>> -> memref<1x4096xf32, #tpu.memory_space<vmem>>
          %gather3A_736 = tpu.memref_squeeze %gather3A_735 : memref<1x4096xf32, #tpu.memory_space<vmem>> -> memref<4096xf32, #tpu.memory_space<vmem>>
          %gather3A_737 = tpu.vector_load_idx %gather3A_736[%add3A_605] : memref<4096xf32, #tpu.memory_space<vmem>>[vector<16xi32>], vector<16xf32>,
          %gather3A_738 = arith.constant 0 : i32
          %gather3A_739 = tpu.memref_slice %arg5[%scan3A_42, %gather3A_738] : memref<12x4096xf32, #tpu.memory_space<vmem>> -> memref<1x4096xf32, #tpu.memory_space<vmem>>
          %gather3A_740 = tpu.memref_squeeze %gather3A_739 : memref<1x4096xf32, #tpu.memory_space<vmem>> -> memref<4096xf32, #tpu.memory_space<vmem>>
          %gather3A_741 = tpu.vector_load_idx %gather3A_740[%add3A_606] : memref<4096xf32, #tpu.memory_space<vmem>>[vector<16xi32>], vector<16xf32>,
          %gather3A_742 = arith.constant 0 : i32
          %gather3A_743 = tpu.memref_slice %arg5[%scan3A_43, %gather3A_742] : memref<12x4096xf32, #tpu.memory_space<vmem>> -> memref<1x4096xf32, #tpu.memory_space<vmem>>
          %gather3A_744 = tpu.memref_squeeze %gather3A_743 : memref<1x4096xf32, #tpu.memory_space<vmem>> -> memref<4096xf32, #tpu.memory_space<vmem>>
          %gather3A_745 = tpu.vector_load_idx %gather3A_744[%add3A_603] : memref<4096xf32, #tpu.memory_space<vmem>>[vector<16xi32>], vector<16xf32>,
          %gather3A_746 = arith.constant 0 : i32
          %gather3A_747 = tpu.memref_slice %arg5[%scan3A_43, %gather3A_746] : memref<12x4096xf32, #tpu.memory_space<vmem>> -> memref<1x4096xf32, #tpu.memory_space<vmem>>
          %gather3A_748 = tpu.memref_squeeze %gather3A_747 : memref<1x4096xf32, #tpu.memory_space<vmem>> -> memref<4096xf32, #tpu.memory_space<vmem>>
          %gather3A_749 = tpu.vector_load_idx %gather3A_748[%add3A_604] : memref<4096xf32, #tpu.memory_space<vmem>>[vector<16xi32>], vector<16xf32>,
          %gather3A_750 = arith.constant 0 : i32
          %gather3A_751 = tpu.memref_slice %arg5[%scan3A_43, %gather3A_750] : memref<12x4096xf32, #tpu.memory_space<vmem>> -> memref<1x4096xf32, #tpu.memory_space<vmem>>
          %gather3A_752 = tpu.memref_squeeze %gather3A_751 : memref<1x4096xf32, #tpu.memory_space<vmem>> -> memref<4096xf32, #tpu.memory_space<vmem>>
          %gather3A_753 = tpu.vector_load_idx %gather3A_752[%add3A_605] : memref<4096xf32, #tpu.memory_space<vmem>>[vector<16xi32>], vector<16xf32>,
          %gather3A_754 = arith.constant 0 : i32
          %gather3A_755 = tpu.memref_slice %arg5[%scan3A_43, %gather3A_754] : memref<12x4096xf32, #tpu.memory_space<vmem>> -> memref<1x4096xf32, #tpu.memory_space<vmem>>
          %gather3A_756 = tpu.memref_squeeze %gather3A_755 : memref<1x4096xf32, #tpu.memory_space<vmem>> -> memref<4096xf32, #tpu.memory_space<vmem>>
          %gather3A_757 = tpu.vector_load_idx %gather3A_756[%add3A_606] : memref<4096xf32, #tpu.memory_space<vmem>>[vector<16xi32>], vector<16xf32>,
          %gather3A_758 = arith.constant 0 : i32
          %gather3A_759 = tpu.memref_slice %arg5[%scan3A_44, %gather3A_758] : memref<12x4096xf32, #tpu.memory_space<vmem>> -> memref<1x4096xf32, #tpu.memory_space<vmem>>
          %gather3A_760 = tpu.memref_squeeze %gather3A_759 : memref<1x4096xf32, #tpu.memory_space<vmem>> -> memref<4096xf32, #tpu.memory_space<vmem>>
          %gather3A_761 = tpu.vector_load_idx %gather3A_760[%add3A_603] : memref<4096xf32, #tpu.memory_space<vmem>>[vector<16xi32>], vector<16xf32>,
          %gather3A_762 = arith.constant 0 : i32
          %gather3A_763 = tpu.memref_slice %arg5[%scan3A_44, %gather3A_762] : memref<12x4096xf32, #tpu.memory_space<vmem>> -> memref<1x4096xf32, #tpu.memory_space<vmem>>
          %gather3A_764 = tpu.memref_squeeze %gather3A_763 : memref<1x4096xf32, #tpu.memory_space<vmem>> -> memref<4096xf32, #tpu.memory_space<vmem>>
          %gather3A_765 = tpu.vector_load_idx %gather3A_764[%add3A_604] : memref<4096xf32, #tpu.memory_space<vmem>>[vector<16xi32>], vector<16xf32>,
          %gather3A_766 = arith.constant 0 : i32
          %gather3A_767 = tpu.memref_slice %arg5[%scan3A_44, %gather3A_766] : memref<12x4096xf32, #tpu.memory_space<vmem>> -> memref<1x4096xf32, #tpu.memory_space<vmem>>
          %gather3A_768 = tpu.memref_squeeze %gather3A_767 : memref<1x4096xf32, #tpu.memory_space<vmem>> -> memref<4096xf32, #tpu.memory_space<vmem>>
          %gather3A_769 = tpu.vector_load_idx %gather3A_768[%add3A_605] : memref<4096xf32, #tpu.memory_space<vmem>>[vector<16xi32>], vector<16xf32>,
          %gather3A_770 = arith.constant 0 : i32
          %gather3A_771 = tpu.memref_slice %arg5[%scan3A_44, %gather3A_770] : memref<12x4096xf32, #tpu.memory_space<vmem>> -> memref<1x4096xf32, #tpu.memory_space<vmem>>
          %gather3A_772 = tpu.memref_squeeze %gather3A_771 : memref<1x4096xf32, #tpu.memory_space<vmem>> -> memref<4096xf32, #tpu.memory_space<vmem>>
          %gather3A_773 = tpu.vector_load_idx %gather3A_772[%add3A_606] : memref<4096xf32, #tpu.memory_space<vmem>>[vector<16xi32>], vector<16xf32>,
          %gather3A_774 = arith.constant 0 : i32
          %gather3A_775 = tpu.memref_slice %arg5[%scan3A_45, %gather3A_774] : memref<12x4096xf32, #tpu.memory_space<vmem>> -> memref<1x4096xf32, #tpu.memory_space<vmem>>
          %gather3A_776 = tpu.memref_squeeze %gather3A_775 : memref<1x4096xf32, #tpu.memory_space<vmem>> -> memref<4096xf32, #tpu.memory_space<vmem>>
          %gather3A_777 = tpu.vector_load_idx %gather3A_776[%add3A_603] : memref<4096xf32, #tpu.memory_space<vmem>>[vector<16xi32>], vector<16xf32>,
          %gather3A_778 = arith.constant 0 : i32
          %gather3A_779 = tpu.memref_slice %arg5[%scan3A_45, %gather3A_778] : memref<12x4096xf32, #tpu.memory_space<vmem>> -> memref<1x4096xf32, #tpu.memory_space<vmem>>
          %gather3A_780 = tpu.memref_squeeze %gather3A_779 : memref<1x4096xf32, #tpu.memory_space<vmem>> -> memref<4096xf32, #tpu.memory_space<vmem>>
          %gather3A_781 = tpu.vector_load_idx %gather3A_780[%add3A_604] : memref<4096xf32, #tpu.memory_space<vmem>>[vector<16xi32>], vector<16xf32>,
          %gather3A_782 = arith.constant 0 : i32
          %gather3A_783 = tpu.memref_slice %arg5[%scan3A_45, %gather3A_782] : memref<12x4096xf32, #tpu.memory_space<vmem>> -> memref<1x4096xf32, #tpu.memory_space<vmem>>
          %gather3A_784 = tpu.memref_squeeze %gather3A_783 : memref<1x4096xf32, #tpu.memory_space<vmem>> -> memref<4096xf32, #tpu.memory_space<vmem>>
          %gather3A_785 = tpu.vector_load_idx %gather3A_784[%add3A_605] : memref<4096xf32, #tpu.memory_space<vmem>>[vector<16xi32>], vector<16xf32>,
          %gather3A_786 = arith.constant 0 : i32
          %gather3A_787 = tpu.memref_slice %arg5[%scan3A_45, %gather3A_786] : memref<12x4096xf32, #tpu.memory_space<vmem>> -> memref<1x4096xf32, #tpu.memory_space<vmem>>
          %gather3A_788 = tpu.memref_squeeze %gather3A_787 : memref<1x4096xf32, #tpu.memory_space<vmem>> -> memref<4096xf32, #tpu.memory_space<vmem>>
          %gather3A_789 = tpu.vector_load_idx %gather3A_788[%add3A_606] : memref<4096xf32, #tpu.memory_space<vmem>>[vector<16xi32>], vector<16xf32>,
          %gather3A_790 = arith.constant 0 : i32
          %gather3A_791 = tpu.memref_slice %arg5[%scan3A_46, %gather3A_790] : memref<12x4096xf32, #tpu.memory_space<vmem>> -> memref<1x4096xf32, #tpu.memory_space<vmem>>
          %gather3A_792 = tpu.memref_squeeze %gather3A_791 : memref<1x4096xf32, #tpu.memory_space<vmem>> -> memref<4096xf32, #tpu.memory_space<vmem>>
          %gather3A_793 = tpu.vector_load_idx %gather3A_792[%add3A_603] : memref<4096xf32, #tpu.memory_space<vmem>>[vector<16xi32>], vector<16xf32>,
          %gather3A_794 = arith.constant 0 : i32
          %gather3A_795 = tpu.memref_slice %arg5[%scan3A_46, %gather3A_794] : memref<12x4096xf32, #tpu.memory_space<vmem>> -> memref<1x4096xf32, #tpu.memory_space<vmem>>
          %gather3A_796 = tpu.memref_squeeze %gather3A_795 : memref<1x4096xf32, #tpu.memory_space<vmem>> -> memref<4096xf32, #tpu.memory_space<vmem>>
          %gather3A_797 = tpu.vector_load_idx %gather3A_796[%add3A_604] : memref<4096xf32, #tpu.memory_space<vmem>>[vector<16xi32>], vector<16xf32>,
          %gather3A_798 = arith.constant 0 : i32
          %gather3A_799 = tpu.memref_slice %arg5[%scan3A_46, %gather3A_798] : memref<12x4096xf32, #tpu.memory_space<vmem>> -> memref<1x4096xf32, #tpu.memory_space<vmem>>
          %gather3A_800 = tpu.memref_squeeze %gather3A_799 : memref<1x4096xf32, #tpu.memory_space<vmem>> -> memref<4096xf32, #tpu.memory_space<vmem>>
          %gather3A_801 = tpu.vector_load_idx %gather3A_800[%add3A_605] : memref<4096xf32, #tpu.memory_space<vmem>>[vector<16xi32>], vector<16xf32>,
          %gather3A_802 = arith.constant 0 : i32
          %gather3A_803 = tpu.memref_slice %arg5[%scan3A_46, %gather3A_802] : memref<12x4096xf32, #tpu.memory_space<vmem>> -> memref<1x4096xf32, #tpu.memory_space<vmem>>
          %gather3A_804 = tpu.memref_squeeze %gather3A_803 : memref<1x4096xf32, #tpu.memory_space<vmem>> -> memref<4096xf32, #tpu.memory_space<vmem>>
          %gather3A_805 = tpu.vector_load_idx %gather3A_804[%add3A_606] : memref<4096xf32, #tpu.memory_space<vmem>>[vector<16xi32>], vector<16xf32>,
          %mul3A_806 = arith.mulf %sub3A_613, %gather3A_617 : vector<16xf32>
          %mul3A_807 = arith.mulf %sub3A_609, %gather3A_621 : vector<16xf32>
          %add3A_808 = arith.addf %mul3A_806, %mul3A_807 : vector<16xf32>
          %mul3A_809 = arith.mulf %sub3A_608, %gather3A_625 : vector<16xf32>
          %mul3A_810 = arith.mulf %mul3A_607, %gather3A_629 : vector<16xf32>
          %add3A_811 = arith.addf %mul3A_809, %mul3A_810 : vector<16xf32>
          %add3A_812 = arith.addf %add3A_808, %add3A_811 : vector<16xf32>
          %swap3A = arith.constant 0 : i32
          %swap3A_813 = arith.index_cast %select_n3A_102 : i32 to index
          %swap3A_814 = arith.index_cast %scan3A_128 : i32 to index
          %swap3A_815 = arith.index_cast %swap3A : i32 to index
          %swap3A_816 = arith.index_cast %mul3A_554 : i32 to index
          %swap3A_817 = tpu.vector_load %arg8[%swap3A_813, %swap3A_814, %swap3A_815, %swap3A_816] {strides = array<i32>} : memref<2x4x12x256xf32, #tpu.memory_space<vmem>>, vector<16xf32>,
          tpu.vector_store %arg8[%swap3A_813, %swap3A_814, %swap3A_815, %swap3A_816], %add3A_812 {strides = array<i32>} : memref<2x4x12x256xf32, #tpu.memory_space<vmem>>, vector<16xf32>,
          %mul3A_818 = arith.mulf %sub3A_613, %gather3A_633 : vector<16xf32>
          %mul3A_819 = arith.mulf %sub3A_609, %gather3A_637 : vector<16xf32>
          %add3A_820 = arith.addf %mul3A_818, %mul3A_819 : vector<16xf32>
          %mul3A_821 = arith.mulf %sub3A_608, %gather3A_641 : vector<16xf32>
          %mul3A_822 = arith.mulf %mul3A_607, %gather3A_645 : vector<16xf32>
          %add3A_823 = arith.addf %mul3A_821, %mul3A_822 : vector<16xf32>
          %add3A_824 = arith.addf %add3A_820, %add3A_823 : vector<16xf32>
          %swap3A_825 = arith.constant 1 : i32
          %swap3A_826 = arith.index_cast %select_n3A_102 : i32 to index
          %swap3A_827 = arith.index_cast %scan3A_128 : i32 to index
          %swap3A_828 = arith.index_cast %swap3A_825 : i32 to index
          %swap3A_829 = arith.index_cast %mul3A_554 : i32 to index
          %swap3A_830 = tpu.vector_load %arg8[%swap3A_826, %swap3A_827, %swap3A_828, %swap3A_829] {strides = array<i32>} : memref<2x4x12x256xf32, #tpu.memory_space<vmem>>, vector<16xf32>,
          tpu.vector_store %arg8[%swap3A_826, %swap3A_827, %swap3A_828, %swap3A_829], %add3A_824 {strides = array<i32>} : memref<2x4x12x256xf32, #tpu.memory_space<vmem>>, vector<16xf32>,
          %mul3A_831 = arith.mulf %sub3A_613, %gather3A_649 : vector<16xf32>
          %mul3A_832 = arith.mulf %sub3A_609, %gather3A_653 : vector<16xf32>
          %add3A_833 = arith.addf %mul3A_831, %mul3A_832 : vector<16xf32>
          %mul3A_834 = arith.mulf %sub3A_608, %gather3A_657 : vector<16xf32>
          %mul3A_835 = arith.mulf %mul3A_607, %gather3A_661 : vector<16xf32>
          %add3A_836 = arith.addf %mul3A_834, %mul3A_835 : vector<16xf32>
          %add3A_837 = arith.addf %add3A_833, %add3A_836 : vector<16xf32>
          %swap3A_838 = arith.constant 2 : i32
          %swap3A_839 = arith.index_cast %select_n3A_102 : i32 to index
          %swap3A_840 = arith.index_cast %scan3A_128 : i32 to index
          %swap3A_841 = arith.index_cast %swap3A_838 : i32 to index
          %swap3A_842 = arith.index_cast %mul3A_554 : i32 to index
          %swap3A_843 = tpu.vector_load %arg8[%swap3A_839, %swap3A_840, %swap3A_841, %swap3A_842] {strides = array<i32>} : memref<2x4x12x256xf32, #tpu.memory_space<vmem>>, vector<16xf32>,
          tpu.vector_store %arg8[%swap3A_839, %swap3A_840, %swap3A_841, %swap3A_842], %add3A_837 {strides = array<i32>} : memref<2x4x12x256xf32, #tpu.memory_space<vmem>>, vector<16xf32>,
          %mul3A_844 = arith.mulf %sub3A_613, %gather3A_665 : vector<16xf32>
          %mul3A_845 = arith.mulf %sub3A_609, %gather3A_669 : vector<16xf32>
          %add3A_846 = arith.addf %mul3A_844, %mul3A_845 : vector<16xf32>
          %mul3A_847 = arith.mulf %sub3A_608, %gather3A_673 : vector<16xf32>
          %mul3A_848 = arith.mulf %mul3A_607, %gather3A_677 : vector<16xf32>
          %add3A_849 = arith.addf %mul3A_847, %mul3A_848 : vector<16xf32>
          %add3A_850 = arith.addf %add3A_846, %add3A_849 : vector<16xf32>
          %swap3A_851 = arith.constant 3 : i32
          %swap3A_852 = arith.index_cast %select_n3A_102 : i32 to index
          %swap3A_853 = arith.index_cast %scan3A_128 : i32 to index
          %swap3A_854 = arith.index_cast %swap3A_851 : i32 to index
          %swap3A_855 = arith.index_cast %mul3A_554 : i32 to index
          %swap3A_856 = tpu.vector_load %arg8[%swap3A_852, %swap3A_853, %swap3A_854, %swap3A_855] {strides = array<i32>} : memref<2x4x12x256xf32, #tpu.memory_space<vmem>>, vector<16xf32>,
          tpu.vector_store %arg8[%swap3A_852, %swap3A_853, %swap3A_854, %swap3A_855], %add3A_850 {strides = array<i32>} : memref<2x4x12x256xf32, #tpu.memory_space<vmem>>, vector<16xf32>,
          %mul3A_857 = arith.mulf %sub3A_613, %gather3A_681 : vector<16xf32>
          %mul3A_858 = arith.mulf %sub3A_609, %gather3A_685 : vector<16xf32>
          %add3A_859 = arith.addf %mul3A_857, %mul3A_858 : vector<16xf32>
          %mul3A_860 = arith.mulf %sub3A_608, %gather3A_689 : vector<16xf32>
          %mul3A_861 = arith.mulf %mul3A_607, %gather3A_693 : vector<16xf32>
          %add3A_862 = arith.addf %mul3A_860, %mul3A_861 : vector<16xf32>
          %add3A_863 = arith.addf %add3A_859, %add3A_862 : vector<16xf32>
          %swap3A_864 = arith.constant 4 : i32
          %swap3A_865 = arith.index_cast %select_n3A_102 : i32 to index
          %swap3A_866 = arith.index_cast %scan3A_128 : i32 to index
          %swap3A_867 = arith.index_cast %swap3A_864 : i32 to index
          %swap3A_868 = arith.index_cast %mul3A_554 : i32 to index
          %swap3A_869 = tpu.vector_load %arg8[%swap3A_865, %swap3A_866, %swap3A_867, %swap3A_868] {strides = array<i32>} : memref<2x4x12x256xf32, #tpu.memory_space<vmem>>, vector<16xf32>,
          tpu.vector_store %arg8[%swap3A_865, %swap3A_866, %swap3A_867, %swap3A_868], %add3A_863 {strides = array<i32>} : memref<2x4x12x256xf32, #tpu.memory_space<vmem>>, vector<16xf32>,
          %mul3A_870 = arith.mulf %sub3A_613, %gather3A_697 : vector<16xf32>
          %mul3A_871 = arith.mulf %sub3A_609, %gather3A_701 : vector<16xf32>
          %add3A_872 = arith.addf %mul3A_870, %mul3A_871 : vector<16xf32>
          %mul3A_873 = arith.mulf %sub3A_608, %gather3A_705 : vector<16xf32>
          %mul3A_874 = arith.mulf %mul3A_607, %gather3A_709 : vector<16xf32>
          %add3A_875 = arith.addf %mul3A_873, %mul3A_874 : vector<16xf32>
          %add3A_876 = arith.addf %add3A_872, %add3A_875 : vector<16xf32>
          %swap3A_877 = arith.constant 5 : i32
          %swap3A_878 = arith.index_cast %select_n3A_102 : i32 to index
          %swap3A_879 = arith.index_cast %scan3A_128 : i32 to index
          %swap3A_880 = arith.index_cast %swap3A_877 : i32 to index
          %swap3A_881 = arith.index_cast %mul3A_554 : i32 to index
          %swap3A_882 = tpu.vector_load %arg8[%swap3A_878, %swap3A_879, %swap3A_880, %swap3A_881] {strides = array<i32>} : memref<2x4x12x256xf32, #tpu.memory_space<vmem>>, vector<16xf32>,
          tpu.vector_store %arg8[%swap3A_878, %swap3A_879, %swap3A_880, %swap3A_881], %add3A_876 {strides = array<i32>} : memref<2x4x12x256xf32, #tpu.memory_space<vmem>>, vector<16xf32>,
          %mul3A_883 = arith.mulf %sub3A_613, %gather3A_713 : vector<16xf32>
          %mul3A_884 = arith.mulf %sub3A_609, %gather3A_717 : vector<16xf32>
          %add3A_885 = arith.addf %mul3A_883, %mul3A_884 : vector<16xf32>
          %mul3A_886 = arith.mulf %sub3A_608, %gather3A_721 : vector<16xf32>
          %mul3A_887 = arith.mulf %mul3A_607, %gather3A_725 : vector<16xf32>
          %add3A_888 = arith.addf %mul3A_886, %mul3A_887 : vector<16xf32>
          %add3A_889 = arith.addf %add3A_885, %add3A_888 : vector<16xf32>
          %swap3A_890 = arith.constant 6 : i32
          %swap3A_891 = arith.index_cast %select_n3A_102 : i32 to index
          %swap3A_892 = arith.index_cast %scan3A_128 : i32 to index
          %swap3A_893 = arith.index_cast %swap3A_890 : i32 to index
          %swap3A_894 = arith.index_cast %mul3A_554 : i32 to index
          %swap3A_895 = tpu.vector_load %arg8[%swap3A_891, %swap3A_892, %swap3A_893, %swap3A_894] {strides = array<i32>} : memref<2x4x12x256xf32, #tpu.memory_space<vmem>>, vector<16xf32>,
          tpu.vector_store %arg8[%swap3A_891, %swap3A_892, %swap3A_893, %swap3A_894], %add3A_889 {strides = array<i32>} : memref<2x4x12x256xf32, #tpu.memory_space<vmem>>, vector<16xf32>,
          %mul3A_896 = arith.mulf %sub3A_613, %gather3A_729 : vector<16xf32>
          %mul3A_897 = arith.mulf %sub3A_609, %gather3A_733 : vector<16xf32>
          %add3A_898 = arith.addf %mul3A_896, %mul3A_897 : vector<16xf32>
          %mul3A_899 = arith.mulf %sub3A_608, %gather3A_737 : vector<16xf32>
          %mul3A_900 = arith.mulf %mul3A_607, %gather3A_741 : vector<16xf32>
          %add3A_901 = arith.addf %mul3A_899, %mul3A_900 : vector<16xf32>
          %add3A_902 = arith.addf %add3A_898, %add3A_901 : vector<16xf32>
          %swap3A_903 = arith.constant 7 : i32
          %swap3A_904 = arith.index_cast %select_n3A_102 : i32 to index
          %swap3A_905 = arith.index_cast %scan3A_128 : i32 to index
          %swap3A_906 = arith.index_cast %swap3A_903 : i32 to index
          %swap3A_907 = arith.index_cast %mul3A_554 : i32 to index
          %swap3A_908 = tpu.vector_load %arg8[%swap3A_904, %swap3A_905, %swap3A_906, %swap3A_907] {strides = array<i32>} : memref<2x4x12x256xf32, #tpu.memory_space<vmem>>, vector<16xf32>,
          tpu.vector_store %arg8[%swap3A_904, %swap3A_905, %swap3A_906, %swap3A_907], %add3A_902 {strides = array<i32>} : memref<2x4x12x256xf32, #tpu.memory_space<vmem>>, vector<16xf32>,
          %mul3A_909 = arith.mulf %sub3A_613, %gather3A_745 : vector<16xf32>
          %mul3A_910 = arith.mulf %sub3A_609, %gather3A_749 : vector<16xf32>
          %add3A_911 = arith.addf %mul3A_909, %mul3A_910 : vector<16xf32>
          %mul3A_912 = arith.mulf %sub3A_608, %gather3A_753 : vector<16xf32>
          %mul3A_913 = arith.mulf %mul3A_607, %gather3A_757 : vector<16xf32>
          %add3A_914 = arith.addf %mul3A_912, %mul3A_913 : vector<16xf32>
          %add3A_915 = arith.addf %add3A_911, %add3A_914 : vector<16xf32>
          %swap3A_916 = arith.constant 8 : i32
          %swap3A_917 = arith.index_cast %select_n3A_102 : i32 to index
          %swap3A_918 = arith.index_cast %scan3A_128 : i32 to index
          %swap3A_919 = arith.index_cast %swap3A_916 : i32 to index
          %swap3A_920 = arith.index_cast %mul3A_554 : i32 to index
          %swap3A_921 = tpu.vector_load %arg8[%swap3A_917, %swap3A_918, %swap3A_919, %swap3A_920] {strides = array<i32>} : memref<2x4x12x256xf32, #tpu.memory_space<vmem>>, vector<16xf32>,
          tpu.vector_store %arg8[%swap3A_917, %swap3A_918, %swap3A_919, %swap3A_920], %add3A_915 {strides = array<i32>} : memref<2x4x12x256xf32, #tpu.memory_space<vmem>>, vector<16xf32>,
          %mul3A_922 = arith.mulf %sub3A_613, %gather3A_761 : vector<16xf32>
          %mul3A_923 = arith.mulf %sub3A_609, %gather3A_765 : vector<16xf32>
          %add3A_924 = arith.addf %mul3A_922, %mul3A_923 : vector<16xf32>
          %mul3A_925 = arith.mulf %sub3A_608, %gather3A_769 : vector<16xf32>
          %mul3A_926 = arith.mulf %mul3A_607, %gather3A_773 : vector<16xf32>
          %add3A_927 = arith.addf %mul3A_925, %mul3A_926 : vector<16xf32>
          %add3A_928 = arith.addf %add3A_924, %add3A_927 : vector<16xf32>
          %swap3A_929 = arith.constant 9 : i32
          %swap3A_930 = arith.index_cast %select_n3A_102 : i32 to index
          %swap3A_931 = arith.index_cast %scan3A_128 : i32 to index
          %swap3A_932 = arith.index_cast %swap3A_929 : i32 to index
          %swap3A_933 = arith.index_cast %mul3A_554 : i32 to index
          %swap3A_934 = tpu.vector_load %arg8[%swap3A_930, %swap3A_931, %swap3A_932, %swap3A_933] {strides = array<i32>} : memref<2x4x12x256xf32, #tpu.memory_space<vmem>>, vector<16xf32>,
          tpu.vector_store %arg8[%swap3A_930, %swap3A_931, %swap3A_932, %swap3A_933], %add3A_928 {strides = array<i32>} : memref<2x4x12x256xf32, #tpu.memory_space<vmem>>, vector<16xf32>,
          %mul3A_935 = arith.mulf %sub3A_613, %gather3A_777 : vector<16xf32>
          %mul3A_936 = arith.mulf %sub3A_609, %gather3A_781 : vector<16xf32>
          %add3A_937 = arith.addf %mul3A_935, %mul3A_936 : vector<16xf32>
          %mul3A_938 = arith.mulf %sub3A_608, %gather3A_785 : vector<16xf32>
          %mul3A_939 = arith.mulf %mul3A_607, %gather3A_789 : vector<16xf32>
          %add3A_940 = arith.addf %mul3A_938, %mul3A_939 : vector<16xf32>
          %add3A_941 = arith.addf %add3A_937, %add3A_940 : vector<16xf32>
          %swap3A_942 = arith.constant 10 : i32
          %swap3A_943 = arith.index_cast %select_n3A_102 : i32 to index
          %swap3A_944 = arith.index_cast %scan3A_128 : i32 to index
          %swap3A_945 = arith.index_cast %swap3A_942 : i32 to index
          %swap3A_946 = arith.index_cast %mul3A_554 : i32 to index
          %swap3A_947 = tpu.vector_load %arg8[%swap3A_943, %swap3A_944, %swap3A_945, %swap3A_946] {strides = array<i32>} : memref<2x4x12x256xf32, #tpu.memory_space<vmem>>, vector<16xf32>,
          tpu.vector_store %arg8[%swap3A_943, %swap3A_944, %swap3A_945, %swap3A_946], %add3A_941 {strides = array<i32>} : memref<2x4x12x256xf32, #tpu.memory_space<vmem>>, vector<16xf32>,
          %mul3A_948 = arith.mulf %sub3A_613, %gather3A_793 : vector<16xf32>
          %mul3A_949 = arith.mulf %sub3A_609, %gather3A_797 : vector<16xf32>
          %add3A_950 = arith.addf %mul3A_948, %mul3A_949 : vector<16xf32>
          %mul3A_951 = arith.mulf %sub3A_608, %gather3A_801 : vector<16xf32>
          %mul3A_952 = arith.mulf %mul3A_607, %gather3A_805 : vector<16xf32>
          %add3A_953 = arith.addf %mul3A_951, %mul3A_952 : vector<16xf32>
          %add3A_954 = arith.addf %add3A_950, %add3A_953 : vector<16xf32>
          %swap3A_955 = arith.constant 11 : i32
          %swap3A_956 = arith.index_cast %select_n3A_102 : i32 to index
          %swap3A_957 = arith.index_cast %scan3A_128 : i32 to index
          %swap3A_958 = arith.index_cast %swap3A_955 : i32 to index
          %swap3A_959 = arith.index_cast %mul3A_554 : i32 to index
          %swap3A_960 = tpu.vector_load %arg8[%swap3A_956, %swap3A_957, %swap3A_958, %swap3A_959] {strides = array<i32>} : memref<2x4x12x256xf32, #tpu.memory_space<vmem>>, vector<16xf32>,
          tpu.vector_store %arg8[%swap3A_956, %swap3A_957, %swap3A_958, %swap3A_959], %add3A_954 {strides = array<i32>} : memref<2x4x12x256xf32, #tpu.memory_space<vmem>>, vector<16xf32>,
          %scan3A_961 = arith.constant 0 : i32
          scf.yield %scan3A_961 : i32
        }
        %scan3A_159 = arith.constant 12 : i32
        %broadcast_in_dim3A_160 = arith.constant 192 : i32
        %broadcast_in_dim3A_161 = vector.broadcast %broadcast_in_dim3A_160 : i32 to vector<16xi32>
        %add3A_162 = arith.addi %broadcast_in_dim3A_161, %iota3A : vector<16xi32>
        %lt3A_163 = arith.constant 196 : i32
        %lt3A_164 = vector.broadcast %lt3A_163 : i32 to vector<16xi32>
        %lt3A_165 = arith.cmpi slt, %add3A_162, %lt3A_164 : vector<16xi32>
        %mul3A_166 = arith.constant 4682 : i32
        %mul3A_167 = vector.broadcast %mul3A_166 : i32 to vector<16xi32>
        %mul3A_168 = arith.muli %add3A_162, %mul3A_167 : vector<16xi32>
        %shift_right_arithmetic3A = arith.constant 16 : i32
        %shift_right_arithmetic3A_169 = vector.broadcast %shift_right_arithmetic3A : i32 to vector<16xi32>
        %shift_right_arithmetic3A_170 = arith.shrsi %mul3A_168, %shift_right_arithmetic3A_169 : vector<16xi32>
        %mul3A_171 = arith.constant 14 : i32
        %mul3A_172 = vector.broadcast %mul3A_171 : i32 to vector<16xi32>
        %mul3A_173 = arith.muli %shift_right_arithmetic3A_170, %mul3A_172 : vector<16xi32>
        %sub3A_174 = arith.subi %add3A_162, %mul3A_173 : vector<16xi32>
        %convert_element_type3A_175 = arith.sitofp %shift_right_arithmetic3A_170 : vector<16xi32> to vector<16xf32>
        %mul3A_176 = arith.mulf %gather3A_148, %convert_element_type3A_175 : vector<16xf32>
        %add3A_177 = arith.addf %gather3A_140, %mul3A_176 : vector<16xf32>
        %convert_element_type3A_178 = arith.sitofp %sub3A_174 : vector<16xi32> to vector<16xf32>
        %mul3A_179 = arith.mulf %gather3A_144, %convert_element_type3A_178 : vector<16xf32>
        %add3A_180 = arith.addf %gather3A_136, %mul3A_179 : vector<16xf32>
        %convert_element_type3A_181 = arith.fptosi %add3A_177 : vector<16xf32> to vector<16xi32>
        %min3A = arith.constant 31 : i32
        %min3A_182 = vector.broadcast %min3A : i32 to vector<16xi32>
        %min3A_183 = arith.minsi %convert_element_type3A_181, %min3A_182 : vector<16xi32>
        %convert_element_type3A_184 = arith.fptosi %add3A_180 : vector<16xf32> to vector<16xi32>
        %min3A_185 = arith.constant 31 : i32
        %min3A_186 = vector.broadcast %min3A_185 : i32 to vector<16xi32>
        %min3A_187 = arith.minsi %convert_element_type3A_184, %min3A_186 : vector<16xi32>
        %convert_element_type3A_188 = arith.sitofp %min3A_183 : vector<16xi32> to vector<16xf32>
        %sub3A_189 = arith.subf %add3A_177, %convert_element_type3A_188 : vector<16xf32>
        %convert_element_type3A_190 = arith.sitofp %min3A_187 : vector<16xi32> to vector<16xf32>
        %sub3A_191 = arith.subf %add3A_180, %convert_element_type3A_190 : vector<16xf32>
        %add3A_192 = arith.constant 1 : i32
        %add3A_193 = vector.broadcast %add3A_192 : i32 to vector<16xi32>
        %add3A_194 = arith.addi %min3A_183, %add3A_193 : vector<16xi32>
        %min3A_195 = arith.constant 31 : i32
        %min3A_196 = vector.broadcast %min3A_195 : i32 to vector<16xi32>
        %min3A_197 = arith.minsi %add3A_194, %min3A_196 : vector<16xi32>
        %add3A_198 = arith.constant 1 : i32
        %add3A_199 = vector.broadcast %add3A_198 : i32 to vector<16xi32>
        %add3A_200 = arith.addi %min3A_187, %add3A_199 : vector<16xi32>
        %min3A_201 = arith.constant 31 : i32
        %min3A_202 = vector.broadcast %min3A_201 : i32 to vector<16xi32>
        %min3A_203 = arith.minsi %add3A_200, %min3A_202 : vector<16xi32>
        %mul3A_204 = arith.constant 32 : i32
        %mul3A_205 = vector.broadcast %mul3A_204 : i32 to vector<16xi32>
        %mul3A_206 = arith.muli %min3A_183, %mul3A_205 : vector<16xi32>
        %add3A_207 = arith.addi %mul3A_152, %mul3A_206 : vector<16xi32>
        %mul3A_208 = arith.constant 32 : i32
        %mul3A_209 = vector.broadcast %mul3A_208 : i32 to vector<16xi32>
        %mul3A_210 = arith.muli %min3A_197, %mul3A_209 : vector<16xi32>
        %add3A_211 = arith.addi %mul3A_152, %mul3A_210 : vector<16xi32>
        %add3A_212 = arith.addi %add3A_207, %min3A_187 : vector<16xi32>
        %add3A_213 = arith.addi %add3A_207, %min3A_203 : vector<16xi32>
        %add3A_214 = arith.addi %add3A_211, %min3A_187 : vector<16xi32>
        %add3A_215 = arith.addi %add3A_211, %min3A_203 : vector<16xi32>
        %mul3A_216 = arith.mulf %sub3A_189, %sub3A_191 : vector<16xf32>
        %sub3A_217 = arith.subf %sub3A_189, %mul3A_216 : vector<16xf32>
        %sub3A_218 = arith.subf %sub3A_191, %mul3A_216 : vector<16xf32>
        %sub3A_219 = arith.constant 1.000000e+00 : f32
        %sub3A_220 = vector.broadcast %sub3A_219 : f32 to vector<16xf32>
        %sub3A_221 = arith.subf %sub3A_220, %sub3A_189 : vector<16xf32>
        %sub3A_222 = arith.subf %sub3A_221, %sub3A_218 : vector<16xf32>
        %gather3A_223 = arith.constant 0 : i32
        %gather3A_224 = tpu.memref_slice %arg5[%scan3A_35, %gather3A_223] : memref<12x4096xf32, #tpu.memory_space<vmem>> -> memref<1x4096xf32, #tpu.memory_space<vmem>>
        %gather3A_225 = tpu.memref_squeeze %gather3A_224 : memref<1x4096xf32, #tpu.memory_space<vmem>> -> memref<4096xf32, #tpu.memory_space<vmem>>
        %gather3A_226 = tpu.vector_load_idx %gather3A_225[%add3A_212] : memref<4096xf32, #tpu.memory_space<vmem>>[vector<16xi32>], vector<16xf32>,
        %gather3A_227 = arith.constant 0 : i32
        %gather3A_228 = tpu.memref_slice %arg5[%scan3A_35, %gather3A_227] : memref<12x4096xf32, #tpu.memory_space<vmem>> -> memref<1x4096xf32, #tpu.memory_space<vmem>>
        %gather3A_229 = tpu.memref_squeeze %gather3A_228 : memref<1x4096xf32, #tpu.memory_space<vmem>> -> memref<4096xf32, #tpu.memory_space<vmem>>
        %gather3A_230 = tpu.vector_load_idx %gather3A_229[%add3A_213] : memref<4096xf32, #tpu.memory_space<vmem>>[vector<16xi32>], vector<16xf32>,
        %gather3A_231 = arith.constant 0 : i32
        %gather3A_232 = tpu.memref_slice %arg5[%scan3A_35, %gather3A_231] : memref<12x4096xf32, #tpu.memory_space<vmem>> -> memref<1x4096xf32, #tpu.memory_space<vmem>>
        %gather3A_233 = tpu.memref_squeeze %gather3A_232 : memref<1x4096xf32, #tpu.memory_space<vmem>> -> memref<4096xf32, #tpu.memory_space<vmem>>
        %gather3A_234 = tpu.vector_load_idx %gather3A_233[%add3A_214] : memref<4096xf32, #tpu.memory_space<vmem>>[vector<16xi32>], vector<16xf32>,
        %gather3A_235 = arith.constant 0 : i32
        %gather3A_236 = tpu.memref_slice %arg5[%scan3A_35, %gather3A_235] : memref<12x4096xf32, #tpu.memory_space<vmem>> -> memref<1x4096xf32, #tpu.memory_space<vmem>>
        %gather3A_237 = tpu.memref_squeeze %gather3A_236 : memref<1x4096xf32, #tpu.memory_space<vmem>> -> memref<4096xf32, #tpu.memory_space<vmem>>
        %gather3A_238 = tpu.vector_load_idx %gather3A_237[%add3A_215] : memref<4096xf32, #tpu.memory_space<vmem>>[vector<16xi32>], vector<16xf32>,
        %gather3A_239 = arith.constant 0 : i32
        %gather3A_240 = tpu.memref_slice %arg5[%scan3A_36, %gather3A_239] : memref<12x4096xf32, #tpu.memory_space<vmem>> -> memref<1x4096xf32, #tpu.memory_space<vmem>>
        %gather3A_241 = tpu.memref_squeeze %gather3A_240 : memref<1x4096xf32, #tpu.memory_space<vmem>> -> memref<4096xf32, #tpu.memory_space<vmem>>
        %gather3A_242 = tpu.vector_load_idx %gather3A_241[%add3A_212] : memref<4096xf32, #tpu.memory_space<vmem>>[vector<16xi32>], vector<16xf32>,
        %gather3A_243 = arith.constant 0 : i32
        %gather3A_244 = tpu.memref_slice %arg5[%scan3A_36, %gather3A_243] : memref<12x4096xf32, #tpu.memory_space<vmem>> -> memref<1x4096xf32, #tpu.memory_space<vmem>>
        %gather3A_245 = tpu.memref_squeeze %gather3A_244 : memref<1x4096xf32, #tpu.memory_space<vmem>> -> memref<4096xf32, #tpu.memory_space<vmem>>
        %gather3A_246 = tpu.vector_load_idx %gather3A_245[%add3A_213] : memref<4096xf32, #tpu.memory_space<vmem>>[vector<16xi32>], vector<16xf32>,
        %gather3A_247 = arith.constant 0 : i32
        %gather3A_248 = tpu.memref_slice %arg5[%scan3A_36, %gather3A_247] : memref<12x4096xf32, #tpu.memory_space<vmem>> -> memref<1x4096xf32, #tpu.memory_space<vmem>>
        %gather3A_249 = tpu.memref_squeeze %gather3A_248 : memref<1x4096xf32, #tpu.memory_space<vmem>> -> memref<4096xf32, #tpu.memory_space<vmem>>
        %gather3A_250 = tpu.vector_load_idx %gather3A_249[%add3A_214] : memref<4096xf32, #tpu.memory_space<vmem>>[vector<16xi32>], vector<16xf32>,
        %gather3A_251 = arith.constant 0 : i32
        %gather3A_252 = tpu.memref_slice %arg5[%scan3A_36, %gather3A_251] : memref<12x4096xf32, #tpu.memory_space<vmem>> -> memref<1x4096xf32, #tpu.memory_space<vmem>>
        %gather3A_253 = tpu.memref_squeeze %gather3A_252 : memref<1x4096xf32, #tpu.memory_space<vmem>> -> memref<4096xf32, #tpu.memory_space<vmem>>
        %gather3A_254 = tpu.vector_load_idx %gather3A_253[%add3A_215] : memref<4096xf32, #tpu.memory_space<vmem>>[vector<16xi32>], vector<16xf32>,
        %gather3A_255 = arith.constant 0 : i32
        %gather3A_256 = tpu.memref_slice %arg5[%scan3A_37, %gather3A_255] : memref<12x4096xf32, #tpu.memory_space<vmem>> -> memref<1x4096xf32, #tpu.memory_space<vmem>>
        %gather3A_257 = tpu.memref_squeeze %gather3A_256 : memref<1x4096xf32, #tpu.memory_space<vmem>> -> memref<4096xf32, #tpu.memory_space<vmem>>
        %gather3A_258 = tpu.vector_load_idx %gather3A_257[%add3A_212] : memref<4096xf32, #tpu.memory_space<vmem>>[vector<16xi32>], vector<16xf32>,
        %gather3A_259 = arith.constant 0 : i32
        %gather3A_260 = tpu.memref_slice %arg5[%scan3A_37, %gather3A_259] : memref<12x4096xf32, #tpu.memory_space<vmem>> -> memref<1x4096xf32, #tpu.memory_space<vmem>>
        %gather3A_261 = tpu.memref_squeeze %gather3A_260 : memref<1x4096xf32, #tpu.memory_space<vmem>> -> memref<4096xf32, #tpu.memory_space<vmem>>
        %gather3A_262 = tpu.vector_load_idx %gather3A_261[%add3A_213] : memref<4096xf32, #tpu.memory_space<vmem>>[vector<16xi32>], vector<16xf32>,
        %gather3A_263 = arith.constant 0 : i32
        %gather3A_264 = tpu.memref_slice %arg5[%scan3A_37, %gather3A_263] : memref<12x4096xf32, #tpu.memory_space<vmem>> -> memref<1x4096xf32, #tpu.memory_space<vmem>>
        %gather3A_265 = tpu.memref_squeeze %gather3A_264 : memref<1x4096xf32, #tpu.memory_space<vmem>> -> memref<4096xf32, #tpu.memory_space<vmem>>
        %gather3A_266 = tpu.vector_load_idx %gather3A_265[%add3A_214] : memref<4096xf32, #tpu.memory_space<vmem>>[vector<16xi32>], vector<16xf32>,
        %gather3A_267 = arith.constant 0 : i32
        %gather3A_268 = tpu.memref_slice %arg5[%scan3A_37, %gather3A_267] : memref<12x4096xf32, #tpu.memory_space<vmem>> -> memref<1x4096xf32, #tpu.memory_space<vmem>>
        %gather3A_269 = tpu.memref_squeeze %gather3A_268 : memref<1x4096xf32, #tpu.memory_space<vmem>> -> memref<4096xf32, #tpu.memory_space<vmem>>
        %gather3A_270 = tpu.vector_load_idx %gather3A_269[%add3A_215] : memref<4096xf32, #tpu.memory_space<vmem>>[vector<16xi32>], vector<16xf32>,
        %gather3A_271 = arith.constant 0 : i32
        %gather3A_272 = tpu.memref_slice %arg5[%scan3A_38, %gather3A_271] : memref<12x4096xf32, #tpu.memory_space<vmem>> -> memref<1x4096xf32, #tpu.memory_space<vmem>>
        %gather3A_273 = tpu.memref_squeeze %gather3A_272 : memref<1x4096xf32, #tpu.memory_space<vmem>> -> memref<4096xf32, #tpu.memory_space<vmem>>
        %gather3A_274 = tpu.vector_load_idx %gather3A_273[%add3A_212] : memref<4096xf32, #tpu.memory_space<vmem>>[vector<16xi32>], vector<16xf32>,
        %gather3A_275 = arith.constant 0 : i32
        %gather3A_276 = tpu.memref_slice %arg5[%scan3A_38, %gather3A_275] : memref<12x4096xf32, #tpu.memory_space<vmem>> -> memref<1x4096xf32, #tpu.memory_space<vmem>>
        %gather3A_277 = tpu.memref_squeeze %gather3A_276 : memref<1x4096xf32, #tpu.memory_space<vmem>> -> memref<4096xf32, #tpu.memory_space<vmem>>
        %gather3A_278 = tpu.vector_load_idx %gather3A_277[%add3A_213] : memref<4096xf32, #tpu.memory_space<vmem>>[vector<16xi32>], vector<16xf32>,
        %gather3A_279 = arith.constant 0 : i32
        %gather3A_280 = tpu.memref_slice %arg5[%scan3A_38, %gather3A_279] : memref<12x4096xf32, #tpu.memory_space<vmem>> -> memref<1x4096xf32, #tpu.memory_space<vmem>>
        %gather3A_281 = tpu.memref_squeeze %gather3A_280 : memref<1x4096xf32, #tpu.memory_space<vmem>> -> memref<4096xf32, #tpu.memory_space<vmem>>
        %gather3A_282 = tpu.vector_load_idx %gather3A_281[%add3A_214] : memref<4096xf32, #tpu.memory_space<vmem>>[vector<16xi32>], vector<16xf32>,
        %gather3A_283 = arith.constant 0 : i32
        %gather3A_284 = tpu.memref_slice %arg5[%scan3A_38, %gather3A_283] : memref<12x4096xf32, #tpu.memory_space<vmem>> -> memref<1x4096xf32, #tpu.memory_space<vmem>>
        %gather3A_285 = tpu.memref_squeeze %gather3A_284 : memref<1x4096xf32, #tpu.memory_space<vmem>> -> memref<4096xf32, #tpu.memory_space<vmem>>
        %gather3A_286 = tpu.vector_load_idx %gather3A_285[%add3A_215] : memref<4096xf32, #tpu.memory_space<vmem>>[vector<16xi32>], vector<16xf32>,
        %gather3A_287 = arith.constant 0 : i32
        %gather3A_288 = tpu.memref_slice %arg5[%scan3A_39, %gather3A_287] : memref<12x4096xf32, #tpu.memory_space<vmem>> -> memref<1x4096xf32, #tpu.memory_space<vmem>>
        %gather3A_289 = tpu.memref_squeeze %gather3A_288 : memref<1x4096xf32, #tpu.memory_space<vmem>> -> memref<4096xf32, #tpu.memory_space<vmem>>
        %gather3A_290 = tpu.vector_load_idx %gather3A_289[%add3A_212] : memref<4096xf32, #tpu.memory_space<vmem>>[vector<16xi32>], vector<16xf32>,
        %gather3A_291 = arith.constant 0 : i32
        %gather3A_292 = tpu.memref_slice %arg5[%scan3A_39, %gather3A_291] : memref<12x4096xf32, #tpu.memory_space<vmem>> -> memref<1x4096xf32, #tpu.memory_space<vmem>>
        %gather3A_293 = tpu.memref_squeeze %gather3A_292 : memref<1x4096xf32, #tpu.memory_space<vmem>> -> memref<4096xf32, #tpu.memory_space<vmem>>
        %gather3A_294 = tpu.vector_load_idx %gather3A_293[%add3A_213] : memref<4096xf32, #tpu.memory_space<vmem>>[vector<16xi32>], vector<16xf32>,
        %gather3A_295 = arith.constant 0 : i32
        %gather3A_296 = tpu.memref_slice %arg5[%scan3A_39, %gather3A_295] : memref<12x4096xf32, #tpu.memory_space<vmem>> -> memref<1x4096xf32, #tpu.memory_space<vmem>>
        %gather3A_297 = tpu.memref_squeeze %gather3A_296 : memref<1x4096xf32, #tpu.memory_space<vmem>> -> memref<4096xf32, #tpu.memory_space<vmem>>
        %gather3A_298 = tpu.vector_load_idx %gather3A_297[%add3A_214] : memref<4096xf32, #tpu.memory_space<vmem>>[vector<16xi32>], vector<16xf32>,
        %gather3A_299 = arith.constant 0 : i32
        %gather3A_300 = tpu.memref_slice %arg5[%scan3A_39, %gather3A_299] : memref<12x4096xf32, #tpu.memory_space<vmem>> -> memref<1x4096xf32, #tpu.memory_space<vmem>>
        %gather3A_301 = tpu.memref_squeeze %gather3A_300 : memref<1x4096xf32, #tpu.memory_space<vmem>> -> memref<4096xf32, #tpu.memory_space<vmem>>
        %gather3A_302 = tpu.vector_load_idx %gather3A_301[%add3A_215] : memref<4096xf32, #tpu.memory_space<vmem>>[vector<16xi32>], vector<16xf32>,
        %gather3A_303 = arith.constant 0 : i32
        %gather3A_304 = tpu.memref_slice %arg5[%scan3A_40, %gather3A_303] : memref<12x4096xf32, #tpu.memory_space<vmem>> -> memref<1x4096xf32, #tpu.memory_space<vmem>>
        %gather3A_305 = tpu.memref_squeeze %gather3A_304 : memref<1x4096xf32, #tpu.memory_space<vmem>> -> memref<4096xf32, #tpu.memory_space<vmem>>
        %gather3A_306 = tpu.vector_load_idx %gather3A_305[%add3A_212] : memref<4096xf32, #tpu.memory_space<vmem>>[vector<16xi32>], vector<16xf32>,
        %gather3A_307 = arith.constant 0 : i32
        %gather3A_308 = tpu.memref_slice %arg5[%scan3A_40, %gather3A_307] : memref<12x4096xf32, #tpu.memory_space<vmem>> -> memref<1x4096xf32, #tpu.memory_space<vmem>>
        %gather3A_309 = tpu.memref_squeeze %gather3A_308 : memref<1x4096xf32, #tpu.memory_space<vmem>> -> memref<4096xf32, #tpu.memory_space<vmem>>
        %gather3A_310 = tpu.vector_load_idx %gather3A_309[%add3A_213] : memref<4096xf32, #tpu.memory_space<vmem>>[vector<16xi32>], vector<16xf32>,
        %gather3A_311 = arith.constant 0 : i32
        %gather3A_312 = tpu.memref_slice %arg5[%scan3A_40, %gather3A_311] : memref<12x4096xf32, #tpu.memory_space<vmem>> -> memref<1x4096xf32, #tpu.memory_space<vmem>>
        %gather3A_313 = tpu.memref_squeeze %gather3A_312 : memref<1x4096xf32, #tpu.memory_space<vmem>> -> memref<4096xf32, #tpu.memory_space<vmem>>
        %gather3A_314 = tpu.vector_load_idx %gather3A_313[%add3A_214] : memref<4096xf32, #tpu.memory_space<vmem>>[vector<16xi32>], vector<16xf32>,
        %gather3A_315 = arith.constant 0 : i32
        %gather3A_316 = tpu.memref_slice %arg5[%scan3A_40, %gather3A_315] : memref<12x4096xf32, #tpu.memory_space<vmem>> -> memref<1x4096xf32, #tpu.memory_space<vmem>>
        %gather3A_317 = tpu.memref_squeeze %gather3A_316 : memref<1x4096xf32, #tpu.memory_space<vmem>> -> memref<4096xf32, #tpu.memory_space<vmem>>
        %gather3A_318 = tpu.vector_load_idx %gather3A_317[%add3A_215] : memref<4096xf32, #tpu.memory_space<vmem>>[vector<16xi32>], vector<16xf32>,
        %gather3A_319 = arith.constant 0 : i32
        %gather3A_320 = tpu.memref_slice %arg5[%scan3A_41, %gather3A_319] : memref<12x4096xf32, #tpu.memory_space<vmem>> -> memref<1x4096xf32, #tpu.memory_space<vmem>>
        %gather3A_321 = tpu.memref_squeeze %gather3A_320 : memref<1x4096xf32, #tpu.memory_space<vmem>> -> memref<4096xf32, #tpu.memory_space<vmem>>
        %gather3A_322 = tpu.vector_load_idx %gather3A_321[%add3A_212] : memref<4096xf32, #tpu.memory_space<vmem>>[vector<16xi32>], vector<16xf32>,
        %gather3A_323 = arith.constant 0 : i32
        %gather3A_324 = tpu.memref_slice %arg5[%scan3A_41, %gather3A_323] : memref<12x4096xf32, #tpu.memory_space<vmem>> -> memref<1x4096xf32, #tpu.memory_space<vmem>>
        %gather3A_325 = tpu.memref_squeeze %gather3A_324 : memref<1x4096xf32, #tpu.memory_space<vmem>> -> memref<4096xf32, #tpu.memory_space<vmem>>
        %gather3A_326 = tpu.vector_load_idx %gather3A_325[%add3A_213] : memref<4096xf32, #tpu.memory_space<vmem>>[vector<16xi32>], vector<16xf32>,
        %gather3A_327 = arith.constant 0 : i32
        %gather3A_328 = tpu.memref_slice %arg5[%scan3A_41, %gather3A_327] : memref<12x4096xf32, #tpu.memory_space<vmem>> -> memref<1x4096xf32, #tpu.memory_space<vmem>>
        %gather3A_329 = tpu.memref_squeeze %gather3A_328 : memref<1x4096xf32, #tpu.memory_space<vmem>> -> memref<4096xf32, #tpu.memory_space<vmem>>
        %gather3A_330 = tpu.vector_load_idx %gather3A_329[%add3A_214] : memref<4096xf32, #tpu.memory_space<vmem>>[vector<16xi32>], vector<16xf32>,
        %gather3A_331 = arith.constant 0 : i32
        %gather3A_332 = tpu.memref_slice %arg5[%scan3A_41, %gather3A_331] : memref<12x4096xf32, #tpu.memory_space<vmem>> -> memref<1x4096xf32, #tpu.memory_space<vmem>>
        %gather3A_333 = tpu.memref_squeeze %gather3A_332 : memref<1x4096xf32, #tpu.memory_space<vmem>> -> memref<4096xf32, #tpu.memory_space<vmem>>
        %gather3A_334 = tpu.vector_load_idx %gather3A_333[%add3A_215] : memref<4096xf32, #tpu.memory_space<vmem>>[vector<16xi32>], vector<16xf32>,
        %gather3A_335 = arith.constant 0 : i32
        %gather3A_336 = tpu.memref_slice %arg5[%scan3A_42, %gather3A_335] : memref<12x4096xf32, #tpu.memory_space<vmem>> -> memref<1x4096xf32, #tpu.memory_space<vmem>>
        %gather3A_337 = tpu.memref_squeeze %gather3A_336 : memref<1x4096xf32, #tpu.memory_space<vmem>> -> memref<4096xf32, #tpu.memory_space<vmem>>
        %gather3A_338 = tpu.vector_load_idx %gather3A_337[%add3A_212] : memref<4096xf32, #tpu.memory_space<vmem>>[vector<16xi32>], vector<16xf32>,
        %gather3A_339 = arith.constant 0 : i32
        %gather3A_340 = tpu.memref_slice %arg5[%scan3A_42, %gather3A_339] : memref<12x4096xf32, #tpu.memory_space<vmem>> -> memref<1x4096xf32, #tpu.memory_space<vmem>>
        %gather3A_341 = tpu.memref_squeeze %gather3A_340 : memref<1x4096xf32, #tpu.memory_space<vmem>> -> memref<4096xf32, #tpu.memory_space<vmem>>
        %gather3A_342 = tpu.vector_load_idx %gather3A_341[%add3A_213] : memref<4096xf32, #tpu.memory_space<vmem>>[vector<16xi32>], vector<16xf32>,
        %gather3A_343 = arith.constant 0 : i32
        %gather3A_344 = tpu.memref_slice %arg5[%scan3A_42, %gather3A_343] : memref<12x4096xf32, #tpu.memory_space<vmem>> -> memref<1x4096xf32, #tpu.memory_space<vmem>>
        %gather3A_345 = tpu.memref_squeeze %gather3A_344 : memref<1x4096xf32, #tpu.memory_space<vmem>> -> memref<4096xf32, #tpu.memory_space<vmem>>
        %gather3A_346 = tpu.vector_load_idx %gather3A_345[%add3A_214] : memref<4096xf32, #tpu.memory_space<vmem>>[vector<16xi32>], vector<16xf32>,
        %gather3A_347 = arith.constant 0 : i32
        %gather3A_348 = tpu.memref_slice %arg5[%scan3A_42, %gather3A_347] : memref<12x4096xf32, #tpu.memory_space<vmem>> -> memref<1x4096xf32, #tpu.memory_space<vmem>>
        %gather3A_349 = tpu.memref_squeeze %gather3A_348 : memref<1x4096xf32, #tpu.memory_space<vmem>> -> memref<4096xf32, #tpu.memory_space<vmem>>
        %gather3A_350 = tpu.vector_load_idx %gather3A_349[%add3A_215] : memref<4096xf32, #tpu.memory_space<vmem>>[vector<16xi32>], vector<16xf32>,
        %gather3A_351 = arith.constant 0 : i32
        %gather3A_352 = tpu.memref_slice %arg5[%scan3A_43, %gather3A_351] : memref<12x4096xf32, #tpu.memory_space<vmem>> -> memref<1x4096xf32, #tpu.memory_space<vmem>>
        %gather3A_353 = tpu.memref_squeeze %gather3A_352 : memref<1x4096xf32, #tpu.memory_space<vmem>> -> memref<4096xf32, #tpu.memory_space<vmem>>
        %gather3A_354 = tpu.vector_load_idx %gather3A_353[%add3A_212] : memref<4096xf32, #tpu.memory_space<vmem>>[vector<16xi32>], vector<16xf32>,
        %gather3A_355 = arith.constant 0 : i32
        %gather3A_356 = tpu.memref_slice %arg5[%scan3A_43, %gather3A_355] : memref<12x4096xf32, #tpu.memory_space<vmem>> -> memref<1x4096xf32, #tpu.memory_space<vmem>>
        %gather3A_357 = tpu.memref_squeeze %gather3A_356 : memref<1x4096xf32, #tpu.memory_space<vmem>> -> memref<4096xf32, #tpu.memory_space<vmem>>
        %gather3A_358 = tpu.vector_load_idx %gather3A_357[%add3A_213] : memref<4096xf32, #tpu.memory_space<vmem>>[vector<16xi32>], vector<16xf32>,
        %gather3A_359 = arith.constant 0 : i32
        %gather3A_360 = tpu.memref_slice %arg5[%scan3A_43, %gather3A_359] : memref<12x4096xf32, #tpu.memory_space<vmem>> -> memref<1x4096xf32, #tpu.memory_space<vmem>>
        %gather3A_361 = tpu.memref_squeeze %gather3A_360 : memref<1x4096xf32, #tpu.memory_space<vmem>> -> memref<4096xf32, #tpu.memory_space<vmem>>
        %gather3A_362 = tpu.vector_load_idx %gather3A_361[%add3A_214] : memref<4096xf32, #tpu.memory_space<vmem>>[vector<16xi32>], vector<16xf32>,
        %gather3A_363 = arith.constant 0 : i32
        %gather3A_364 = tpu.memref_slice %arg5[%scan3A_43, %gather3A_363] : memref<12x4096xf32, #tpu.memory_space<vmem>> -> memref<1x4096xf32, #tpu.memory_space<vmem>>
        %gather3A_365 = tpu.memref_squeeze %gather3A_364 : memref<1x4096xf32, #tpu.memory_space<vmem>> -> memref<4096xf32, #tpu.memory_space<vmem>>
        %gather3A_366 = tpu.vector_load_idx %gather3A_365[%add3A_215] : memref<4096xf32, #tpu.memory_space<vmem>>[vector<16xi32>], vector<16xf32>,
        %gather3A_367 = arith.constant 0 : i32
        %gather3A_368 = tpu.memref_slice %arg5[%scan3A_44, %gather3A_367] : memref<12x4096xf32, #tpu.memory_space<vmem>> -> memref<1x4096xf32, #tpu.memory_space<vmem>>
        %gather3A_369 = tpu.memref_squeeze %gather3A_368 : memref<1x4096xf32, #tpu.memory_space<vmem>> -> memref<4096xf32, #tpu.memory_space<vmem>>
        %gather3A_370 = tpu.vector_load_idx %gather3A_369[%add3A_212] : memref<4096xf32, #tpu.memory_space<vmem>>[vector<16xi32>], vector<16xf32>,
        %gather3A_371 = arith.constant 0 : i32
        %gather3A_372 = tpu.memref_slice %arg5[%scan3A_44, %gather3A_371] : memref<12x4096xf32, #tpu.memory_space<vmem>> -> memref<1x4096xf32, #tpu.memory_space<vmem>>
        %gather3A_373 = tpu.memref_squeeze %gather3A_372 : memref<1x4096xf32, #tpu.memory_space<vmem>> -> memref<4096xf32, #tpu.memory_space<vmem>>
        %gather3A_374 = tpu.vector_load_idx %gather3A_373[%add3A_213] : memref<4096xf32, #tpu.memory_space<vmem>>[vector<16xi32>], vector<16xf32>,
        %gather3A_375 = arith.constant 0 : i32
        %gather3A_376 = tpu.memref_slice %arg5[%scan3A_44, %gather3A_375] : memref<12x4096xf32, #tpu.memory_space<vmem>> -> memref<1x4096xf32, #tpu.memory_space<vmem>>
        %gather3A_377 = tpu.memref_squeeze %gather3A_376 : memref<1x4096xf32, #tpu.memory_space<vmem>> -> memref<4096xf32, #tpu.memory_space<vmem>>
        %gather3A_378 = tpu.vector_load_idx %gather3A_377[%add3A_214] : memref<4096xf32, #tpu.memory_space<vmem>>[vector<16xi32>], vector<16xf32>,
        %gather3A_379 = arith.constant 0 : i32
        %gather3A_380 = tpu.memref_slice %arg5[%scan3A_44, %gather3A_379] : memref<12x4096xf32, #tpu.memory_space<vmem>> -> memref<1x4096xf32, #tpu.memory_space<vmem>>
        %gather3A_381 = tpu.memref_squeeze %gather3A_380 : memref<1x4096xf32, #tpu.memory_space<vmem>> -> memref<4096xf32, #tpu.memory_space<vmem>>
        %gather3A_382 = tpu.vector_load_idx %gather3A_381[%add3A_215] : memref<4096xf32, #tpu.memory_space<vmem>>[vector<16xi32>], vector<16xf32>,
        %gather3A_383 = arith.constant 0 : i32
        %gather3A_384 = tpu.memref_slice %arg5[%scan3A_45, %gather3A_383] : memref<12x4096xf32, #tpu.memory_space<vmem>> -> memref<1x4096xf32, #tpu.memory_space<vmem>>
        %gather3A_385 = tpu.memref_squeeze %gather3A_384 : memref<1x4096xf32, #tpu.memory_space<vmem>> -> memref<4096xf32, #tpu.memory_space<vmem>>
        %gather3A_386 = tpu.vector_load_idx %gather3A_385[%add3A_212] : memref<4096xf32, #tpu.memory_space<vmem>>[vector<16xi32>], vector<16xf32>,
        %gather3A_387 = arith.constant 0 : i32
        %gather3A_388 = tpu.memref_slice %arg5[%scan3A_45, %gather3A_387] : memref<12x4096xf32, #tpu.memory_space<vmem>> -> memref<1x4096xf32, #tpu.memory_space<vmem>>
        %gather3A_389 = tpu.memref_squeeze %gather3A_388 : memref<1x4096xf32, #tpu.memory_space<vmem>> -> memref<4096xf32, #tpu.memory_space<vmem>>
        %gather3A_390 = tpu.vector_load_idx %gather3A_389[%add3A_213] : memref<4096xf32, #tpu.memory_space<vmem>>[vector<16xi32>], vector<16xf32>,
        %gather3A_391 = arith.constant 0 : i32
        %gather3A_392 = tpu.memref_slice %arg5[%scan3A_45, %gather3A_391] : memref<12x4096xf32, #tpu.memory_space<vmem>> -> memref<1x4096xf32, #tpu.memory_space<vmem>>
        %gather3A_393 = tpu.memref_squeeze %gather3A_392 : memref<1x4096xf32, #tpu.memory_space<vmem>> -> memref<4096xf32, #tpu.memory_space<vmem>>
        %gather3A_394 = tpu.vector_load_idx %gather3A_393[%add3A_214] : memref<4096xf32, #tpu.memory_space<vmem>>[vector<16xi32>], vector<16xf32>,
        %gather3A_395 = arith.constant 0 : i32
        %gather3A_396 = tpu.memref_slice %arg5[%scan3A_45, %gather3A_395] : memref<12x4096xf32, #tpu.memory_space<vmem>> -> memref<1x4096xf32, #tpu.memory_space<vmem>>
        %gather3A_397 = tpu.memref_squeeze %gather3A_396 : memref<1x4096xf32, #tpu.memory_space<vmem>> -> memref<4096xf32, #tpu.memory_space<vmem>>
        %gather3A_398 = tpu.vector_load_idx %gather3A_397[%add3A_215] : memref<4096xf32, #tpu.memory_space<vmem>>[vector<16xi32>], vector<16xf32>,
        %gather3A_399 = arith.constant 0 : i32
        %gather3A_400 = tpu.memref_slice %arg5[%scan3A_46, %gather3A_399] : memref<12x4096xf32, #tpu.memory_space<vmem>> -> memref<1x4096xf32, #tpu.memory_space<vmem>>
        %gather3A_401 = tpu.memref_squeeze %gather3A_400 : memref<1x4096xf32, #tpu.memory_space<vmem>> -> memref<4096xf32, #tpu.memory_space<vmem>>
        %gather3A_402 = tpu.vector_load_idx %gather3A_401[%add3A_212] : memref<4096xf32, #tpu.memory_space<vmem>>[vector<16xi32>], vector<16xf32>,
        %gather3A_403 = arith.constant 0 : i32
        %gather3A_404 = tpu.memref_slice %arg5[%scan3A_46, %gather3A_403] : memref<12x4096xf32, #tpu.memory_space<vmem>> -> memref<1x4096xf32, #tpu.memory_space<vmem>>
        %gather3A_405 = tpu.memref_squeeze %gather3A_404 : memref<1x4096xf32, #tpu.memory_space<vmem>> -> memref<4096xf32, #tpu.memory_space<vmem>>
        %gather3A_406 = tpu.vector_load_idx %gather3A_405[%add3A_213] : memref<4096xf32, #tpu.memory_space<vmem>>[vector<16xi32>], vector<16xf32>,
        %gather3A_407 = arith.constant 0 : i32
        %gather3A_408 = tpu.memref_slice %arg5[%scan3A_46, %gather3A_407] : memref<12x4096xf32, #tpu.memory_space<vmem>> -> memref<1x4096xf32, #tpu.memory_space<vmem>>
        %gather3A_409 = tpu.memref_squeeze %gather3A_408 : memref<1x4096xf32, #tpu.memory_space<vmem>> -> memref<4096xf32, #tpu.memory_space<vmem>>
        %gather3A_410 = tpu.vector_load_idx %gather3A_409[%add3A_214] : memref<4096xf32, #tpu.memory_space<vmem>>[vector<16xi32>], vector<16xf32>,
        %gather3A_411 = arith.constant 0 : i32
        %gather3A_412 = tpu.memref_slice %arg5[%scan3A_46, %gather3A_411] : memref<12x4096xf32, #tpu.memory_space<vmem>> -> memref<1x4096xf32, #tpu.memory_space<vmem>>
        %gather3A_413 = tpu.memref_squeeze %gather3A_412 : memref<1x4096xf32, #tpu.memory_space<vmem>> -> memref<4096xf32, #tpu.memory_space<vmem>>
        %gather3A_414 = tpu.vector_load_idx %gather3A_413[%add3A_215] : memref<4096xf32, #tpu.memory_space<vmem>>[vector<16xi32>], vector<16xf32>,
        %mul3A_415 = arith.mulf %sub3A_222, %gather3A_226 : vector<16xf32>
        %mul3A_416 = arith.mulf %sub3A_218, %gather3A_230 : vector<16xf32>
        %add3A_417 = arith.addf %mul3A_415, %mul3A_416 : vector<16xf32>
        %mul3A_418 = arith.mulf %sub3A_217, %gather3A_234 : vector<16xf32>
        %mul3A_419 = arith.mulf %mul3A_216, %gather3A_238 : vector<16xf32>
        %add3A_420 = arith.addf %mul3A_418, %mul3A_419 : vector<16xf32>
        %add3A_421 = arith.addf %add3A_417, %add3A_420 : vector<16xf32>
        %scatter3A = arith.constant 0 : i32
        %scatter3A_422 = arith.constant 0 : i32
        %scatter3A_423 = tpu.memref_slice %arg8[%select_n3A_102, %scan3A_128, %scatter3A, %scatter3A_422] : memref<2x4x12x256xf32, #tpu.memory_space<vmem>> -> memref<1x1x1x256xf32, #tpu.memory_space<vmem>>
        %scatter3A_424 = tpu.memref_squeeze %scatter3A_423 : memref<1x1x1x256xf32, #tpu.memory_space<vmem>> -> memref<256xf32, #tpu.memory_space<vmem>>
        tpu.vector_store_idx %scatter3A_424[%add3A_162], %add3A_421 masked %lt3A_165 : memref<256xf32, #tpu.memory_space<vmem>>[vector<16xi32>], vector<16xf32>, vector<16xi1>
        %mul3A_425 = arith.mulf %sub3A_222, %gather3A_242 : vector<16xf32>
        %mul3A_426 = arith.mulf %sub3A_218, %gather3A_246 : vector<16xf32>
        %add3A_427 = arith.addf %mul3A_425, %mul3A_426 : vector<16xf32>
        %mul3A_428 = arith.mulf %sub3A_217, %gather3A_250 : vector<16xf32>
        %mul3A_429 = arith.mulf %mul3A_216, %gather3A_254 : vector<16xf32>
        %add3A_430 = arith.addf %mul3A_428, %mul3A_429 : vector<16xf32>
        %add3A_431 = arith.addf %add3A_427, %add3A_430 : vector<16xf32>
        %scatter3A_432 = arith.constant 1 : i32
        %scatter3A_433 = arith.constant 0 : i32
        %scatter3A_434 = tpu.memref_slice %arg8[%select_n3A_102, %scan3A_128, %scatter3A_432, %scatter3A_433] : memref<2x4x12x256xf32, #tpu.memory_space<vmem>> -> memref<1x1x1x256xf32, #tpu.memory_space<vmem>>
        %scatter3A_435 = tpu.memref_squeeze %scatter3A_434 : memref<1x1x1x256xf32, #tpu.memory_space<vmem>> -> memref<256xf32, #tpu.memory_space<vmem>>
        tpu.vector_store_idx %scatter3A_435[%add3A_162], %add3A_431 masked %lt3A_165 : memref<256xf32, #tpu.memory_space<vmem>>[vector<16xi32>], vector<16xf32>, vector<16xi1>
        %mul3A_436 = arith.mulf %sub3A_222, %gather3A_258 : vector<16xf32>
        %mul3A_437 = arith.mulf %sub3A_218, %gather3A_262 : vector<16xf32>
        %add3A_438 = arith.addf %mul3A_436, %mul3A_437 : vector<16xf32>
        %mul3A_439 = arith.mulf %sub3A_217, %gather3A_266 : vector<16xf32>
        %mul3A_440 = arith.mulf %mul3A_216, %gather3A_270 : vector<16xf32>
        %add3A_441 = arith.addf %mul3A_439, %mul3A_440 : vector<16xf32>
        %add3A_442 = arith.addf %add3A_438, %add3A_441 : vector<16xf32>
        %scatter3A_443 = arith.constant 2 : i32
        %scatter3A_444 = arith.constant 0 : i32
        %scatter3A_445 = tpu.memref_slice %arg8[%select_n3A_102, %scan3A_128, %scatter3A_443, %scatter3A_444] : memref<2x4x12x256xf32, #tpu.memory_space<vmem>> -> memref<1x1x1x256xf32, #tpu.memory_space<vmem>>
        %scatter3A_446 = tpu.memref_squeeze %scatter3A_445 : memref<1x1x1x256xf32, #tpu.memory_space<vmem>> -> memref<256xf32, #tpu.memory_space<vmem>>
        tpu.vector_store_idx %scatter3A_446[%add3A_162], %add3A_442 masked %lt3A_165 : memref<256xf32, #tpu.memory_space<vmem>>[vector<16xi32>], vector<16xf32>, vector<16xi1>
        %mul3A_447 = arith.mulf %sub3A_222, %gather3A_274 : vector<16xf32>
        %mul3A_448 = arith.mulf %sub3A_218, %gather3A_278 : vector<16xf32>
        %add3A_449 = arith.addf %mul3A_447, %mul3A_448 : vector<16xf32>
        %mul3A_450 = arith.mulf %sub3A_217, %gather3A_282 : vector<16xf32>
        %mul3A_451 = arith.mulf %mul3A_216, %gather3A_286 : vector<16xf32>
        %add3A_452 = arith.addf %mul3A_450, %mul3A_451 : vector<16xf32>
        %add3A_453 = arith.addf %add3A_449, %add3A_452 : vector<16xf32>
        %scatter3A_454 = arith.constant 3 : i32
        %scatter3A_455 = arith.constant 0 : i32
        %scatter3A_456 = tpu.memref_slice %arg8[%select_n3A_102, %scan3A_128, %scatter3A_454, %scatter3A_455] : memref<2x4x12x256xf32, #tpu.memory_space<vmem>> -> memref<1x1x1x256xf32, #tpu.memory_space<vmem>>
        %scatter3A_457 = tpu.memref_squeeze %scatter3A_456 : memref<1x1x1x256xf32, #tpu.memory_space<vmem>> -> memref<256xf32, #tpu.memory_space<vmem>>
        tpu.vector_store_idx %scatter3A_457[%add3A_162], %add3A_453 masked %lt3A_165 : memref<256xf32, #tpu.memory_space<vmem>>[vector<16xi32>], vector<16xf32>, vector<16xi1>
        %mul3A_458 = arith.mulf %sub3A_222, %gather3A_290 : vector<16xf32>
        %mul3A_459 = arith.mulf %sub3A_218, %gather3A_294 : vector<16xf32>
        %add3A_460 = arith.addf %mul3A_458, %mul3A_459 : vector<16xf32>
        %mul3A_461 = arith.mulf %sub3A_217, %gather3A_298 : vector<16xf32>
        %mul3A_462 = arith.mulf %mul3A_216, %gather3A_302 : vector<16xf32>
        %add3A_463 = arith.addf %mul3A_461, %mul3A_462 : vector<16xf32>
        %add3A_464 = arith.addf %add3A_460, %add3A_463 : vector<16xf32>
        %scatter3A_465 = arith.constant 4 : i32
        %scatter3A_466 = arith.constant 0 : i32
        %scatter3A_467 = tpu.memref_slice %arg8[%select_n3A_102, %scan3A_128, %scatter3A_465, %scatter3A_466] : memref<2x4x12x256xf32, #tpu.memory_space<vmem>> -> memref<1x1x1x256xf32, #tpu.memory_space<vmem>>
        %scatter3A_468 = tpu.memref_squeeze %scatter3A_467 : memref<1x1x1x256xf32, #tpu.memory_space<vmem>> -> memref<256xf32, #tpu.memory_space<vmem>>
        tpu.vector_store_idx %scatter3A_468[%add3A_162], %add3A_464 masked %lt3A_165 : memref<256xf32, #tpu.memory_space<vmem>>[vector<16xi32>], vector<16xf32>, vector<16xi1>
        %mul3A_469 = arith.mulf %sub3A_222, %gather3A_306 : vector<16xf32>
        %mul3A_470 = arith.mulf %sub3A_218, %gather3A_310 : vector<16xf32>
        %add3A_471 = arith.addf %mul3A_469, %mul3A_470 : vector<16xf32>
        %mul3A_472 = arith.mulf %sub3A_217, %gather3A_314 : vector<16xf32>
        %mul3A_473 = arith.mulf %mul3A_216, %gather3A_318 : vector<16xf32>
        %add3A_474 = arith.addf %mul3A_472, %mul3A_473 : vector<16xf32>
        %add3A_475 = arith.addf %add3A_471, %add3A_474 : vector<16xf32>
        %scatter3A_476 = arith.constant 5 : i32
        %scatter3A_477 = arith.constant 0 : i32
        %scatter3A_478 = tpu.memref_slice %arg8[%select_n3A_102, %scan3A_128, %scatter3A_476, %scatter3A_477] : memref<2x4x12x256xf32, #tpu.memory_space<vmem>> -> memref<1x1x1x256xf32, #tpu.memory_space<vmem>>
        %scatter3A_479 = tpu.memref_squeeze %scatter3A_478 : memref<1x1x1x256xf32, #tpu.memory_space<vmem>> -> memref<256xf32, #tpu.memory_space<vmem>>
        tpu.vector_store_idx %scatter3A_479[%add3A_162], %add3A_475 masked %lt3A_165 : memref<256xf32, #tpu.memory_space<vmem>>[vector<16xi32>], vector<16xf32>, vector<16xi1>
        %mul3A_480 = arith.mulf %sub3A_222, %gather3A_322 : vector<16xf32>
        %mul3A_481 = arith.mulf %sub3A_218, %gather3A_326 : vector<16xf32>
        %add3A_482 = arith.addf %mul3A_480, %mul3A_481 : vector<16xf32>
        %mul3A_483 = arith.mulf %sub3A_217, %gather3A_330 : vector<16xf32>
        %mul3A_484 = arith.mulf %mul3A_216, %gather3A_334 : vector<16xf32>
        %add3A_485 = arith.addf %mul3A_483, %mul3A_484 : vector<16xf32>
        %add3A_486 = arith.addf %add3A_482, %add3A_485 : vector<16xf32>
        %scatter3A_487 = arith.constant 6 : i32
        %scatter3A_488 = arith.constant 0 : i32
        %scatter3A_489 = tpu.memref_slice %arg8[%select_n3A_102, %scan3A_128, %scatter3A_487, %scatter3A_488] : memref<2x4x12x256xf32, #tpu.memory_space<vmem>> -> memref<1x1x1x256xf32, #tpu.memory_space<vmem>>
        %scatter3A_490 = tpu.memref_squeeze %scatter3A_489 : memref<1x1x1x256xf32, #tpu.memory_space<vmem>> -> memref<256xf32, #tpu.memory_space<vmem>>
        tpu.vector_store_idx %scatter3A_490[%add3A_162], %add3A_486 masked %lt3A_165 : memref<256xf32, #tpu.memory_space<vmem>>[vector<16xi32>], vector<16xf32>, vector<16xi1>
        %mul3A_491 = arith.mulf %sub3A_222, %gather3A_338 : vector<16xf32>
        %mul3A_492 = arith.mulf %sub3A_218, %gather3A_342 : vector<16xf32>
        %add3A_493 = arith.addf %mul3A_491, %mul3A_492 : vector<16xf32>
        %mul3A_494 = arith.mulf %sub3A_217, %gather3A_346 : vector<16xf32>
        %mul3A_495 = arith.mulf %mul3A_216, %gather3A_350 : vector<16xf32>
        %add3A_496 = arith.addf %mul3A_494, %mul3A_495 : vector<16xf32>
        %add3A_497 = arith.addf %add3A_493, %add3A_496 : vector<16xf32>
        %scatter3A_498 = arith.constant 7 : i32
        %scatter3A_499 = arith.constant 0 : i32
        %scatter3A_500 = tpu.memref_slice %arg8[%select_n3A_102, %scan3A_128, %scatter3A_498, %scatter3A_499] : memref<2x4x12x256xf32, #tpu.memory_space<vmem>> -> memref<1x1x1x256xf32, #tpu.memory_space<vmem>>
        %scatter3A_501 = tpu.memref_squeeze %scatter3A_500 : memref<1x1x1x256xf32, #tpu.memory_space<vmem>> -> memref<256xf32, #tpu.memory_space<vmem>>
        tpu.vector_store_idx %scatter3A_501[%add3A_162], %add3A_497 masked %lt3A_165 : memref<256xf32, #tpu.memory_space<vmem>>[vector<16xi32>], vector<16xf32>, vector<16xi1>
        %mul3A_502 = arith.mulf %sub3A_222, %gather3A_354 : vector<16xf32>
        %mul3A_503 = arith.mulf %sub3A_218, %gather3A_358 : vector<16xf32>
        %add3A_504 = arith.addf %mul3A_502, %mul3A_503 : vector<16xf32>
        %mul3A_505 = arith.mulf %sub3A_217, %gather3A_362 : vector<16xf32>
        %mul3A_506 = arith.mulf %mul3A_216, %gather3A_366 : vector<16xf32>
        %add3A_507 = arith.addf %mul3A_505, %mul3A_506 : vector<16xf32>
        %add3A_508 = arith.addf %add3A_504, %add3A_507 : vector<16xf32>
        %scatter3A_509 = arith.constant 8 : i32
        %scatter3A_510 = arith.constant 0 : i32
        %scatter3A_511 = tpu.memref_slice %arg8[%select_n3A_102, %scan3A_128, %scatter3A_509, %scatter3A_510] : memref<2x4x12x256xf32, #tpu.memory_space<vmem>> -> memref<1x1x1x256xf32, #tpu.memory_space<vmem>>
        %scatter3A_512 = tpu.memref_squeeze %scatter3A_511 : memref<1x1x1x256xf32, #tpu.memory_space<vmem>> -> memref<256xf32, #tpu.memory_space<vmem>>
        tpu.vector_store_idx %scatter3A_512[%add3A_162], %add3A_508 masked %lt3A_165 : memref<256xf32, #tpu.memory_space<vmem>>[vector<16xi32>], vector<16xf32>, vector<16xi1>
        %mul3A_513 = arith.mulf %sub3A_222, %gather3A_370 : vector<16xf32>
        %mul3A_514 = arith.mulf %sub3A_218, %gather3A_374 : vector<16xf32>
        %add3A_515 = arith.addf %mul3A_513, %mul3A_514 : vector<16xf32>
        %mul3A_516 = arith.mulf %sub3A_217, %gather3A_378 : vector<16xf32>
        %mul3A_517 = arith.mulf %mul3A_216, %gather3A_382 : vector<16xf32>
        %add3A_518 = arith.addf %mul3A_516, %mul3A_517 : vector<16xf32>
        %add3A_519 = arith.addf %add3A_515, %add3A_518 : vector<16xf32>
        %scatter3A_520 = arith.constant 9 : i32
        %scatter3A_521 = arith.constant 0 : i32
        %scatter3A_522 = tpu.memref_slice %arg8[%select_n3A_102, %scan3A_128, %scatter3A_520, %scatter3A_521] : memref<2x4x12x256xf32, #tpu.memory_space<vmem>> -> memref<1x1x1x256xf32, #tpu.memory_space<vmem>>
        %scatter3A_523 = tpu.memref_squeeze %scatter3A_522 : memref<1x1x1x256xf32, #tpu.memory_space<vmem>> -> memref<256xf32, #tpu.memory_space<vmem>>
        tpu.vector_store_idx %scatter3A_523[%add3A_162], %add3A_519 masked %lt3A_165 : memref<256xf32, #tpu.memory_space<vmem>>[vector<16xi32>], vector<16xf32>, vector<16xi1>
        %mul3A_524 = arith.mulf %sub3A_222, %gather3A_386 : vector<16xf32>
        %mul3A_525 = arith.mulf %sub3A_218, %gather3A_390 : vector<16xf32>
        %add3A_526 = arith.addf %mul3A_524, %mul3A_525 : vector<16xf32>
        %mul3A_527 = arith.mulf %sub3A_217, %gather3A_394 : vector<16xf32>
        %mul3A_528 = arith.mulf %mul3A_216, %gather3A_398 : vector<16xf32>
        %add3A_529 = arith.addf %mul3A_527, %mul3A_528 : vector<16xf32>
        %add3A_530 = arith.addf %add3A_526, %add3A_529 : vector<16xf32>
        %scatter3A_531 = arith.constant 10 : i32
        %scatter3A_532 = arith.constant 0 : i32
        %scatter3A_533 = tpu.memref_slice %arg8[%select_n3A_102, %scan3A_128, %scatter3A_531, %scatter3A_532] : memref<2x4x12x256xf32, #tpu.memory_space<vmem>> -> memref<1x1x1x256xf32, #tpu.memory_space<vmem>>
        %scatter3A_534 = tpu.memref_squeeze %scatter3A_533 : memref<1x1x1x256xf32, #tpu.memory_space<vmem>> -> memref<256xf32, #tpu.memory_space<vmem>>
        tpu.vector_store_idx %scatter3A_534[%add3A_162], %add3A_530 masked %lt3A_165 : memref<256xf32, #tpu.memory_space<vmem>>[vector<16xi32>], vector<16xf32>, vector<16xi1>
        %mul3A_535 = arith.mulf %sub3A_222, %gather3A_402 : vector<16xf32>
        %mul3A_536 = arith.mulf %sub3A_218, %gather3A_406 : vector<16xf32>
        %add3A_537 = arith.addf %mul3A_535, %mul3A_536 : vector<16xf32>
        %mul3A_538 = arith.mulf %sub3A_217, %gather3A_410 : vector<16xf32>
        %mul3A_539 = arith.mulf %mul3A_216, %gather3A_414 : vector<16xf32>
        %add3A_540 = arith.addf %mul3A_538, %mul3A_539 : vector<16xf32>
        %add3A_541 = arith.addf %add3A_537, %add3A_540 : vector<16xf32>
        %scatter3A_542 = arith.constant 11 : i32
        %scatter3A_543 = arith.constant 0 : i32
        %scatter3A_544 = tpu.memref_slice %arg8[%select_n3A_102, %scan3A_128, %scatter3A_542, %scatter3A_543] : memref<2x4x12x256xf32, #tpu.memory_space<vmem>> -> memref<1x1x1x256xf32, #tpu.memory_space<vmem>>
        %scatter3A_545 = tpu.memref_squeeze %scatter3A_544 : memref<1x1x1x256xf32, #tpu.memory_space<vmem>> -> memref<256xf32, #tpu.memory_space<vmem>>
        tpu.vector_store_idx %scatter3A_545[%add3A_162], %add3A_541 masked %lt3A_165 : memref<256xf32, #tpu.memory_space<vmem>>[vector<16xi32>], vector<16xf32>, vector<16xi1>
        %scan3A_546 = arith.constant 0 : i32
        scf.yield %scan3A_546 : i32
      }
      %scan3A_111 = arith.constant 4 : i32
      %mul3A_112 = arith.constant 4 : i32
      %mul3A_113 = arith.muli %scan3A_87, %mul3A_112 : i32
      %dma_start3A = arith.constant 0 : i32
      %dma_start3A_114 = arith.constant 0 : i32
      %dma_start3A_115 = arith.constant 0 : i32
      %dma_start3A_116 = tpu.memref_slice %arg8[%select_n3A_102, %dma_start3A, %dma_start3A_114, %dma_start3A_115] : memref<2x4x12x256xf32, #tpu.memory_space<vmem>> -> memref<1x4x12x256xf32, #tpu.memory_space<vmem>>
      %dma_start3A_117 = tpu.memref_squeeze %dma_start3A_116 : memref<1x4x12x256xf32, #tpu.memory_space<vmem>> -> memref<4x12x256xf32, #tpu.memory_space<vmem>>
      %dma_start3A_118 = arith.constant 0 : i32
      %dma_start3A_119 = tpu.memref_slice %arg4[%mul3A_113, %mul3A_2, %dma_start3A_118] : memref<512x384x256xf32, #tpu.memory_space<hbm>> -> memref<4x12x256xf32, #tpu.memory_space<hbm>>
      %dma_start3A_120 = arith.constant 0 : i32
      %dma_start3A_121 = tpu.memref_slice %arg4[%mul3A_113, %mul3A_2, %dma_start3A_120] : memref<512x384x256xf32, #tpu.memory_space<hbm>> -> memref<4x12x256xf32, #tpu.memory_space<hbm>>
      %dma_start3A_122 = arith.constant 0 : i32
      %dma_start3A_123 = arith.constant 0 : i32
      %dma_start3A_124 = arith.constant 0 : i32
      %dma_start3A_125 = tpu.memref_slice %arg8[%select_n3A_102, %dma_start3A_122, %dma_start3A_123, %dma_start3A_124] : memref<2x4x12x256xf32, #tpu.memory_space<vmem>> -> memref<1x4x12x256xf32, #tpu.memory_space<vmem>>
      %dma_start3A_126 = tpu.memref_squeeze %dma_start3A_125 : memref<1x4x12x256xf32, #tpu.memory_space<vmem>> -> memref<4x12x256xf32, #tpu.memory_space<vmem>>
      tpu.enqueue_dma source(%dma_start3A_126 : memref<4x12x256xf32, #tpu.memory_space<vmem>>) target(%dma_start3A_121 : memref<4x12x256xf32, #tpu.memory_space<hbm>>) target_semaphore(%arg9 : memref<!tpu.dma_semaphore, #tpu.memory_space<semaphore_mem>>)
      %scan3A_127 = arith.constant 0 : i32
      scf.yield %scan3A_127 : i32
    }
    %scan3A_53 = arith.constant 128 : i32
    %dma_wait3A = arith.constant 0 : i32
    %dma_wait3A_54 = arith.constant 0 : i32
    %dma_wait3A_55 = arith.constant 0 : i32
    %dma_wait3A_56 = arith.constant 0 : i32
    %dma_wait3A_57 = tpu.memref_slice %arg8[%dma_wait3A, %dma_wait3A_54, %dma_wait3A_55, %dma_wait3A_56] : memref<2x4x12x256xf32, #tpu.memory_space<vmem>> -> memref<1x4x12x256xf32, #tpu.memory_space<vmem>>
    %dma_wait3A_58 = tpu.memref_squeeze %dma_wait3A_57 : memref<1x4x12x256xf32, #tpu.memory_space<vmem>> -> memref<4x12x256xf32, #tpu.memory_space<vmem>>
    %dma_wait3A_59 = arith.constant 0 : i32
    %dma_wait3A_60 = arith.constant 0 : i32
    %dma_wait3A_61 = tpu.memref_slice %arg4[%dma_wait3A_59, %mul3A_2, %dma_wait3A_60] : memref<512x384x256xf32, #tpu.memory_space<hbm>> -> memref<4x12x256xf32, #tpu.memory_space<hbm>>
    %dma_wait3A_62 = arith.constant 0 : i32
    %dma_wait3A_63 = arith.constant 0 : i32
    %dma_wait3A_64 = tpu.memref_slice %arg4[%dma_wait3A_62, %mul3A_2, %dma_wait3A_63] : memref<512x384x256xf32, #tpu.memory_space<hbm>> -> memref<4x12x256xf32, #tpu.memory_space<hbm>>
    %dma_wait3A_65 = arith.constant 0 : i32
    %dma_wait3A_66 = arith.constant 0 : i32
    %dma_wait3A_67 = arith.constant 0 : i32
    %dma_wait3A_68 = tpu.memref_slice %arg8[%dma_wait3A, %dma_wait3A_65, %dma_wait3A_66, %dma_wait3A_67] : memref<2x4x12x256xf32, #tpu.memory_space<vmem>> -> memref<1x4x12x256xf32, #tpu.memory_space<vmem>>
    %dma_wait3A_69 = tpu.memref_squeeze %dma_wait3A_68 : memref<1x4x12x256xf32, #tpu.memory_space<vmem>> -> memref<4x12x256xf32, #tpu.memory_space<vmem>>
    tpu.wait_dma2 semaphore(%arg9 : memref<!tpu.dma_semaphore, #tpu.memory_space<semaphore_mem>>) src(%dma_wait3A_69 : memref<4x12x256xf32, #tpu.memory_space<vmem>>) dst(%dma_wait3A_64 : memref<4x12x256xf32, #tpu.memory_space<hbm>>)
    %dma_wait3A_70 = arith.constant 0 : i32
    %dma_wait3A_71 = arith.constant 0 : i32
    %dma_wait3A_72 = arith.constant 0 : i32
    %dma_wait3A_73 = arith.constant 0 : i32
    %dma_wait3A_74 = tpu.memref_slice %arg8[%dma_wait3A_70, %dma_wait3A_71, %dma_wait3A_72, %dma_wait3A_73] : memref<2x4x12x256xf32, #tpu.memory_space<vmem>> -> memref<1x4x12x256xf32, #tpu.memory_space<vmem>>
    %dma_wait3A_75 = tpu.memref_squeeze %dma_wait3A_74 : memref<1x4x12x256xf32, #tpu.memory_space<vmem>> -> memref<4x12x256xf32, #tpu.memory_space<vmem>>
    %dma_wait3A_76 = arith.constant 0 : i32
    %dma_wait3A_77 = arith.constant 0 : i32
    %dma_wait3A_78 = tpu.memref_slice %arg4[%dma_wait3A_76, %mul3A_2, %dma_wait3A_77] : memref<512x384x256xf32, #tpu.memory_space<hbm>> -> memref<4x12x256xf32, #tpu.memory_space<hbm>>
    %dma_wait3A_79 = arith.constant 0 : i32
    %dma_wait3A_80 = arith.constant 0 : i32
    %dma_wait3A_81 = tpu.memref_slice %arg4[%dma_wait3A_79, %mul3A_2, %dma_wait3A_80] : memref<512x384x256xf32, #tpu.memory_space<hbm>> -> memref<4x12x256xf32, #tpu.memory_space<hbm>>
    %dma_wait3A_82 = arith.constant 0 : i32
    %dma_wait3A_83 = arith.constant 0 : i32
    %dma_wait3A_84 = arith.constant 0 : i32
    %dma_wait3A_85 = tpu.memref_slice %arg8[%dma_wait3A_70, %dma_wait3A_82, %dma_wait3A_83, %dma_wait3A_84] : memref<2x4x12x256xf32, #tpu.memory_space<vmem>> -> memref<1x4x12x256xf32, #tpu.memory_space<vmem>>
    %dma_wait3A_86 = tpu.memref_squeeze %dma_wait3A_85 : memref<1x4x12x256xf32, #tpu.memory_space<vmem>> -> memref<4x12x256xf32, #tpu.memory_space<vmem>>
    tpu.wait_dma2 semaphore(%arg9 : memref<!tpu.dma_semaphore, #tpu.memory_space<semaphore_mem>>) src(%dma_wait3A_86 : memref<4x12x256xf32, #tpu.memory_space<vmem>>) dst(%dma_wait3A_81 : memref<4x12x256xf32, #tpu.memory_space<hbm>>)
    return
  }
}

</mosaic_0001>

<sc_bundles>
// kernel: kernel.3.cloned.1.call-start
scs
__scs_entry_jumppad:
0x0: {  	(pc) =	sbr.rel $0x88, $3  }
0x1: {  	(tag) =	ssettag $0x0;
	lr =	simm.s32 $0x1  }
0x2: {  	[smem:$0x3F9E] =	sst lr;
	_ =	strace $0xD0000000  }
0x3: {  	_ = 	snop  }
0x4: {  	_ = 	snop  }
0x5: {  	_ = 	snop  }
0x6: {  	_ = 	snop  }
0x7: {  	_ = 	snop  }
__scs_overlays_trampoline_lowered:
0x8: {  	[smem:$0x3FAD] =	sst s0  }
0x9: {  	[smem:$0x3FAE] =	sst s1  }
0xa: {  	[smem:$0x3FAF] =	sst s2  }
0xb: {  	[smem:$0x3FB0] =	sst s3  }
0xc: {  	[smem:$0x3FB1] =	sst s4  }
0xd: {  	[smem:$0x3FB2] =	sst s5  }
0xe: {  	[smem:$0x3FB3] =	sst s6  }
0xf: {  	[smem:$0x3FB4] =	sst s7  }
0x10: {  	[smem:$0x3FB5] =	sst s8  }
0x11: {  	[smem:$0x3FB6] =	sst s9;
	s0 =	simm.s32 @!p0 $0x0  }
0x12: {  	s1 =	sld [smem:$0x3F9C];
	s0 =	simm.s32 @p0 $0x1  }
0x13: {  	[smem:$0x3FB7] =	sst s0;
	s0 =	simm.s32 @!p1 $0x0  }
0x14: {  	s2 =	sld [smem:$0x3F9B];
	s0 =	simm.s32 @p1 $0x1  }
0x15: {  	[smem:$0x3FB8] =	sst s0;
	s0 =	simm.s32 @!p2 $0x0  }
0x16: {  	s3 =	sld [smem:$0x3FDB];
	s0 =	simm.s32 @p2 $0x1  }
0x17: {  	s4 =	simm.s32 $0x1BF5;
	[smem:$0x3FBA] =	sst s0  }
0x18: {  	s0 =	sld [smem:$0x3F9D];
	_ =	swait.ge [sflag:s4], $0x0  }
0x19: {  	s7 =	sld [smem:$0x3F9E]  }
0x1a: {  	s8 =	sadd.s32 $0xFFFFE003, lr  }
0x1b: {  	s9 =	sadd.s32 $0xFFFFFEF7, lr;
	s5 =	simm.s32 $0xFFFFFFFF;
	p2 =	slt.u32 s8, $0xFFFFF086  }
0x1c: {  	p1 =	slt.u32 s9, $0xF7A;
	s5 =	simm.s32 @!p2 $0x0  }
0x1d: {  	s5 =	simm.s32 @p1 $0x1;
	p0 =	seq.s32 s7, s2  }
0x1e: {  	s7 =	smul.u32 @!p0 $0xF7A, s2;
	p2 =	seq.s32 @!p0 s5, $0x0  }
0x1f: {  	s9 =	smul.u32 $0xF7A, s1;
	s8 =	simm.s32 @!p0 $0x1BF5;
	p2 =	por !p2, p0  }
0x20: {  	[sflag:s8] =	ssyncset.s32 @!p0 $0xFFFFF086;
	s6 =	sadd.s32 @!p0 s3, s7;
	s7 =	simm.s32 @!p0 $0x108  }
0x21: {  	s3 =	sadd.s32 s3, s9;
	s6 =	sadd.s32 @!p0 $0x88, s6;
	s7 =	simm.s32 @p2 $0x1082  }
0x22: {  	[simem:s7], [sflag:s8] =	dma.local @!p0 [hbm:s6], $0xF7A  }
0x23: {  	s9 =	sor.u32 $0xD0000000, s2;
	s6 =	simm.s32 $0x108;
	_ =	swait.ge @!p0 [sflag:s8], $0x0  }
0x24: {  	s3 =	sadd.s32 $0x88, s3;
	s6 =	simm.s32 @!p1 $0x1082;
	[sflag:s4] =	ssyncset.s32 $0xFFFFF086  }
0x25: {  	[simem:s6], [sflag:s4] =	dma.local [hbm:s3], $0xF7A  }
0x26: {  	[smem:$0x3F9E] =	sst s1;
	(tag) =	ssettag s2;
	_ =	strace s9  }
0x27: {  	s1 =	sld [smem:$0x3FAE]  }
0x28: {  	s2 =	sld [smem:$0x3FAF]  }
0x29: {  	s4 =	sld [smem:$0x3FB1]  }
0x2a: {  	p0 =	seq.s32 s5, $0x0;
	s5 =	sld [smem:$0x3FB2]  }
0x2b: {  	s6 =	sld [smem:$0x3FB3]  }
0x2c: {  	s7 =	sld [smem:$0x3FB4]  }
0x2d: {  	s3 =	simm.s32 $0x108;
	s8 =	sld [smem:$0x3FB5]  }
0x2e: {  	s3 =	simm.s32 @!p0 $0x1082;
	s9 =	sld [smem:$0x3FB6]  }
0x2f: {  	lr =	sadd.s32 s0, s3;
	s0 =	sld [smem:$0x3FAD]  }
0x30: {  	s3 =	sld [smem:$0x3FB0]  }
0x31: {  	[smem:$0x3FB9] =	sst s10  }
0x32: {  	s10 =	sld [smem:$0x3FB7];
	_ =	sdelay $0x3  }
0x33: {  	p0 =	seq.s32 s10, $0x1;
	s10 =	sld [smem:$0x3FB9];
	_ =	sdelay $0x3  }
0x34: {  	[smem:$0x3FB9] =	sst s10  }
0x35: {  	s10 =	sld [smem:$0x3FB8];
	_ =	sdelay $0x3  }
0x36: {  	p1 =	seq.s32 s10, $0x1;
	s10 =	sld [smem:$0x3FB9];
	_ =	sdelay $0x3  }
0x37: {  	[smem:$0x3FB9] =	sst s10  }
0x38: {  	s10 =	sld [smem:$0x3FBA]  }
0x39: {  	_ = 	snop;
	(pc) =	sbr.ind lr, $3  }
0x3a: {  	_ = 	snop  }
0x3b: {  	_ = 	snop  }
0x3c: {  	p2 =	seq.s32 s10, $0x1;
	s10 =	sld [smem:$0x3FB9]  }
0x3d: {  	_ =	shalt  }
0x3e: {  	_ =	shalt  }
0x3f: {  	_ =	shalt  }
0x40: {  	_ =	shalt  }
0x41: {  	_ =	shalt  }
0x42: {  	_ =	shalt  }
0x43: {  	_ =	shalt  }
0x44: {  	_ =	shalt  }
0x45: {  	_ =	shalt  }
0x46: {  	_ =	shalt  }
0x47: {  	_ =	shalt  }
0x48: {  	_ =	shalt  }
0x49: {  	_ =	shalt  }
0x4a: {  	_ =	shalt  }
0x4b: {  	_ =	shalt  }
0x4c: {  	_ =	shalt  }
0x4d: {  	_ =	shalt  }
0x4e: {  	_ =	shalt  }
0x4f: {  	_ =	shalt  }
0x50: {  	_ =	shalt  }
0x51: {  	_ =	shalt  }
0x52: {  	_ =	shalt  }
0x53: {  	_ =	shalt  }
0x54: {  	_ =	shalt  }
0x55: {  	_ =	shalt  }
0x56: {  	_ =	shalt  }
0x57: {  	_ =	shalt  }
0x58: {  	_ =	shalt  }
0x59: {  	_ =	shalt  }
0x5a: {  	_ =	shalt  }
0x5b: {  	_ =	shalt  }
0x5c: {  	_ =	shalt  }
0x5d: {  	_ =	shalt  }
0x5e: {  	_ =	shalt  }
0x5f: {  	_ =	shalt  }
0x60: {  	_ =	shalt  }
0x61: {  	_ =	shalt  }
0x62: {  	_ =	shalt  }
0x63: {  	_ =	shalt  }
0x64: {  	_ =	shalt  }
0x65: {  	_ =	shalt  }
0x66: {  	_ =	shalt  }
0x67: {  	_ =	shalt  }
0x68: {  	_ =	shalt  }
0x69: {  	_ =	shalt  }
0x6a: {  	_ =	shalt  }
0x6b: {  	_ =	shalt  }
0x6c: {  	_ =	shalt  }
0x6d: {  	_ =	shalt  }
0x6e: {  	_ =	shalt  }
0x6f: {  	_ =	shalt  }
0x70: {  	_ =	shalt  }
0x71: {  	_ =	shalt  }
0x72: {  	_ =	shalt  }
0x73: {  	_ =	shalt  }
0x74: {  	_ =	shalt  }
0x75: {  	_ =	shalt  }
0x76: {  	_ =	shalt  }
0x77: {  	_ =	shalt  }
0x78: {  	_ =	shalt  }
0x79: {  	_ =	shalt  }
0x7a: {  	_ =	shalt  }
0x7b: {  	_ =	shalt  }
0x7c: {  	_ =	shalt  }
0x7d: {  	_ =	shalt  }
0x7e: {  	_ =	shalt  }
0x7f: {  	_ =	shalt  }
0x80: {  	_ =	shalt  }
0x81: {  	_ =	shalt  }
0x82: {  	_ =	shalt  }
0x83: {  	_ =	shalt  }
0x84: {  	_ =	shalt  }
0x85: {  	_ =	shalt  }
0x86: {  	_ =	shalt  }
0x87: {  	_ =	shalt  }
.Lfunc_end0:
.L_simem_size_0:
called_computation.1_lowered:
.L_overlay_start_0:
0x88: {  	s2 =	sld [smem:$0x3FD9]  }
0x89: {  	s3 =	sld [smem:$0x3FFE];
	_ =	sdelay $0x1  }
0x8a: {  	s1 =	srdreg.scid  }
0x8b: {  	s0 =	sand.u32 $0x1, s1  }
0x8c: {  	s17 =	sshll.u32 s0, $0xA;
	s2 =	sadd.s32 s3, s2  }
0x8d: {  	s2 =	sadd.s32 s2, s17  }
0x8e: {  	[smem:$0x3FC5] =	sst s2  }
0x8f: {  	_ = 	snop  }
0x90: {  	s2 =	sld [smem:$0x3FD0];
	(tm) =	ssettm $0x1  }
0x91: {  	s18 =	sld [smem:$0x3FFB];
	_ =	sdelay $0x3  }
0x92: {  	_ =	strace s18  }
0x93: {  	s3 =	sld [smem:$0x3FFC];
	_ =	sdelay $0x3  }
0x94: {  	_ =	strace s3  }
0x95: {  	s3 =	sld [smem:$0x3FFD];
	_ =	sdelay $0x3  }
0x96: {  	_ =	strace s3  }
0x97: {  	_ =	strace $0x8FFFFFFF  }
0x98: {  	s19 =	sld [smem:$0x3FDB];
	_ =	sdelay $0x1  }
0x99: {  	s4 =	simm.s32 $_scs_section_size  }
0x9a: {  	s5 =	simm.s32 $_size__tile_overlayer_lowered;
	s6 =	simm.s32 $_tile_overlayer_lowered  }
0x9b: {  	s22 =	simm.s32 $0x1BFF;
	s21 =	sshll.u32 s6, $0x1;
	s3 =	sadd.s32 s4, s19  }
0x9c: {  	s7 =	simm.s32 $0x0;
	s20 =	sshll.u32 s5, $0x1;
	s5 =	sadd.s32 s21, s3  }
0x9d: {  	[timem:s7], [sflag:s22] =	dma.local [hbm:s5], s20  }
0x9e: {  	_ =	swait.ge [sflag:s22], s20  }
0x9f: {  	s4 =	ssub.s32 $0x0, s20;
	[sflag:s22] =	ssyncset.done $0x0  }
0xa0: {  	[sflag:s22] =	ssyncadd.s32 s4;
	_ =	sdelay $0x1  }
0xa1: {  	s23 =	simm.s32 $0x1B8B  }
0xa2: {  	_ =	swait.ge [sflag:s23], $0x1  }
0xa3: {  	[sflag:s23] =	ssyncset.done $0x0  }
0xa4: {  	s25 =	simm.s32 $0x1B8E;
	s24 =	sld [smem:$0x3FFE];
	[sflag:s23] =	ssyncadd.s32 $0xFFFFFFFF  }
0xa5: {  	s26 =	simm.s32 $execute0_lowered;
	[smem:$0x3FD2] =	sst s25  }
0xa6: {  	s5 =	sshll.u32 s26, $0x1;
	_ =	strace $0x80000046;
	[dreg:$0x1] =	wrdreg $0xFFFFFFFF  }
0xa7: {  	s28 =	simm.s32 $_size_execute0_lowered;
	s3 =	sadd.s32 s3, s5;
	[dreg:$0x0] =	wrdreg $0x0  }
0xa8: {  	s5 =	sshll.u32 s28, $0x1;
	[dreg:$0x2] =	wrdreg s3  }
0xa9: {  	[dreg:$0x3] =	wrdreg s5  }
0xaa: {  	[dreg:$0x4] =	wrdreg $0xC0  }
0xab: {  	_ =	task [dreg:s7], $0x5FFFF  }
0xac: {  	[dreg:$0x1] =	wrdreg $0xFFFFFFFF  }
0xad: {  	[dreg:$0x0] =	wrdreg $0x60  }
0xae: {  	[dreg:$0x2] =	wrdreg s2  }
0xaf: {  	[dreg:$0x3] =	wrdreg s24  }
0xb0: {  	[dreg:$0x4] =	wrdreg $0x9  }
0xb1: {  	_ =	task.clear_ibuf [dreg:s7], $0x5FFFF;
	_ =	strace $0x90000046  }
0xb2: {  	s29 =	simm.s32 $0x9;
	_ =	strace $0x80000048  }
0xb3: {  	_ =	swait.ge [sflag:s29], $0x1  }
0xb4: {  	[sflag:s29] =	ssyncadd.s32 $0xFFFFFFFF  }
0xb5: {  	_ =	strace $0x90000048  }
0xb6: {  	_ =	sfence  }
0xb7: {  	s30 =	sld [smem:$0x0];
	_ =	sdelay $0x2  }
0xb8: {  	s31 =	sshll.u32 s1, $0xD;
	s1 =	sshrl.u32 s1, $0x2  }
0xb9: {  	s3 =	sand.u32 $0x4000, s31;
	s1 =	sadd.s32 s1, s30  }
0xba: {  	s0 =	sor.u32 s3, s0;
	s1 =	sshll.u32 s1, $0x11  }
0xbb: {  	s0 =	sor.u32 s1, s0  }
0xbc: {  	s0 =	sadd.s32 $0x8F2B, s0  }
0xbd: {  	[sflag:s0] =	ssyncadd.remote.s32 $0x1  }
0xbe: {  	_ =	sfence.sel $0xFFFF  }
0xbf: {  	[dreg:$0x0] =	wrdreg $0xFFFFFFFF;
	(pc) =	sbr.abs _section_cstart, $3  }
0xc0: {  	[dreg:$0x1] =	wrdreg $0xFFFFFFFF  }
0xc1: {  	_ =	task.clear_ibuf [dreg:s7], $0x2FFFF;
	_ =	strace $0x9FFFFFFF  }
0xc2: {  	(tm) =	ssettm $0x7FFFFFFF  }
0xc3: {  	_ =	shalt  }
tec
execute0_lowered:
.L_overlay_start_1:
0x0: {  	(tag) =	ssettag $0x1  }
0x1: {  	s0 =	srdreg.scid;
	v0 =	vimm.f32 $1.100000000e+01;
	vm0 =	vcmask $0x300  }
0x2: {  	s2 =	stileid.u32;
	s3 =	rddreg [dreg:$0x0];
	vm15 =	vcmask $0xB08;
	v0 =	vsel vm0, $0x41200000, v0  }
0x3: {  	s4 =	rddreg [dreg:$0x1];
	vm4 =	vcmask $0xF0C;
	s9 =	simm.s32 $0x14000;
	s7 =	simm.s32 $0x180;
	v2 =	vsel vm15, $0x41400000, v0  }
0x4: {  	vm5 =	vcmask $0x1310;
	s13 =	simm.s32 $0xC000;
	s14 =	simm.s32 $0x3000;
	s15 =	simm.s32 $0x1000;
	v2 =	vsel vm4, $0x41500000, v2  }
0x5: {  	v1 =	vimm.f32 $1.400000000e+01;
	vm6 =	vcmask $0x1714;
	s16 =	simm.s32 $0x2000;
	s17 =	simm.s32 $0x4000;
	s0 =	sand.u32 $0x1, s0;
	v3 =	vsel vm5, $0x0, v2  }
0x6: {  	vm1 =	vcmask $0xF00;
	vm7 =	vcmask $0x1B18;
	s18 =	simm.s32 $0x5000;
	s19 =	simm.s32 $0x6000;
	s1 =	sshll.u32 s0, $0x4;
	v4 =	vsel vm6, $0x3F800000, v3  }
0x7: {  	vm8 =	vcmask $0x1F1C;
	vm9 =	vcmask $0x2320;
	s20 =	simm.s32 $0x7000;
	s21 =	simm.s32 $0x8000;
	s1 =	sor.u32 s2, s1;
	v5 =	vsel vm7, $0x40000000, v4  }
0x8: {  	vm10 =	vcmask $0x2724;
	vm11 =	vcmask $0x2B28;
	s22 =	simm.s32 $0x9000;
	s30 =	sadd.s32 $0xC00, s4;
	s5 =	smul.u32 $0xC, s1;
	v6 =	vsel vm8, $0x40400000, v5  }
0x9: {  	vm12 =	vcmask $0x2F2C;
	s4 =	sadd.s32 $0xE00, s4;
	v0 =	vsel vm1, $0x41500000, v1;
	s0 =	ssub.s32 $0x2, s0;
	s2 =	simm.s32 $0x0;
	v7 =	vsel vm9, $0x40800000, v6  }
0xa: {  	vm13 =	vcmask $0x3330;
	vm14 =	vcmask $0x3734;
	[tilespmem:$0x1FFA0] =	vst v0;
	s31 =	sshrl.u32 s0, $0x1;
	[smem:$0x7FF] =	sst s2;
	s6 =	sand.u32 $0x4, s5;
	v8 =	vsel vm10, $0x40A00000, v7  }
0xb: {  	vm15 =	vcmask $0x3B38;
	s1 =	smul.u32 $0xC00, s1;
	_ =	strace $0x80000047;
	[dreg:$0x3] =	wrdreg s30;
	v0 =	vmov s6;
	v9 =	vsel vm11, $0x40C00000, v8  }
0xc: {  	s23 =	simm.s32 $0xA000;
	s0 =	ssub.s32 s0, s31;
	[dreg:$0x4] =	wrdreg s4;
	v1 =	vor.u32 $0x1, v0;
	v2 =	vor.u32 $0x2, v0;
	[tilespmem:$0x1FFC0] =	vst v0;
	v10 =	vsel vm12, $0x40E00000, v9  }
0xd: {  	s0 =	smax.u32 s0, $0x1;
	s5 =	sshrl.u32 s5, $0x3;
	[dreg:$0x7] =	wrdreg s1;
	v3 =	vor.u32 $0x3, v0;
	v5 =	vor.u32 $0x8, v0;
	[tilespmem:$0x1FFD0] =	vst v1;
	v11 =	vsel vm13, $0x41000000, v10  }
0xe: {  	s24 =	simm.s32 $0xB000;
	[dreg:$0x8] =	wrdreg s0;
	s3 =	sadd.s32 s3, s5;
	v6 =	vadd.s32 $0x4, v0;
	v7 =	vadd.s32 $0x5, v0;
	[tilespmem:$0x1FFE0] =	vst v2;
	v12 =	vsel vm14, $0x41100000, v11  }
0xf: {  	s5 =	simm.s32 $0x2;
	[dreg:$0x5] =	wrdreg s3;
	s3 =	sadd.s32 $0x18000, s3;
	[tilespmem:$0x1FFF0] =	vst v3;
	v8 =	vadd.s32 $0x6, v0;
	v10 =	vlaneseq.u32;
	v4 =	vsel vm15, $0x41200000, v12  }
0x10: {  	s6 =	simm.s32 $0x10;
	[dreg:$0x6] =	wrdreg s3;
	s3 =	simm.s32 $0x0;
	v9 =	vadd.s32 $0x7, v0;
	v11 =	vmul.u32 $0x10, v10;
	v13 =	vor.u32 $0xC0, v10;
	[tilespmem:$0x1FFB0] =	vst v4  }
.LBB2_1:
0x11: {  	[dreg:$0x9] =	wrdreg s3  }
0x12: {  	s0 =	rddreg [dreg:$0x3]  }
0x13: {  	v14 =	vmov s2;
	[tilespmem:s9], [sflag:$0x2] =	stream.linear.gather [hbm4b:s0+s2], $0xA00, $0x38;
	[tilespmem:$0x1AA00] =	vst v63  }
0x14: {  	v14 =	vshll.u32 v14, $0x4;
	_ =	swait.ge [sflag:s5], $0xA00  }
0x15: {  	v14 =	vor.u32 v11, v14;
	[sflag:s5] =	ssyncset.done $0x0  }
0x16: {  	v15 =	vor.u32 v0, v14;
	s31 =	rddreg [dreg:$0x5];
	[sflag:s5] =	ssyncadd.s32 $0xFFFFF600  }
0x17: {  	[tilespmem:s13], [sflag:$0x2] =	stream.strided.gather [hbm4b:s31+s6], $0x8000, s7, s6, $0x38;
	[tilespmem:$0x1AA00] =	vst v63  }
0x18: {  	_ =	swait.ge [sflag:s5], $0x8000  }
0x19: {  	[sflag:s5] =	ssyncset.done $0x0  }
0x1a: {  	[sflag:s5] =	ssyncadd.s32 $0xFFFF8000  }
0x1b: {  	v16 =	vld.idx.msk [tilespmem:v15+s13+$0x0], $0xffff  }
0x1c: {  	v17 =	vor.u32 v1, v14;
	_ =	sdelay $0x2  }
0x1d: {  	s0 =	simm.s32 $0x0  }
0x1e: {  	[tilespmem:s0+$0x0] =	vst v16  }
0x1f: {  	v16 =	vld.idx.msk [tilespmem:v17+s13+$0x0], $0xffff  }
0x20: {  	v17 =	vor.u32 v2, v14;
	_ =	sdelay $0x3  }
0x21: {  	[tilespmem:s0+$0x1000] =	vst v16  }
0x22: {  	v16 =	vld.idx.msk [tilespmem:v17+s13+$0x0], $0xffff  }
0x23: {  	v17 =	vor.u32 v3, v14;
	_ =	sdelay $0x3  }
0x24: {  	[tilespmem:s0+$0x2000] =	vst v16  }
0x25: {  	v16 =	vld.idx.msk [tilespmem:v17+s13+$0x0], $0xffff  }
0x26: {  	v17 =	vor.u32 v6, v14;
	_ =	sdelay $0x3  }
0x27: {  	[tilespmem:s0+$0x3000] =	vst v16  }
0x28: {  	v16 =	vld.idx.msk [tilespmem:v17+s13+$0x0], $0xffff  }
0x29: {  	v17 =	vor.u32 v7, v14;
	_ =	sdelay $0x3  }
0x2a: {  	[tilespmem:s0+$0x4000] =	vst v16  }
0x2b: {  	v16 =	vld.idx.msk [tilespmem:v17+s13+$0x0], $0xffff  }
0x2c: {  	v17 =	vor.u32 v8, v14;
	_ =	sdelay $0x3  }
0x2d: {  	[tilespmem:s0+$0x5000] =	vst v16  }
0x2e: {  	v16 =	vld.idx.msk [tilespmem:v17+s13+$0x0], $0xffff  }
0x2f: {  	v17 =	vor.u32 v9, v14;
	_ =	sdelay $0x3  }
0x30: {  	[tilespmem:s0+$0x6000] =	vst v16  }
0x31: {  	v16 =	vld.idx.msk [tilespmem:v17+s13+$0x0], $0xffff  }
0x32: {  	v14 =	vor.u32 v5, v14;
	_ =	sdelay $0x3  }
0x33: {  	[tilespmem:s0+$0x7000] =	vst v16  }
0x34: {  	v14 =	vld.idx.msk [tilespmem:v14+s13+$0x0], $0xffff  }
0x35: {  	v16 =	vor.u32 $0x9, v15;
	_ =	sdelay $0x3  }
0x36: {  	[tilespmem:s0+$0x8000] =	vst v14  }
0x37: {  	v14 =	vld.idx.msk [tilespmem:v16+s13+$0x0], $0xffff  }
0x38: {  	v16 =	vor.u32 $0xA, v15;
	_ =	sdelay $0x3  }
0x39: {  	[tilespmem:s0+$0x9000] =	vst v14  }
0x3a: {  	v16 =	vld.idx.msk [tilespmem:v16+s13+$0x0], $0xffff  }
0x3b: {  	v14 =	vor.u32 $0xB, v15;
	_ =	sdelay $0x2  }
0x3c: {  	s3 =	simm.s32 $0x10  }
0x3d: {  	s1 =	simm.s32 $0x40;
	s4 =	simm.s32 $0x80;
	v15 =	vmov s3;
	[tilespmem:s0+$0xA000] =	vst v16  }
.LBB2_2:
0x3e: {  	p0 =	sne.s32 s4, $0x1FC0;
	v15 =	vshll.u32 v15, $0x4;
	v14 =	vld.idx.msk [tilespmem:v14+s13+$0x0], $0xffff  }
0x3f: {  	v15 =	vor.u32 v11, v15  }
0x40: {  	v16 =	vor.u32 v0, v15;
	_ =	sdelay $0x3  }
0x41: {  	[tilespmem:s0+$0xB000] =	vst v14  }
0x42: {  	v14 =	vld.idx.msk [tilespmem:v16+s13+$0x0], $0xffff;
	_ =	sdelay $0x1  }
0x43: {  	v17 =	vor.u32 v1, v15;
	_ =	sdelay $0x2  }
0x44: {  	s0 =	sshra.s32 s1, $0x2;
	s1 =	smov.u32 s4  }
0x45: {  	[tilespmem:s0+$0x0] =	vst v14  }
0x46: {  	v14 =	vld.idx.msk [tilespmem:v17+s13+$0x0], $0xffff;
	_ =	sdelay $0x1  }
0x47: {  	v17 =	vor.u32 v2, v15;
	_ =	sdelay $0x3  }
0x48: {  	[tilespmem:s0+$0x1000] =	vst v14  }
0x49: {  	v14 =	vld.idx.msk [tilespmem:v17+s13+$0x0], $0xffff;
	_ =	sdelay $0x1  }
0x4a: {  	v17 =	vor.u32 v3, v15;
	_ =	sdelay $0x3  }
0x4b: {  	[tilespmem:s0+$0x2000] =	vst v14  }
0x4c: {  	v14 =	vld.idx.msk [tilespmem:v17+s13+$0x0], $0xffff;
	_ =	sdelay $0x1  }
0x4d: {  	v17 =	vor.u32 v6, v15;
	_ =	sdelay $0x3  }
0x4e: {  	[tilespmem:s0+$0x3000] =	vst v14  }
0x4f: {  	v14 =	vld.idx.msk [tilespmem:v17+s13+$0x0], $0xffff;
	_ =	sdelay $0x1  }
0x50: {  	v17 =	vor.u32 v7, v15;
	_ =	sdelay $0x3  }
0x51: {  	[tilespmem:s0+$0x4000] =	vst v14  }
0x52: {  	v14 =	vld.idx.msk [tilespmem:v17+s13+$0x0], $0xffff;
	_ =	sdelay $0x1  }
0x53: {  	v17 =	vor.u32 v8, v15;
	_ =	sdelay $0x3  }
0x54: {  	[tilespmem:s0+$0x5000] =	vst v14  }
0x55: {  	v14 =	vld.idx.msk [tilespmem:v17+s13+$0x0], $0xffff;
	_ =	sdelay $0x1  }
0x56: {  	v17 =	vor.u32 v9, v15;
	_ =	sdelay $0x3  }
0x57: {  	[tilespmem:s0+$0x6000] =	vst v14  }
0x58: {  	v14 =	vld.idx.msk [tilespmem:v17+s13+$0x0], $0xffff;
	_ =	sdelay $0x1  }
0x59: {  	v15 =	vor.u32 v5, v15;
	_ =	sdelay $0x3  }
0x5a: {  	[tilespmem:s0+$0x7000] =	vst v14  }
0x5b: {  	v14 =	vld.idx.msk [tilespmem:v15+s13+$0x0], $0xffff;
	_ =	sdelay $0x1  }
0x5c: {  	v15 =	vor.u32 $0x9, v16;
	_ =	sdelay $0x3  }
0x5d: {  	[tilespmem:s0+$0x8000] =	vst v14  }
0x5e: {  	v14 =	vld.idx.msk [tilespmem:v15+s13+$0x0], $0xffff;
	_ =	sdelay $0x1  }
0x5f: {  	v15 =	vor.u32 $0xA, v16;
	_ =	sdelay $0x3  }
0x60: {  	[tilespmem:s0+$0x9000] =	vst v14  }
0x61: {  	v17 =	vld.idx.msk [tilespmem:v15+s13+$0x0], $0xffff;
	_ =	sdelay $0x1  }
.Ltmp0:
0x62: {  	v14 =	vor.u32 $0xB, v16;
	(pc) =	sbr.rel @p0 .LBB2_2-.Ltmp0, $3  }
0x63: {  	_ =	sdelay $0x1  }
0x64: {  	s3 =	sadd.s32 $0x10, s3  }
0x65: {  	s4 =	sadd.s32 $0x40, s4;
	v15 =	vmov s3;
	[tilespmem:s0+$0xA000] =	vst v17  }
0x66: {  	_ =	sdelay $0x2  }
0x67: {  	v15 =	vshll.u32 v15, $0x4  }
0x68: {  	v14 =	vld.idx.msk [tilespmem:v14+s13+$0x0], $0xffff;
	v15 =	vor.u32 v11, v15  }
0x69: {  	v16 =	vor.u32 v0, v15;
	_ =	sdelay $0x3  }
0x6a: {  	[tilespmem:s0+$0xB000] =	vst v14  }
0x6b: {  	v14 =	vld.idx.msk [tilespmem:v16+s13+$0x0], $0xffff  }
0x6c: {  	v17 =	vor.u32 v1, v15;
	_ =	sdelay $0x2  }
0x6d: {  	s30 =	sshra.s32 s1, $0x2  }
0x6e: {  	[tilespmem:s30+$0x0] =	vst v14  }
0x6f: {  	v14 =	vld.idx.msk [tilespmem:v17+s13+$0x0], $0xffff  }
0x70: {  	v17 =	vor.u32 v2, v15;
	_ =	sdelay $0x3  }
0x71: {  	[tilespmem:s30+$0x1000] =	vst v14  }
0x72: {  	v14 =	vld.idx.msk [tilespmem:v17+s13+$0x0], $0xffff  }
0x73: {  	v17 =	vor.u32 v3, v15;
	_ =	sdelay $0x3  }
0x74: {  	[tilespmem:s30+$0x2000] =	vst v14  }
0x75: {  	v14 =	vld.idx.msk [tilespmem:v17+s13+$0x0], $0xffff  }
0x76: {  	v17 =	vor.u32 v6, v15;
	_ =	sdelay $0x3  }
0x77: {  	[tilespmem:s30+$0x3000] =	vst v14  }
0x78: {  	v14 =	vld.idx.msk [tilespmem:v17+s13+$0x0], $0xffff  }
0x79: {  	v17 =	vor.u32 v7, v15;
	_ =	sdelay $0x3  }
0x7a: {  	[tilespmem:s30+$0x4000] =	vst v14  }
0x7b: {  	v14 =	vld.idx.msk [tilespmem:v17+s13+$0x0], $0xffff  }
0x7c: {  	v17 =	vor.u32 v8, v15;
	_ =	sdelay $0x3  }
0x7d: {  	[tilespmem:s30+$0x5000] =	vst v14  }
0x7e: {  	v14 =	vld.idx.msk [tilespmem:v17+s13+$0x0], $0xffff  }
0x7f: {  	v17 =	vor.u32 v9, v15;
	_ =	sdelay $0x3  }
0x80: {  	[tilespmem:s30+$0x6000] =	vst v14  }
0x81: {  	v14 =	vld.idx.msk [tilespmem:v17+s13+$0x0], $0xffff  }
0x82: {  	v15 =	vor.u32 v5, v15;
	_ =	sdelay $0x3  }
0x83: {  	[tilespmem:s30+$0x7000] =	vst v14  }
0x84: {  	v14 =	vld.idx.msk [tilespmem:v15+s13+$0x0], $0xffff  }
0x85: {  	v15 =	vor.u32 $0x9, v16;
	_ =	sdelay $0x3  }
0x86: {  	[tilespmem:s30+$0x8000] =	vst v14  }
0x87: {  	v14 =	vld.idx.msk [tilespmem:v15+s13+$0x0], $0xffff  }
0x88: {  	v15 =	vor.u32 $0xA, v16;
	_ =	sdelay $0x3  }
0x89: {  	[tilespmem:s30+$0x9000] =	vst v14  }
0x8a: {  	v14 =	vld.idx.msk [tilespmem:v15+s13+$0x0], $0xffff  }
0x8b: {  	v15 =	vor.u32 $0xB, v16;
	_ =	sdelay $0x3  }
0x8c: {  	[tilespmem:s30+$0xA000] =	vst v14  }
0x8d: {  	v14 =	vld.idx.msk [tilespmem:v15+s13+$0x0], $0xffff  }
0x8e: {  	s8 =	simm.s32 $0x0  }
0x8f: {  	v15 =	vmov s8  }
0x90: {  	v15 =	vshll.u32 v15, $0x4  }
0x91: {  	v15 =	vor.u32 v11, v15  }
0x92: {  	s31 =	rddreg [dreg:$0x6];
	[tilespmem:s30+$0xB000] =	vst v14;
	v14 =	vor.u32 v0, v15  }
0x93: {  	[tilespmem:s13], [sflag:$0x2] =	stream.strided.gather [hbm4b:s31+s6], $0x8000, s7, s6, $0x38;
	[tilespmem:$0x1AA00] =	vst v63  }
0x94: {  	_ =	swait.ge [sflag:s5], $0x8000  }
0x95: {  	[sflag:s5] =	ssyncset.done $0x0  }
0x96: {  	[sflag:s5] =	ssyncadd.s32 $0xFFFF8000  }
0x97: {  	v16 =	vld.idx.msk [tilespmem:v14+s13+$0x0], $0xffff  }
0x98: {  	v17 =	vor.u32 v1, v15;
	_ =	sdelay $0x2  }
0x99: {  	s0 =	simm.s32 $0x0  }
0x9a: {  	[tilespmem:s0+$0x800] =	vst v16  }
0x9b: {  	v16 =	vld.idx.msk [tilespmem:v17+s13+$0x0], $0xffff  }
0x9c: {  	v17 =	vor.u32 v2, v15;
	_ =	sdelay $0x3  }
0x9d: {  	[tilespmem:s0+$0x1800] =	vst v16  }
0x9e: {  	v16 =	vld.idx.msk [tilespmem:v17+s13+$0x0], $0xffff  }
0x9f: {  	v17 =	vor.u32 v3, v15;
	_ =	sdelay $0x3  }
0xa0: {  	[tilespmem:s0+$0x2800] =	vst v16  }
0xa1: {  	v16 =	vld.idx.msk [tilespmem:v17+s13+$0x0], $0xffff  }
0xa2: {  	v17 =	vor.u32 v6, v15;
	_ =	sdelay $0x3  }
0xa3: {  	[tilespmem:s0+$0x3800] =	vst v16  }
0xa4: {  	v16 =	vld.idx.msk [tilespmem:v17+s13+$0x0], $0xffff  }
0xa5: {  	v17 =	vor.u32 v7, v15;
	_ =	sdelay $0x3  }
0xa6: {  	[tilespmem:s0+$0x4800] =	vst v16  }
0xa7: {  	v16 =	vld.idx.msk [tilespmem:v17+s13+$0x0], $0xffff  }
0xa8: {  	v17 =	vor.u32 v8, v15;
	_ =	sdelay $0x3  }
0xa9: {  	[tilespmem:s0+$0x5800] =	vst v16  }
0xaa: {  	v16 =	vld.idx.msk [tilespmem:v17+s13+$0x0], $0xffff  }
0xab: {  	v17 =	vor.u32 v9, v15;
	_ =	sdelay $0x3  }
0xac: {  	[tilespmem:s0+$0x6800] =	vst v16  }
0xad: {  	v16 =	vld.idx.msk [tilespmem:v17+s13+$0x0], $0xffff  }
0xae: {  	v15 =	vor.u32 v5, v15;
	_ =	sdelay $0x3  }
0xaf: {  	[tilespmem:s0+$0x7800] =	vst v16  }
0xb0: {  	v15 =	vld.idx.msk [tilespmem:v15+s13+$0x0], $0xffff  }
0xb1: {  	v16 =	vor.u32 $0x9, v14;
	_ =	sdelay $0x3  }
0xb2: {  	[tilespmem:s0+$0x8800] =	vst v15  }
0xb3: {  	v15 =	vld.idx.msk [tilespmem:v16+s13+$0x0], $0xffff  }
0xb4: {  	v16 =	vor.u32 $0xA, v14;
	_ =	sdelay $0x3  }
0xb5: {  	[tilespmem:s0+$0x9800] =	vst v15  }
0xb6: {  	v16 =	vld.idx.msk [tilespmem:v16+s13+$0x0], $0xffff  }
0xb7: {  	v14 =	vor.u32 $0xB, v14;
	_ =	sdelay $0x2  }
0xb8: {  	s3 =	simm.s32 $0x10  }
0xb9: {  	s1 =	simm.s32 $0x40;
	s4 =	simm.s32 $0x80;
	v15 =	vmov s3;
	[tilespmem:s0+$0xA800] =	vst v16  }
.LBB2_4:
0xba: {  	p0 =	sne.s32 s4, $0x1FC0;
	v15 =	vshll.u32 v15, $0x4;
	v14 =	vld.idx.msk [tilespmem:v14+s13+$0x0], $0xffff  }
0xbb: {  	v15 =	vor.u32 v11, v15  }
0xbc: {  	v16 =	vor.u32 v0, v15;
	_ =	sdelay $0x3  }
0xbd: {  	[tilespmem:s0+$0xB800] =	vst v14  }
0xbe: {  	v14 =	vld.idx.msk [tilespmem:v16+s13+$0x0], $0xffff;
	_ =	sdelay $0x1  }
0xbf: {  	v17 =	vor.u32 v1, v15;
	_ =	sdelay $0x2  }
0xc0: {  	s0 =	sshra.s32 s1, $0x2;
	s1 =	smov.u32 s4  }
0xc1: {  	[tilespmem:s0+$0x800] =	vst v14  }
0xc2: {  	v14 =	vld.idx.msk [tilespmem:v17+s13+$0x0], $0xffff;
	_ =	sdelay $0x1  }
0xc3: {  	v17 =	vor.u32 v2, v15;
	_ =	sdelay $0x3  }
0xc4: {  	[tilespmem:s0+$0x1800] =	vst v14  }
0xc5: {  	v14 =	vld.idx.msk [tilespmem:v17+s13+$0x0], $0xffff;
	_ =	sdelay $0x1  }
0xc6: {  	v17 =	vor.u32 v3, v15;
	_ =	sdelay $0x3  }
0xc7: {  	[tilespmem:s0+$0x2800] =	vst v14  }
0xc8: {  	v14 =	vld.idx.msk [tilespmem:v17+s13+$0x0], $0xffff;
	_ =	sdelay $0x1  }
0xc9: {  	v17 =	vor.u32 v6, v15;
	_ =	sdelay $0x3  }
0xca: {  	[tilespmem:s0+$0x3800] =	vst v14  }
0xcb: {  	v14 =	vld.idx.msk [tilespmem:v17+s13+$0x0], $0xffff;
	_ =	sdelay $0x1  }
0xcc: {  	v17 =	vor.u32 v7, v15;
	_ =	sdelay $0x3  }
0xcd: {  	[tilespmem:s0+$0x4800] =	vst v14  }
0xce: {  	v14 =	vld.idx.msk [tilespmem:v17+s13+$0x0], $0xffff;
	_ =	sdelay $0x1  }
0xcf: {  	v17 =	vor.u32 v8, v15;
	_ =	sdelay $0x3  }
0xd0: {  	[tilespmem:s0+$0x5800] =	vst v14  }
0xd1: {  	v14 =	vld.idx.msk [tilespmem:v17+s13+$0x0], $0xffff;
	_ =	sdelay $0x1  }
0xd2: {  	v17 =	vor.u32 v9, v15;
	_ =	sdelay $0x3  }
0xd3: {  	[tilespmem:s0+$0x6800] =	vst v14  }
0xd4: {  	v14 =	vld.idx.msk [tilespmem:v17+s13+$0x0], $0xffff;
	_ =	sdelay $0x1  }
0xd5: {  	v15 =	vor.u32 v5, v15;
	_ =	sdelay $0x3  }
0xd6: {  	[tilespmem:s0+$0x7800] =	vst v14  }
0xd7: {  	v14 =	vld.idx.msk [tilespmem:v15+s13+$0x0], $0xffff;
	_ =	sdelay $0x1  }
0xd8: {  	v15 =	vor.u32 $0x9, v16;
	_ =	sdelay $0x3  }
0xd9: {  	[tilespmem:s0+$0x8800] =	vst v14  }
0xda: {  	v14 =	vld.idx.msk [tilespmem:v15+s13+$0x0], $0xffff;
	_ =	sdelay $0x1  }
0xdb: {  	v15 =	vor.u32 $0xA, v16;
	_ =	sdelay $0x3  }
0xdc: {  	[tilespmem:s0+$0x9800] =	vst v14  }
0xdd: {  	v17 =	vld.idx.msk [tilespmem:v15+s13+$0x0], $0xffff;
	_ =	sdelay $0x1  }
.Ltmp1:
0xde: {  	v14 =	vor.u32 $0xB, v16;
	(pc) =	sbr.rel @p0 .LBB2_4-.Ltmp1, $3  }
0xdf: {  	_ =	sdelay $0x1  }
0xe0: {  	s3 =	sadd.s32 $0x10, s3  }
0xe1: {  	s4 =	sadd.s32 $0x40, s4;
	v15 =	vmov s3;
	[tilespmem:s0+$0xA800] =	vst v17  }
0xe2: {  	_ =	sdelay $0x2  }
0xe3: {  	v15 =	vshll.u32 v15, $0x4  }
0xe4: {  	v14 =	vld.idx.msk [tilespmem:v14+s13+$0x0], $0xffff;
	v15 =	vor.u32 v11, v15  }
0xe5: {  	v16 =	vor.u32 v0, v15;
	_ =	sdelay $0x3  }
0xe6: {  	[tilespmem:s0+$0xB800] =	vst v14  }
0xe7: {  	v14 =	vld.idx.msk [tilespmem:v16+s13+$0x0], $0xffff  }
0xe8: {  	v17 =	vor.u32 v1, v15;
	_ =	sdelay $0x2  }
0xe9: {  	s31 =	sshra.s32 s1, $0x2  }
0xea: {  	[tilespmem:s31+$0x800] =	vst v14  }
0xeb: {  	v14 =	vld.idx.msk [tilespmem:v17+s13+$0x0], $0xffff  }
0xec: {  	v58 =	vor.u32 v2, v15;
	_ =	sdelay $0x3  }
0xed: {  	[tilespmem:s31+$0x1800] =	vst v14  }
0xee: {  	v14 =	vld.idx.msk [tilespmem:v58+s13+$0x0], $0xffff  }
0xef: {  	v59 =	vor.u32 v3, v15;
	_ =	sdelay $0x3  }
0xf0: {  	[tilespmem:s31+$0x2800] =	vst v14  }
0xf1: {  	v14 =	vld.idx.msk [tilespmem:v59+s13+$0x0], $0xffff  }
0xf2: {  	v60 =	vor.u32 v6, v15;
	_ =	sdelay $0x3  }
0xf3: {  	[tilespmem:s31+$0x3800] =	vst v14  }
0xf4: {  	v14 =	vld.idx.msk [tilespmem:v60+s13+$0x0], $0xffff  }
0xf5: {  	v61 =	vor.u32 v7, v15;
	_ =	sdelay $0x3  }
0xf6: {  	[tilespmem:s31+$0x4800] =	vst v14  }
0xf7: {  	v14 =	vld.idx.msk [tilespmem:v61+s13+$0x0], $0xffff  }
0xf8: {  	v62 =	vor.u32 v8, v15;
	_ =	sdelay $0x3  }
0xf9: {  	[tilespmem:s31+$0x5800] =	vst v14  }
0xfa: {  	v14 =	vld.idx.msk [tilespmem:v62+s13+$0x0], $0xffff  }
0xfb: {  	v63 =	vor.u32 v9, v15;
	_ =	sdelay $0x3  }
0xfc: {  	[tilespmem:s31+$0x6800] =	vst v14  }
0xfd: {  	v14 =	vld.idx.msk [tilespmem:v63+s13+$0x0], $0xffff  }
0xfe: {  	v15 =	vor.u32 v5, v15;
	_ =	sdelay $0x3  }
0xff: {  	[tilespmem:s31+$0x7800] =	vst v14  }
0x100: {  	v14 =	vld.idx.msk [tilespmem:v15+s13+$0x0], $0xffff  }
0x101: {  	v15 =	vor.u32 $0x9, v16;
	_ =	sdelay $0x3  }
0x102: {  	[tilespmem:s31+$0x8800] =	vst v14  }
0x103: {  	v14 =	vld.idx.msk [tilespmem:v15+s13+$0x0], $0xffff  }
0x104: {  	v15 =	vor.u32 $0xA, v16;
	_ =	sdelay $0x3  }
0x105: {  	[tilespmem:s31+$0x9800] =	vst v14  }
0x106: {  	v14 =	vld.idx.msk [tilespmem:v15+s13+$0x0], $0xffff  }
0x107: {  	v15 =	vor.u32 $0xB, v16;
	_ =	sdelay $0x3  }
0x108: {  	[tilespmem:s31+$0xA800] =	vst v14  }
0x109: {  	v14 =	vld.idx.msk [tilespmem:v15+s13+$0x0], $0xffff;
	_ =	sdelay $0x4  }
0x10a: {  	[tilespmem:s31+$0xB800] =	vst v14  }
.LBB2_6:
0x10b: {  	p0 =	slt.u32 s8, $0x2;
	s1 =	sand.u32 $0x1, s8;
	s30 =	sshll.u32 s8, $0x2  }
0x10c: {  	s11 =	simm.s32 $0x0;
	s0 =	simm.s32 @!p0 $0x1;
	p1 =	seq.s32 s1, $0x1  }
0x10d: {  	s1 =	simm.s32 $0x3000;
	_ =	swait.ge @!p0 [sflag:s0], $0x3000;
	[dreg:$0xa] =	wrdreg s8  }
0x10e: {  	s1 =	simm.s32 @!p1 $0x0;
	[dreg:$0xb] =	wrdreg s30;
	[sflag:s0] =	ssyncset.done @!p0 $0x0  }
0x10f: {  	s31 =	sor.u32 $0x14A00, s1;
	s3 =	sadd.s32 $0x15000, s1;
	[sflag:s0] =	ssyncadd.s32 @!p0 $0xFFFFD000  }
.LBB2_7:
0x110: {  	s0 =	rddreg [dreg:$0xb]  }
0x111: {  	s0 =	sadd.s32 s0, s11  }
0x112: {  	v14 =	vmov s0  }
0x113: {  	v15 =	vor.u32 $0x800, v14  }
0x114: {  	s12 =	simm.s32 $0x0;
	v16 =	vor.u32 $0x600, v14  }
0x115: {  	v20 =	vor.u32 s12, v10;
	v17 =	vor.u32 $0x400, v14  }
0x116: {  	v18 =	vmul.u32 $0x124A, v20;
	v21 =	vor.u32 $0x200, v14  }
0x117: {  	v14 =	vld.idx.msk [tilespmem:v14+s9+$0x0], $0xffff  }
0x118: {  	v19 =	vld.idx.msk [tilespmem:v15+s9+$0x0], $0xffff;
	v15 =	vshrl.u32 v18, $0x10  }
0x119: {  	v18 =	vld.idx.msk [tilespmem:v16+s9+$0x0], $0xffff;
	v22 =	vmul.u32 $0xFFFFFFF2, v15  }
0x11a: {  	v17 =	vld.idx.msk [tilespmem:v17+s9+$0x0], $0xffff  }
0x11b: {  	v16 =	vld.idx.msk [tilespmem:v21+s9+$0x0], $0xffff;
	v15 =	vcvt.s32.f32 v15;
	v20 =	vadd.s32 v20, v22  }
0x11c: {  	v20 =	vcvt.s32.f32 v20  }
0x11d: {  	v15 =	vmul.f32 v15, v19  }
0x11e: {  	v20 =	vmul.f32 v20, v18  }
0x11f: {  	v22 =	vadd.f32 v15, v17  }
0x120: {  	v14 =	vtrunc.f32 v14;
	v20 =	vadd.f32 v20, v16  }
0x121: {  	v14 =	vcvt.f32.s32 v14;
	v15 =	vtrunc.f32 v22  }
0x122: {  	v21 =	vcvt.f32.s32 v15;
	v23 =	vtrunc.f32 v20  }
0x123: {  	v15 =	vshll.u32 v14, $0xA;
	v23 =	vcvt.f32.s32 v23  }
0x124: {  	v14 =	vor.u32 $0x20, v15;
	vm0 =	vlt.s32 v21, $0x1F;
	vm1 =	vlt.s32 v21, $0x1E  }
0x125: {  	v24 =	vnsel vm0, $0x1F, v21;
	v21 =	vnsel vm1, $0x1E, v21;
	vm10 =	vlt.s32 v23, $0x1E  }
0x126: {  	vm11 =	vlt.s32 v23, $0x1F;
	v25 =	vshll.u32 v24, $0x5;
	v26 =	vnsel vm10, $0x1E, v23  }
0x127: {  	v21 =	vshll.u32 v21, $0x5;
	v25 =	vadd.s32 v15, v25;
	v26 =	vadd.s32 $0x1, v26  }
0x128: {  	v23 =	vnsel vm11, $0x1F, v23;
	v21 =	vadd.s32 v21, v14;
	v27 =	vadd.s32 v25, v26  }
0x129: {  	v28 =	vadd.s32 v23, v21  }
0x12a: {  	v21 =	vadd.s32 v26, v21  }
0x12b: {  	v26 =	vadd.s32 v23, v25;
	_ =	sdelay $0x1  }
0x12c: {  	v29 =	vld.idx.msk [tilespmem:v27+s24+$0x0], $0xffff  }
0x12d: {  	v30 =	vld.idx.msk [tilespmem:v28+s24+$0x0], $0xffff  }
0x12e: {  	v31 =	vld.idx.msk [tilespmem:v21+s24+$0x0], $0xffff  }
0x12f: {  	v25 =	vld.idx.msk [tilespmem:v26+s21+$0x0], $0xffff  }
0x130: {  	v33 =	vld.idx.msk [tilespmem:v27+s21+$0x0], $0xffff  }
0x131: {  	v34 =	vld.idx.msk [tilespmem:v28+s21+$0x0], $0xffff  }
0x132: {  	v24 =	vcvt.s32.f32 v24;
	v35 =	vld.idx.msk [tilespmem:v26+s22+$0x0], $0xffff  }
0x133: {  	v36 =	vld.idx.msk [tilespmem:v27+s22+$0x0], $0xffff  }
0x134: {  	v22 =	vsub.f32 v22, v24;
	v24 =	vld.idx.msk [tilespmem:v28+s22+$0x0], $0xffff  }
0x135: {  	v37 =	vld.idx.msk [tilespmem:v27+s2+$0x0], $0xffff  }
0x136: {  	v23 =	vcvt.s32.f32 v23;
	v38 =	vld.idx.msk [tilespmem:v28+s2+$0x0], $0xffff  }
0x137: {  	v39 =	vld.idx.msk [tilespmem:v21+s2+$0x0], $0xffff  }
0x138: {  	v23 =	vsub.f32 v20, v23;
	v41 =	vld.idx.msk [tilespmem:v26+s15+$0x0], $0xffff  }
0x139: {  	s25 =	simm.s32 $0x10;
	v42 =	vld.idx.msk [tilespmem:v27+s15+$0x0], $0xffff  }
0x13a: {  	v48 =	vor.u32 s25, v10;
	v20 =	vmul.f32 v23, v22;
	v44 =	vld.idx.msk [tilespmem:v28+s15+$0x0], $0xffff  }
0x13b: {  	v49 =	vmul.u32 $0x124A, v48;
	v46 =	vld.idx.msk [tilespmem:v26+s16+$0x0], $0xffff  }
0x13c: {  	v1 =	vld.idx.msk [tilespmem:v28+s16+$0x0], $0xffff;
	v40 =	vsub.f32 v23, v20;
	v23 =	vsub.f32 $1.000000000e+00, v22  }
0x13d: {  	v49 =	vshrl.u32 v49, $0x10;
	v50 =	vld.idx.msk [tilespmem:v27+s14+$0x0], $0xffff  }
0x13e: {  	v52 =	vcvt.s32.f32 v49;
	v51 =	vld.idx.msk [tilespmem:v28+s14+$0x0], $0xffff;
	v43 =	vsub.f32 v23, v40  }
0x13f: {  	v53 =	vld.idx.msk [tilespmem:v26+s17+$0x0], $0xffff;
	v45 =	vsub.f32 v22, v20  }
0x140: {  	v52 =	vmul.f32 v52, v19;
	v54 =	vld.idx.msk [tilespmem:v27+s17+$0x0], $0xffff;
	v47 =	vmul.f32 v25, v43  }
0x141: {  	v56 =	vld.idx.msk [tilespmem:v26+s18+$0x0], $0xffff;
	v33 =	vmul.f32 v33, v40;
	v22 =	vmul.f32 v34, v45  }
0x142: {  	v57 =	vld.idx.msk [tilespmem:v28+s18+$0x0], $0xffff;
	v34 =	vmul.f32 v35, v43;
	v36 =	vmul.f32 v36, v40  }
0x143: {  	v59 =	vld.idx.msk [tilespmem:v26+s19+$0x0], $0xffff;
	v23 =	vmul.f32 v24, v45;
	v37 =	vmul.f32 v37, v40  }
0x144: {  	v60 =	vld.idx.msk [tilespmem:v27+s19+$0x0], $0xffff;
	v38 =	vmul.f32 v38, v45;
	v39 =	vmul.f32 v39, v20  }
0x145: {  	v61 =	vld.idx.msk [tilespmem:v28+s19+$0x0], $0xffff;
	v41 =	vmul.f32 v41, v43;
	v42 =	vmul.f32 v42, v40  }
0x146: {  	v62 =	vld.idx.msk [tilespmem:v26+s20+$0x0], $0xffff;
	v44 =	vmul.f32 v44, v45;
	v46 =	vmul.f32 v46, v43  }
0x147: {  	v12 =	vld.idx.msk [tilespmem:v28+s20+$0x0], $0xffff;
	v35 =	vmul.f32 v1, v45;
	v50 =	vmul.f32 v50, v40  }
0x148: {  	v2 =	vld.idx.msk [tilespmem:v28+s17+$0x0], $0xffff;
	v51 =	vmul.f32 v51, v45;
	v53 =	vmul.f32 v53, v43  }
0x149: {  	v28 =	vld.idx.msk [tilespmem:v28+s23+$0x0], $0xffff;
	v54 =	vmul.f32 v54, v40;
	v56 =	vmul.f32 v56, v43  }
0x14a: {  	v3 =	vld.idx.msk [tilespmem:v21+s23+$0x0], $0xffff;
	v57 =	vmul.f32 v57, v45;
	v59 =	vmul.f32 v59, v43  }
0x14b: {  	v25 =	vld.idx.msk [tilespmem:v27+s16+$0x0], $0xffff;
	v60 =	vmul.f32 v60, v40;
	v61 =	vmul.f32 v61, v45  }
0x14c: {  	v24 =	vld.idx.msk [tilespmem:v26+s14+$0x0], $0xffff;
	v62 =	vmul.f32 v62, v43;
	v12 =	vmul.f32 v12, v45  }
0x14d: {  	v49 =	vmul.u32 $0xFFFFFFF2, v49;
	v30 =	vmul.f32 v30, v45;
	v31 =	vmul.f32 v31, v20  }
0x14e: {  	v32 =	vld.idx.msk [tilespmem:v27+s23+$0x0], $0xffff;
	v29 =	vmul.f32 v29, v40;
	v28 =	vmul.f32 v28, v45;
	v38 =	vadd.f32 v39, v38  }
0x14f: {  	v3 =	vmul.f32 v3, v20;
	v39 =	vadd.f32 v42, v41;
	v41 =	vld.idx.msk [tilespmem:v26+s2+$0x0], $0xffff;
	v42 =	vadd.f32 v33, v47  }
0x150: {  	v55 =	vmul.f32 v25, v40;
	v25 =	vadd.s32 v48, v49;
	v48 =	vmul.f32 v2, v45;
	v2 =	vld.idx.msk [tilespmem:v26+s24+$0x0], $0xffff  }
0x151: {  	v30 =	vadd.f32 v31, v30;
	v34 =	vadd.f32 v36, v34;
	v24 =	vmul.f32 v24, v43;
	v26 =	vld.idx.msk [tilespmem:v26+s23+$0x0], $0xffff  }
0x152: {  	v3 =	vadd.f32 v3, v28;
	v49 =	vcvt.s32.f32 v25;
	v25 =	vadd.f32 v52, v17;
	v52 =	vld.idx.msk [tilespmem:v27+s18+$0x0], $0xffff  }
0x153: {  	v31 =	vmul.f32 v32, v40;
	v27 =	vld.idx.msk [tilespmem:v27+s20+$0x0], $0xffff;
	v46 =	vadd.f32 v55, v46;
	v24 =	vadd.f32 v50, v24  }
0x154: {  	v50 =	vadd.f32 v54, v53;
	v53 =	vld.idx.msk [tilespmem:v21+s15+$0x0], $0xffff;
	v49 =	vmul.f32 v49, v18;
	v58 =	vtrunc.f32 v25  }
0x155: {  	v55 =	vadd.f32 v60, v59;
	v59 =	vld.idx.msk [tilespmem:v21+s17+$0x0], $0xffff;
	v41 =	vmul.f32 v41, v43;
	v58 =	vcvt.f32.s32 v58  }
0x156: {  	v60 =	vld.idx.msk [tilespmem:v21+s19+$0x0], $0xffff;
	v49 =	vadd.f32 v49, v16;
	v2 =	vmul.f32 v2, v43;
	v26 =	vmul.f32 v26, v43  }
0x157: {  	vm12 =	vlt.s32 v58, $0x1F;
	vm13 =	vlt.s32 v58, $0x1E;
	v52 =	vmul.f32 v52, v40  }
0x158: {  	v27 =	vmul.f32 v27, v40;
	v63 =	vnsel vm12, $0x1F, v58;
	v0 =	vtrunc.f32 v49  }
0x159: {  	v54 =	vld.idx.msk [tilespmem:v21+s16+$0x0], $0xffff;
	v58 =	vnsel vm13, $0x1E, v58;
	v2 =	vadd.f32 v29, v2;
	v45 =	vmul.f32 v53, v20  }
0x15a: {  	v26 =	vadd.f32 v31, v26;
	v33 =	vmul.f32 v59, v20;
	v52 =	vadd.f32 v52, v56;
	v56 =	vld.idx.msk [tilespmem:v21+s14+$0x0], $0xffff  }
0x15b: {  	v31 =	vld.idx.msk [tilespmem:v21+s21+$0x0], $0xffff;
	v32 =	vmul.f32 v60, v20;
	v0 =	vcvt.f32.s32 v0;
	v1 =	vshll.u32 v63, $0x5  }
0x15c: {  	v29 =	vld.idx.msk [tilespmem:v21+s18+$0x0], $0xffff;
	v58 =	vshll.u32 v58, $0x5;
	v27 =	vadd.f32 v27, v62;
	v62 =	vadd.f32 v37, v41  }
0x15d: {  	v1 =	vadd.s32 v15, v1;
	v58 =	vadd.s32 v58, v14;
	v2 =	vadd.f32 v30, v2  }
0x15e: {  	v47 =	vld.idx.msk [tilespmem:v21+s20+$0x0], $0xffff;
	v30 =	vmul.f32 v54, v20;
	v28 =	vadd.f32 v45, v44;
	v33 =	vadd.f32 v33, v48  }
0x15f: {  	v21 =	vld.idx.msk [tilespmem:v21+s22+$0x0], $0xffff;
	v3 =	vadd.f32 v3, v26;
	vm14 =	vlt.s32 v0, $0x1F;
	v53 =	vmul.f32 v56, v20  }
0x160: {  	v36 =	vadd.f32 v38, v62;
	v30 =	vadd.f32 v30, v35;
	[tilespmem:s3+$0x500] =	vst v2;
	v31 =	vmul.f32 v31, v20  }
0x161: {  	v54 =	vadd.f32 v28, v39;
	[tilespmem:s3+$0x400] =	vst v3;
	v29 =	vmul.f32 v29, v20;
	v28 =	vadd.f32 v53, v51  }
0x162: {  	vm15 =	vlt.s32 v0, $0x1E;
	[tilespmem:s3+$0xFFFFFA00] =	vst v36;
	v30 =	vadd.f32 v30, v46;
	v22 =	vadd.f32 v31, v22  }
0x163: {  	[tilespmem:s3+$0xFFFFFB00] =	vst v54;
	v56 =	vadd.f32 v28, v24;
	v24 =	vadd.f32 v29, v57;
	v28 =	vmul.f32 v47, v20  }
0x164: {  	[tilespmem:s3+$0xFFFFFC00] =	vst v30;
	v30 =	vadd.f32 v32, v61;
	v29 =	vadd.f32 v33, v50;
	v20 =	vmul.f32 v21, v20  }
0x165: {  	v21 =	vnsel vm15, $0x1E, v0;
	[tilespmem:s3+$0xFFFFFD00] =	vst v56;
	v59 =	vadd.f32 v24, v52;
	v12 =	vadd.f32 v28, v12  }
0x166: {  	v0 =	vnsel vm14, $0x1F, v0;
	v21 =	vadd.s32 $0x1, v21;
	[tilespmem:s3+$0xFFFFFE00] =	vst v29;
	v24 =	vadd.f32 v30, v55  }
0x167: {  	v33 =	vadd.s32 v1, v21;
	[tilespmem:s3+$0xFFFFFF00] =	vst v59;
	v60 =	vadd.f32 v12, v27;
	v12 =	vadd.f32 v20, v23  }
0x168: {  	[tilespmem:s3+$0x0] =	vst v24;
	v20 =	vadd.f32 v22, v42;
	v27 =	vadd.s32 v0, v58  }
0x169: {  	v21 =	vadd.s32 v21, v58;
	[tilespmem:s3+$0x100] =	vst v60;
	v61 =	vadd.f32 v12, v34  }
0x16a: {  	[tilespmem:s3+$0x200] =	vst v20  }
0x16b: {  	[tilespmem:s3+$0x300] =	vst v61  }
0x16c: {  	v23 =	vld.idx.msk [tilespmem:v33+s24+$0x0], $0xffff  }
0x16d: {  	v31 =	vadd.s32 v0, v1;
	v28 =	vld.idx.msk [tilespmem:v27+s24+$0x0], $0xffff  }
0x16e: {  	v29 =	vld.idx.msk [tilespmem:v21+s24+$0x0], $0xffff  }
0x16f: {  	v62 =	vcvt.s32.f32 v63;
	v0 =	vcvt.s32.f32 v0;
	v22 =	vld.idx.msk [tilespmem:v33+s23+$0x0], $0xffff  }
0x170: {  	v24 =	vld.idx.msk [tilespmem:v27+s23+$0x0], $0xffff  }
0x171: {  	v1 =	vsub.f32 v25, v62;
	v0 =	vsub.f32 v49, v0;
	v26 =	vld.idx.msk [tilespmem:v21+s23+$0x0], $0xffff  }
0x172: {  	s26 =	smul.u32 $0x3000, s11;
	v2 =	vld.idx.msk [tilespmem:v31+s21+$0x0], $0xffff  }
0x173: {  	v20 =	vmul.f32 v0, v1;
	v3 =	vld.idx.msk [tilespmem:v33+s21+$0x0], $0xffff  }
0x174: {  	s0 =	sshra.s32 s26, $0x2;
	v36 =	vld.idx.msk [tilespmem:v27+s21+$0x0], $0xffff  }
0x175: {  	s1 =	simm.s32 $0x20;
	s4 =	sadd.s32 s0, s31;
	v63 =	vsub.f32 $1.000000000e+00, v1;
	v37 =	vld.idx.msk [tilespmem:v31+s22+$0x0], $0xffff;
	v25 =	vsub.f32 v0, v20  }
0x176: {  	s0 =	smov.u32 s3;
	s30 =	sadd.s32 $0x100, s4;
	s7 =	sadd.s32 $0x200, s4;
	v38 =	vld.idx.msk [tilespmem:v33+s22+$0x0], $0xffff  }
0x177: {  	s26 =	sadd.s32 $0x300, s4;
	s25 =	sadd.s32 $0x400, s4;
	s29 =	sadd.s32 $0x500, s4;
	v39 =	vld.idx.msk [tilespmem:v27+s22+$0x0], $0xffff;
	v30 =	vsub.f32 v63, v25  }
0x178: {  	s28 =	sadd.s32 $0x600, s4;
	s10 =	sadd.s32 $0x700, s4;
	s5 =	sadd.s32 $0x800, s4;
	v40 =	vld.idx.msk [tilespmem:v33+s2+$0x0], $0xffff;
	v32 =	vsub.f32 v1, v20  }
0x179: {  	s8 =	sadd.s32 $0x900, s4;
	s6 =	sadd.s32 $0xA00, s4;
	s12 =	sadd.s32 $0xB00, s4;
	v42 =	vld.idx.msk [tilespmem:v27+s2+$0x0], $0xffff;
	v34 =	vmul.f32 v2, v30;
	v35 =	vmul.f32 v3, v25  }
.LBB2_8:
0x17a: {  	p0 =	sne.s32 s1, $0xB0;
	v0 =	vld.idx.msk [tilespmem:v21+s2+$0x0], $0xffff;
	v36 =	vmul.f32 v36, v32  }
0x17b: {  	v41 =	vmul.f32 v37, v30;
	v1 =	vld.idx.msk [tilespmem:v31+s15+$0x0], $0xffff  }
0x17c: {  	v3 =	vmul.f32 v38, v25;
	v2 =	vld.idx.msk [tilespmem:v33+s15+$0x0], $0xffff  }
0x17d: {  	v37 =	vmul.f32 v39, v32;
	v12 =	vld.idx.msk [tilespmem:v27+s15+$0x0], $0xffff  }
0x17e: {  	v43 =	vmul.f32 v40, v25;
	v38 =	vld.idx.msk [tilespmem:v31+s16+$0x0], $0xffff  }
0x17f: {  	v42 =	vmul.f32 v42, v32;
	v39 =	vld.idx.msk [tilespmem:v33+s16+$0x0], $0xffff  }
0x180: {  	v40 =	vor.u32 s1, v10;
	v0 =	vmul.f32 v0, v20;
	v44 =	vld.idx.msk [tilespmem:v27+s16+$0x0], $0xffff  }
0x181: {  	v45 =	vmul.u32 $0x124A, v40;
	v1 =	vmul.f32 v1, v30;
	v46 =	vld.idx.msk [tilespmem:v31+s14+$0x0], $0xffff  }
0x182: {  	v2 =	vmul.f32 v2, v25;
	v47 =	vld.idx.msk [tilespmem:v33+s14+$0x0], $0xffff  }
0x183: {  	v45 =	vshrl.u32 v45, $0x10;
	v12 =	vmul.f32 v12, v32;
	v48 =	vld.idx.msk [tilespmem:v27+s14+$0x0], $0xffff  }
0x184: {  	v49 =	vmul.u32 $0xFFFFFFF2, v45;
	v45 =	vcvt.s32.f32 v45;
	v51 =	vmul.f32 v38, v30;
	v50 =	vld.idx.msk [tilespmem:v31+s17+$0x0], $0xffff  }
0x185: {  	v53 =	vmul.f32 v39, v25;
	v52 =	vld.idx.msk [tilespmem:v33+s17+$0x0], $0xffff  }
0x186: {  	v38 =	vadd.s32 v40, v49;
	v39 =	vmul.f32 v45, v19;
	v44 =	vmul.f32 v44, v32;
	v40 =	vld.idx.msk [tilespmem:v27+s17+$0x0], $0xffff  }
0x187: {  	v45 =	vcvt.s32.f32 v38;
	v46 =	vmul.f32 v46, v30;
	v49 =	vld.idx.msk [tilespmem:v31+s18+$0x0], $0xffff  }
0x188: {  	v38 =	vadd.f32 v39, v17;
	v47 =	vmul.f32 v47, v25;
	v54 =	vld.idx.msk [tilespmem:v33+s18+$0x0], $0xffff  }
0x189: {  	v39 =	vmul.f32 v45, v18;
	v48 =	vmul.f32 v48, v32;
	v45 =	vld.idx.msk [tilespmem:v27+s18+$0x0], $0xffff  }
0x18a: {  	v55 =	vtrunc.f32 v38;
	v50 =	vmul.f32 v50, v30;
	v56 =	vld.idx.msk [tilespmem:v31+s19+$0x0], $0xffff  }
0x18b: {  	v55 =	vcvt.f32.s32 v55;
	v52 =	vmul.f32 v52, v25;
	v57 =	vld.idx.msk [tilespmem:v33+s19+$0x0], $0xffff  }
0x18c: {  	v39 =	vadd.f32 v39, v16;
	v59 =	vmul.f32 v40, v32;
	v58 =	vld.idx.msk [tilespmem:v27+s19+$0x0], $0xffff  }
0x18d: {  	vm0 =	vlt.s32 v55, $0x1F;
	vm1 =	vlt.s32 v55, $0x1E;
	v49 =	vmul.f32 v49, v30;
	v60 =	vld.idx.msk [tilespmem:v31+s20+$0x0], $0xffff  }
0x18e: {  	v61 =	vtrunc.f32 v39;
	v40 =	vnsel vm0, $0x1F, v55;
	v54 =	vmul.f32 v54, v25;
	v33 =	vld.idx.msk [tilespmem:v33+s20+$0x0], $0xffff  }
0x18f: {  	v61 =	vcvt.f32.s32 v61;
	v55 =	vnsel vm1, $0x1E, v55;
	v45 =	vmul.f32 v45, v32;
	v27 =	vld.idx.msk [tilespmem:v27+s20+$0x0], $0xffff  }
0x190: {  	v62 =	vshll.u32 v40, $0x5;
	v55 =	vshll.u32 v55, $0x5;
	v56 =	vmul.f32 v56, v30  }
0x191: {  	v62 =	vadd.s32 v15, v62;
	v55 =	vadd.s32 v55, v14;
	v57 =	vmul.f32 v57, v25;
	v63 =	vld.idx.msk [tilespmem:v31+s24+$0x0], $0xffff  }
0x192: {  	vm1 =	vlt.s32 v61, $0x1F;
	vm0 =	vlt.s32 v61, $0x1E;
	v58 =	vmul.f32 v58, v32  }
0x193: {  	v0 =	vadd.f32 v0, v42;
	v1 =	vadd.f32 v2, v1;
	v2 =	vmul.f32 v60, v30;
	v4 =	vld.idx.msk [tilespmem:v31+s2+$0x0], $0xffff  }
0x194: {  	v42 =	vadd.f32 v53, v51;
	v46 =	vadd.f32 v47, v46;
	v33 =	vmul.f32 v33, v25;
	v31 =	vld.idx.msk [tilespmem:v31+s23+$0x0], $0xffff  }
0x195: {  	v50 =	vadd.f32 v52, v50;
	v49 =	vadd.f32 v54, v49;
	v27 =	vmul.f32 v27, v32;
	v47 =	vld.idx.msk [tilespmem:v21+s15+$0x0], $0xffff  }
0x196: {  	v28 =	vmul.f32 v28, v32;
	v29 =	vmul.f32 v29, v20;
	v52 =	vadd.f32 v57, v56;
	v51 =	vld.idx.msk [tilespmem:v21+s16+$0x0], $0xffff  }
0x197: {  	v23 =	vmul.f32 v23, v25;
	v2 =	vadd.f32 v33, v2;
	v33 =	vmul.f32 v63, v30;
	v53 =	vld.idx.msk [tilespmem:v21+s14+$0x0], $0xffff  }
0x198: {  	v24 =	vmul.f32 v24, v32;
	v26 =	vmul.f32 v26, v20;
	v34 =	vadd.f32 v35, v34;
	v54 =	vld.idx.msk [tilespmem:v21+s17+$0x0], $0xffff  }
0x199: {  	v28 =	vadd.f32 v29, v28;
	v4 =	vmul.f32 v4, v30;
	v23 =	vadd.f32 v23, v33;
	v32 =	vld.idx.msk [tilespmem:v21+s18+$0x0], $0xffff  }
0x19a: {  	v22 =	vmul.f32 v22, v25;
	v3 =	vadd.f32 v3, v41;
	v30 =	vmul.f32 v31, v30;
	v29 =	vld.idx.msk [tilespmem:v21+s19+$0x0], $0xffff  }
0x19b: {  	v4 =	vadd.f32 v43, v4;
	v31 =	vmul.f32 v47, v20;
	v23 =	vadd.f32 v28, v23;
	v25 =	vld.idx.msk [tilespmem:v21+s20+$0x0], $0xffff  }
0x19c: {  	s0 =	sadd.s32 $0x10, s0;
	v24 =	vadd.f32 v26, v24;
	v33 =	vmul.f32 v51, v20;
	v22 =	vadd.f32 v22, v30;
	v28 =	vld.idx.msk [tilespmem:v21+s21+$0x0], $0xffff  }
0x19d: {  	v26 =	vnsel vm1, $0x1F, v61;
	v12 =	vadd.f32 v31, v12;
	v30 =	vmul.f32 v53, v20;
	v21 =	vld.idx.msk [tilespmem:v21+s22+$0x0], $0xffff;
	[tilespmem:s0+$0x500] =	vst v23  }
0x19e: {  	v0 =	vadd.f32 v0, v4;
	v4 =	vadd.f32 v33, v44;
	v23 =	vmul.f32 v54, v20  }
0x19f: {  	v1 =	vadd.f32 v12, v1;
	v12 =	vadd.f32 v30, v48;
	v30 =	vmul.f32 v32, v20  }
0x1a0: {  	[tilespmem:s0+$0xFFFFFA00] =	vst v0;
	v0 =	vadd.f32 v4, v42;
	v4 =	vadd.f32 v23, v59;
	v23 =	vmul.f32 v29, v20  }
0x1a1: {  	v25 =	vmul.f32 v25, v20;
	[tilespmem:s0+$0xFFFFFB00] =	vst v1;
	v1 =	vadd.f32 v12, v46;
	v12 =	vadd.f32 v30, v45  }
0x1a2: {  	[tilespmem:s0+$0xFFFFFC00] =	vst v0;
	v0 =	vadd.f32 v4, v50;
	v4 =	vadd.f32 v23, v58;
	v23 =	vmul.f32 v28, v20  }
0x1a3: {  	v20 =	vmul.f32 v21, v20;
	[tilespmem:s0+$0xFFFFFD00] =	vst v1;
	v1 =	vadd.f32 v12, v49;
	v12 =	vadd.f32 v25, v27  }
0x1a4: {  	v21 =	vnsel vm0, $0x1E, v61;
	[tilespmem:s0+$0xFFFFFE00] =	vst v0;
	v0 =	vadd.f32 v4, v52;
	v4 =	vadd.f32 v23, v36  }
0x1a5: {  	v21 =	vadd.s32 $0x1, v21;
	[tilespmem:s0+$0xFFFFFF00] =	vst v1;
	v1 =	vadd.f32 v12, v2;
	v2 =	vadd.f32 v20, v37  }
0x1a6: {  	v33 =	vadd.s32 v62, v21;
	[tilespmem:s0+$0x0] =	vst v0;
	v0 =	vadd.f32 v4, v34;
	v4 =	vadd.f32 v24, v22  }
0x1a7: {  	v27 =	vadd.s32 v26, v55;
	[tilespmem:s0+$0x100] =	vst v1;
	v1 =	vadd.f32 v2, v3  }
0x1a8: {  	v21 =	vadd.s32 v21, v55;
	[tilespmem:s0+$0x200] =	vst v0  }
0x1a9: {  	[tilespmem:s0+$0x300] =	vst v1  }
0x1aa: {  	[tilespmem:s0+$0x400] =	vst v4  }
0x1ab: {  	v23 =	vld.idx.msk [tilespmem:v33+s24+$0x0], $0xffff  }
0x1ac: {  	v31 =	vadd.s32 v26, v62;
	v28 =	vld.idx.msk [tilespmem:v27+s24+$0x0], $0xffff  }
0x1ad: {  	v0 =	vcvt.s32.f32 v40;
	v1 =	vcvt.s32.f32 v26;
	v29 =	vld.idx.msk [tilespmem:v21+s24+$0x0], $0xffff  }
0x1ae: {  	v22 =	vld.idx.msk [tilespmem:v33+s23+$0x0], $0xffff  }
0x1af: {  	v0 =	vsub.f32 v38, v0;
	v1 =	vsub.f32 v39, v1;
	v24 =	vld.idx.msk [tilespmem:v27+s23+$0x0], $0xffff  }
0x1b0: {  	v26 =	vld.idx.msk [tilespmem:v21+s23+$0x0], $0xffff  }
0x1b1: {  	v20 =	vmul.f32 v1, v0;
	v2 =	vld.idx.msk [tilespmem:v31+s21+$0x0], $0xffff  }
0x1b2: {  	v3 =	vld.idx.msk [tilespmem:v33+s21+$0x0], $0xffff  }
0x1b3: {  	v25 =	vsub.f32 v1, v20;
	v1 =	vsub.f32 $1.000000000e+00, v0;
	v36 =	vld.idx.msk [tilespmem:v27+s21+$0x0], $0xffff  }
.Ltmp2:
0x1b4: {  	v37 =	vld.idx.msk [tilespmem:v31+s22+$0x0], $0xffff;
	(pc) =	sbr.rel @p0 .LBB2_8-.Ltmp2, $4  }
0x1b5: {  	v30 =	vsub.f32 v1, v25;
	v38 =	vld.idx.msk [tilespmem:v33+s22+$0x0], $0xffff  }
0x1b6: {  	v39 =	vld.idx.msk [tilespmem:v27+s22+$0x0], $0xffff  }
0x1b7: {  	v32 =	vsub.f32 v0, v20;
	v34 =	vmul.f32 v2, v30;
	v40 =	vld.idx.msk [tilespmem:v33+s2+$0x0], $0xffff  }
0x1b8: {  	s1 =	sadd.s32 $0x10, s1;
	v35 =	vmul.f32 v3, v25;
	v42 =	vld.idx.msk [tilespmem:v27+s2+$0x0], $0xffff  }
0x1b9: {  	_ =	sdelay $0x3  }
0x1ba: {  	v0 =	vld.idx.msk [tilespmem:v21+s2+$0x0], $0xffff  }
0x1bb: {  	v1 =	vld.idx.msk [tilespmem:v31+s15+$0x0], $0xffff  }
0x1bc: {  	v2 =	vld.idx.msk [tilespmem:v33+s15+$0x0], $0xffff  }
0x1bd: {  	v3 =	vld.idx.msk [tilespmem:v27+s15+$0x0], $0xffff  }
0x1be: {  	v4 =	vld.idx.msk [tilespmem:v31+s16+$0x0], $0xffff  }
0x1bf: {  	v12 =	vld.idx.msk [tilespmem:v33+s16+$0x0], $0xffff  }
0x1c0: {  	v41 =	vld.idx.msk [tilespmem:v27+s16+$0x0], $0xffff  }
0x1c1: {  	v43 =	vld.idx.msk [tilespmem:v31+s14+$0x0], $0xffff  }
0x1c2: {  	v44 =	vld.idx.msk [tilespmem:v33+s14+$0x0], $0xffff  }
0x1c3: {  	v45 =	vld.idx.msk [tilespmem:v27+s14+$0x0], $0xffff  }
0x1c4: {  	v46 =	vld.idx.msk [tilespmem:v31+s17+$0x0], $0xffff  }
0x1c5: {  	v36 =	vmul.f32 v36, v32;
	v47 =	vld.idx.msk [tilespmem:v33+s17+$0x0], $0xffff  }
0x1c6: {  	v37 =	vmul.f32 v37, v30;
	v48 =	vld.idx.msk [tilespmem:v27+s17+$0x0], $0xffff;
	v28 =	vmul.f32 v28, v32  }
0x1c7: {  	v49 =	vld.idx.msk [tilespmem:v31+s18+$0x0], $0xffff;
	v29 =	vmul.f32 v29, v20;
	v23 =	vmul.f32 v23, v25  }
0x1c8: {  	v50 =	vld.idx.msk [tilespmem:v33+s18+$0x0], $0xffff;
	v24 =	vmul.f32 v24, v32;
	v26 =	vmul.f32 v26, v20  }
0x1c9: {  	v51 =	vld.idx.msk [tilespmem:v27+s18+$0x0], $0xffff;
	v22 =	vmul.f32 v22, v25;
	v38 =	vmul.f32 v38, v25  }
0x1ca: {  	v52 =	vld.idx.msk [tilespmem:v31+s19+$0x0], $0xffff;
	v39 =	vmul.f32 v39, v32;
	v40 =	vmul.f32 v40, v25  }
0x1cb: {  	v53 =	vld.idx.msk [tilespmem:v33+s19+$0x0], $0xffff;
	v42 =	vmul.f32 v42, v32;
	v0 =	vmul.f32 v0, v20  }
0x1cc: {  	v54 =	vld.idx.msk [tilespmem:v27+s19+$0x0], $0xffff;
	v1 =	vmul.f32 v1, v30;
	v2 =	vmul.f32 v2, v25  }
0x1cd: {  	v55 =	vld.idx.msk [tilespmem:v31+s20+$0x0], $0xffff;
	v3 =	vmul.f32 v3, v32;
	v4 =	vmul.f32 v4, v30  }
0x1ce: {  	v63 =	vld.idx.msk [tilespmem:v33+s20+$0x0], $0xffff;
	v12 =	vmul.f32 v12, v25;
	v41 =	vmul.f32 v41, v32  }
0x1cf: {  	v56 =	vld.idx.msk [tilespmem:v31+s24+$0x0], $0xffff;
	v43 =	vmul.f32 v43, v30;
	v44 =	vmul.f32 v44, v25  }
0x1d0: {  	v57 =	vld.idx.msk [tilespmem:v31+s2+$0x0], $0xffff;
	v45 =	vmul.f32 v45, v32;
	v46 =	vmul.f32 v46, v30  }
0x1d1: {  	v59 =	vld.idx.msk [tilespmem:v21+s15+$0x0], $0xffff;
	v28 =	vadd.f32 v29, v28;
	v47 =	vmul.f32 v47, v25;
	v48 =	vmul.f32 v48, v32  }
0x1d2: {  	v60 =	vld.idx.msk [tilespmem:v21+s16+$0x0], $0xffff;
	v24 =	vadd.f32 v26, v24;
	v49 =	vmul.f32 v49, v30;
	v50 =	vmul.f32 v50, v25  }
0x1d3: {  	v62 =	vld.idx.msk [tilespmem:v21+s14+$0x0], $0xffff;
	v29 =	vadd.f32 v38, v37;
	v51 =	vmul.f32 v51, v32;
	v52 =	vmul.f32 v52, v30  }
0x1d4: {  	v37 =	vld.idx.msk [tilespmem:v21+s22+$0x0], $0xffff;
	v53 =	vmul.f32 v53, v25;
	v58 =	vmul.f32 v55, v30;
	v0 =	vadd.f32 v0, v42  }
0x1d5: {  	v33 =	vmul.f32 v63, v25;
	v63 =	vld.idx.msk [tilespmem:v27+s20+$0x0], $0xffff;
	v1 =	vadd.f32 v2, v1;
	v4 =	vadd.f32 v12, v4  }
0x1d6: {  	v61 =	vmul.f32 v56, v30;
	v12 =	vld.idx.msk [tilespmem:v31+s23+$0x0], $0xffff;
	v31 =	vadd.f32 v44, v43;
	v43 =	vadd.f32 v47, v46  }
0x1d7: {  	v54 =	vmul.f32 v54, v32;
	v55 =	vld.idx.msk [tilespmem:v21+s18+$0x0], $0xffff;
	v46 =	vadd.f32 v50, v49;
	v49 =	vadd.f32 v53, v52  }
0x1d8: {  	v2 =	vadd.f32 v33, v58;
	v42 =	vmul.f32 v57, v30;
	v23 =	vadd.f32 v23, v61;
	v53 =	vld.idx.msk [tilespmem:v21+s17+$0x0], $0xffff  }
0x1d9: {  	v33 =	vadd.f32 v35, v34;
	v57 =	vmul.f32 v59, v20;
	v58 =	vmul.f32 v60, v20;
	v35 =	vld [tilespmem:$0x1FFA0]  }
0x1da: {  	v60 =	vmul.f32 v62, v20;
	v61 =	vld.idx.msk [tilespmem:v21+s20+$0x0], $0xffff;
	v56 =	vadd.f32 v40, v42;
	v23 =	vadd.f32 v28, v23  }
0x1db: {  	v50 =	vmul.f32 v37, v20;
	v3 =	vadd.f32 v57, v3;
	v28 =	vadd.f32 v58, v41;
	v40 =	vld [tilespmem:$0x1FFB0]  }
0x1dc: {  	v59 =	vld.idx.msk [tilespmem:v21+s19+$0x0], $0xffff;
	v27 =	vmul.f32 v63, v32;
	v25 =	vmul.f32 v55, v20;
	v0 =	vadd.f32 v0, v56  }
0x1dd: {  	v1 =	vadd.f32 v3, v1;
	v3 =	vadd.f32 v60, v45;
	v12 =	vmul.f32 v12, v30  }
0x1de: {  	v4 =	vadd.f32 v28, v4;
	v63 =	vmul.f32 v53, v20;
	v19 =	vmul.f32 v35, v19  }
0x1df: {  	v62 =	vld.idx.msk [tilespmem:v21+s21+$0x0], $0xffff;
	v25 =	vadd.f32 v25, v51;
	v41 =	vmul.f32 v61, v20;
	v3 =	vadd.f32 v3, v31  }
0x1e0: {  	v12 =	vadd.f32 v22, v12;
	v18 =	vmul.f32 v40, v18;
	v17 =	vadd.f32 v19, v17  }
0x1e1: {  	s0 =	sadd.s32 $0x10, s0;
	v38 =	vadd.f32 v63, v48;
	v22 =	vmul.f32 v59, v20;
	v45 =	vadd.f32 v25, v46  }
0x1e2: {  	[tilespmem:s0+$0x500] =	vst v23;
	v48 =	vadd.f32 v41, v27;
	v16 =	vadd.f32 v18, v16;
	v44 =	vtrunc.f32 v17  }
0x1e3: {  	[tilespmem:s0+$0xFFFFFD00] =	vst v3;
	v3 =	vadd.f32 v50, v39;
	v26 =	vadd.f32 v38, v43;
	v46 =	vcvt.f32.s32 v44  }
0x1e4: {  	[tilespmem:s0+$0xFFFFFA00] =	vst v0;
	v42 =	vadd.f32 v22, v54;
	v43 =	vmul.f32 v62, v20;
	v47 =	vtrunc.f32 v16  }
0x1e5: {  	[tilespmem:s0+$0xFFFFFB00] =	vst v1;
	v0 =	vadd.f32 v48, v2;
	v51 =	vcvt.f32.s32 v47;
	vm0 =	vlt.s32 v46, $0x1F  }
0x1e6: {  	[tilespmem:s0+$0xFFFFFC00] =	vst v4;
	v12 =	vadd.f32 v24, v12;
	v58 =	vadd.f32 v3, v29;
	v54 =	vnsel vm0, $0x1F, v46  }
0x1e7: {  	[tilespmem:s0+$0xFFFFFF00] =	vst v45;
	vm13 =	vlt.s32 v51, $0x1F;
	vm15 =	vlt.s32 v51, $0x1E;
	v56 =	vshll.u32 v54, $0x5  }
0x1e8: {  	[tilespmem:s0+$0xFFFFFE00] =	vst v26;
	v4 =	vnsel vm13, $0x1F, v51;
	v20 =	vnsel vm15, $0x1E, v51;
	v15 =	vadd.s32 v15, v56  }
0x1e9: {  	v53 =	vadd.f32 v43, v36;
	[tilespmem:s0+$0x100] =	vst v0;
	v57 =	vadd.s32 $0x1, v20;
	v20 =	vadd.s32 v4, v15  }
0x1ea: {  	v52 =	vadd.f32 v42, v49;
	[tilespmem:s0+$0x400] =	vst v12  }
0x1eb: {  	[tilespmem:s0+$0x300] =	vst v58;
	v18 =	vadd.f32 v53, v33  }
0x1ec: {  	[tilespmem:s0+$0x0] =	vst v52  }
0x1ed: {  	[tilespmem:s0+$0x200] =	vst v18  }
0x1ee: {  	v59 =	vld.idx.msk [tilespmem:v20+s2+$0x0], $0xffff  }
0x1ef: {  	v61 =	vld.idx.msk [tilespmem:v20+s15+$0x0], $0xffff  }
0x1f0: {  	v24 =	vld.idx.msk [tilespmem:v20+s16+$0x0], $0xffff  }
0x1f1: {  	v28 =	vld.idx.msk [tilespmem:v20+s14+$0x0], $0xffff  }
0x1f2: {  	vm14 =	vlt.s32 v46, $0x1E;
	v32 =	vld.idx.msk [tilespmem:v20+s17+$0x0], $0xffff  }
0x1f3: {  	v55 =	vnsel vm14, $0x1E, v46;
	v36 =	vld.idx.msk [tilespmem:v20+s18+$0x0], $0xffff  }
0x1f4: {  	v19 =	vshll.u32 v55, $0x5;
	v40 =	vld.idx.msk [tilespmem:v20+s19+$0x0], $0xffff  }
0x1f5: {  	v3 =	vadd.s32 v19, v14;
	v14 =	vadd.s32 v57, v15;
	v44 =	vld.idx.msk [tilespmem:v20+s20+$0x0], $0xffff  }
0x1f6: {  	v15 =	vadd.s32 v4, v3;
	v47 =	vld.idx.msk [tilespmem:v20+s21+$0x0], $0xffff  }
0x1f7: {  	v0 =	vadd.s32 v57, v3;
	v52 =	vld.idx.msk [tilespmem:v20+s22+$0x0], $0xffff  }
0x1f8: {  	v56 =	vld.idx.msk [tilespmem:v20+s23+$0x0], $0xffff  }
0x1f9: {  	v20 =	vld.idx.msk [tilespmem:v20+s24+$0x0], $0xffff  }
0x1fa: {  	v3 =	vld.idx.msk [tilespmem:v14+s2+$0x0], $0xffff  }
0x1fb: {  	v12 =	vld.idx.msk [tilespmem:v15+s2+$0x0], $0xffff  }
0x1fc: {  	v18 =	vld.idx.msk [tilespmem:v0+s2+$0x0], $0xffff  }
0x1fd: {  	v62 =	vld.idx.msk [tilespmem:v14+s15+$0x0], $0xffff  }
0x1fe: {  	v63 =	vld.idx.msk [tilespmem:v15+s15+$0x0], $0xffff  }
0x1ff: {  	v23 =	vld.idx.msk [tilespmem:v0+s15+$0x0], $0xffff  }
0x200: {  	v25 =	vld.idx.msk [tilespmem:v14+s16+$0x0], $0xffff  }
0x201: {  	v26 =	vld.idx.msk [tilespmem:v15+s16+$0x0], $0xffff  }
0x202: {  	v27 =	vld.idx.msk [tilespmem:v0+s16+$0x0], $0xffff  }
0x203: {  	v29 =	vld.idx.msk [tilespmem:v14+s14+$0x0], $0xffff  }
0x204: {  	v30 =	vld.idx.msk [tilespmem:v15+s14+$0x0], $0xffff  }
0x205: {  	v2 =	vcvt.s32.f32 v54;
	v4 =	vcvt.s32.f32 v4;
	v31 =	vld.idx.msk [tilespmem:v0+s14+$0x0], $0xffff  }
0x206: {  	v33 =	vld.idx.msk [tilespmem:v14+s17+$0x0], $0xffff  }
0x207: {  	v2 =	vsub.f32 v17, v2;
	v4 =	vsub.f32 v16, v4;
	v34 =	vld.idx.msk [tilespmem:v15+s17+$0x0], $0xffff  }
0x208: {  	v35 =	vld.idx.msk [tilespmem:v0+s17+$0x0], $0xffff  }
0x209: {  	v46 =	vmul.f32 v2, v4;
	v37 =	vld.idx.msk [tilespmem:v14+s18+$0x0], $0xffff  }
0x20a: {  	v38 =	vld.idx.msk [tilespmem:v15+s18+$0x0], $0xffff  }
0x20b: {  	v60 =	vsub.f32 $1.000000000e+00, v2;
	v39 =	vld.idx.msk [tilespmem:v0+s18+$0x0], $0xffff;
	v4 =	vsub.f32 v4, v46  }
0x20c: {  	v41 =	vld.idx.msk [tilespmem:v14+s19+$0x0], $0xffff  }
0x20d: {  	v42 =	vld.idx.msk [tilespmem:v15+s19+$0x0], $0xffff;
	v49 =	vsub.f32 v60, v4  }
0x20e: {  	v43 =	vld.idx.msk [tilespmem:v0+s19+$0x0], $0xffff;
	v2 =	vsub.f32 v2, v46  }
0x20f: {  	v16 =	vld.idx.msk [tilespmem:v15+s20+$0x0], $0xffff;
	v1 =	vmul.f32 v59, v49  }
0x210: {  	v45 =	vld.idx.msk [tilespmem:v14+s20+$0x0], $0xffff;
	v3 =	vmul.f32 v3, v4;
	v12 =	vmul.f32 v12, v2  }
0x211: {  	v17 =	vld.idx.msk [tilespmem:v0+s20+$0x0], $0xffff;
	v18 =	vmul.f32 v18, v46;
	v57 =	vmul.f32 v24, v49  }
0x212: {  	v48 =	vld.idx.msk [tilespmem:v14+s21+$0x0], $0xffff;
	v58 =	vmul.f32 v25, v4;
	v59 =	vmul.f32 v26, v2  }
0x213: {  	v50 =	vld.idx.msk [tilespmem:v15+s21+$0x0], $0xffff;
	v60 =	vmul.f32 v27, v46;
	v32 =	vmul.f32 v32, v49  }
0x214: {  	v51 =	vld.idx.msk [tilespmem:v0+s21+$0x0], $0xffff;
	v35 =	vmul.f32 v35, v46;
	v16 =	vmul.f32 v16, v2  }
0x215: {  	v53 =	vld.idx.msk [tilespmem:v14+s22+$0x0], $0xffff;
	v1 =	vadd.f32 v3, v1;
	v3 =	vmul.f32 v61, v49;
	v61 =	vmul.f32 v62, v4  }
0x216: {  	v54 =	vld.idx.msk [tilespmem:v15+s22+$0x0], $0xffff;
	v62 =	vmul.f32 v63, v2;
	v63 =	vmul.f32 v23, v46  }
0x217: {  	v55 =	vld.idx.msk [tilespmem:v0+s22+$0x0], $0xffff;
	v17 =	vmul.f32 v17, v46;
	v47 =	vmul.f32 v47, v49;
	v12 =	vadd.f32 v18, v12  }
0x218: {  	v21 =	vld.idx.msk [tilespmem:v14+s23+$0x0], $0xffff;
	v48 =	vmul.f32 v48, v4;
	v3 =	vadd.f32 v61, v3;
	v18 =	vadd.f32 v63, v62  }
0x219: {  	v14 =	vld.idx.msk [tilespmem:v14+s24+$0x0], $0xffff;
	v1 =	vadd.f32 v12, v1;
	v12 =	vmul.f32 v28, v49;
	v61 =	vmul.f32 v29, v4  }
0x21a: {  	v25 =	vld.idx.msk [tilespmem:v0+s23+$0x0], $0xffff;
	v19 =	vadd.f32 v58, v57;
	v62 =	vmul.f32 v30, v2;
	v63 =	vmul.f32 v31, v46  }
0x21b: {  	v0 =	vld.idx.msk [tilespmem:v0+s24+$0x0], $0xffff;
	v51 =	vmul.f32 v51, v46;
	v22 =	vadd.f32 v60, v59;
	v3 =	vadd.f32 v18, v3  }
0x21c: {  	v52 =	vmul.f32 v52, v49;
	v23 =	vld.idx.msk [tilespmem:v15+s23+$0x0], $0xffff;
	v12 =	vadd.f32 v61, v12;
	v18 =	vadd.f32 v63, v62  }
0x21d: {  	v53 =	vmul.f32 v53, v4;
	v15 =	vld.idx.msk [tilespmem:v15+s24+$0x0], $0xffff;
	v31 =	vadd.f32 v22, v19;
	[tilespmem:v13+s4+$0x0] =	vst.idx.msk $0xf, v1  }
0x21e: {  	v21 =	vmul.f32 v21, v4;
	[tilespmem:v13+s30+$0x0] =	vst.idx.msk $0xf, v3;
	v3 =	vadd.f32 v18, v12  }
0x21f: {  	v57 =	vmul.f32 v54, v2;
	v12 =	vmul.f32 v33, v4;
	[tilespmem:v13+s7+$0x0] =	vst.idx.msk $0xf, v31  }
0x220: {  	v58 =	vmul.f32 v55, v46;
	[tilespmem:v13+s26+$0x0] =	vst.idx.msk $0xf, v3;
	v3 =	vmul.f32 v34, v2  }
0x221: {  	v1 =	vadd.f32 v12, v32;
	v12 =	vmul.f32 v36, v49;
	v36 =	vmul.f32 v37, v4  }
0x222: {  	v37 =	vmul.f32 v38, v2;
	v38 =	vmul.f32 v39, v46  }
0x223: {  	v59 =	vmul.f32 v56, v49;
	v39 =	vmul.f32 v40, v49;
	v3 =	vadd.f32 v35, v3  }
0x224: {  	v40 =	vmul.f32 v41, v4;
	v12 =	vadd.f32 v36, v12;
	v18 =	vadd.f32 v38, v37  }
0x225: {  	v41 =	vmul.f32 v42, v2;
	v42 =	vmul.f32 v43, v46;
	v1 =	vadd.f32 v3, v1  }
0x226: {  	v43 =	vmul.f32 v45, v4;
	v3 =	vmul.f32 v44, v49;
	v12 =	vadd.f32 v18, v12  }
0x227: {  	v0 =	vmul.f32 v0, v46;
	v63 =	vadd.f32 v21, v59;
	[tilespmem:v13+s25+$0x0] =	vst.idx.msk $0xf, v1  }
0x228: {  	v3 =	vadd.f32 v43, v3;
	[tilespmem:v13+s29+$0x0] =	vst.idx.msk $0xf, v12;
	v12 =	vadd.f32 v17, v16  }
0x229: {  	v61 =	vmul.f32 v25, v46;
	v45 =	vadd.f32 v42, v41;
	v44 =	vadd.f32 v40, v39  }
0x22a: {  	v18 =	vadd.f32 v58, v57;
	v3 =	vadd.f32 v12, v3;
	v12 =	vmul.f32 v50, v2  }
0x22b: {  	v62 =	vmul.f32 v20, v49;
	v1 =	vadd.f32 v45, v44;
	v17 =	vadd.f32 v53, v52  }
0x22c: {  	v60 =	vmul.f32 v23, v2;
	v16 =	vadd.f32 v48, v47;
	v12 =	vadd.f32 v51, v12  }
0x22d: {  	s11 =	sadd.s32 $0x1, s11;
	v4 =	vmul.f32 v14, v4;
	v14 =	vadd.f32 v18, v17;
	v2 =	vmul.f32 v15, v2  }
0x22e: {  	p0 =	sne.s32 s11, $0x4;
	[tilespmem:v13+s28+$0x0] =	vst.idx.msk $0xf, v1;
	v15 =	vadd.f32 v61, v60;
	v12 =	vadd.f32 v12, v16  }
.Ltmp3:
0x22f: {  	[tilespmem:v13+s10+$0x0] =	vst.idx.msk $0xf, v3;
	v3 =	vadd.f32 v4, v62;
	v0 =	vadd.f32 v0, v2;
	(pc) =	sbr.rel @p0 .LBB2_7-.Ltmp3, $4  }
0x230: {  	v1 =	vadd.f32 v15, v63;
	[tilespmem:v13+s5+$0x0] =	vst.idx.msk $0xf, v12  }
0x231: {  	v0 =	vadd.f32 v0, v3;
	[tilespmem:v13+s8+$0x0] =	vst.idx.msk $0xf, v14  }
0x232: {  	[tilespmem:v13+s6+$0x0] =	vst.idx.msk $0xf, v1  }
0x233: {  	s3 =	sadd.s32 $0xC00, s3;
	[tilespmem:v13+s12+$0x0] =	vst.idx.msk $0xf, v0  }
0x234: {  	s8 =	rddreg [dreg:$0xa]  }
0x235: {  	s0 =	smul.u32 $0x60000, s8;
	s8 =	sadd.s32 $0x1, s8  }
0x236: {  	p0 =	sne.s32 s8, $0x80  }
.Ltmp4:
0x237: {  	s1 =	rddreg [dreg:$0x7];
	(pc) =	sbr.rel @p0 .LBB2_6-.Ltmp4, $4  }
0x238: {  	s0 =	sor.u32 s1, s0  }
0x239: {  	s29 =	rddreg [dreg:$0x4];
	s0 =	sshrl.u32 s0, $0x3  }
0x23a: {  	s30 =	simm.s32 $0xC00;
	s3 =	simm.s32 $0x18000;
	s0 =	sadd.s32 s29, s0  }
0x23b: {  	[hbm4b:s0+s30] =	stream.strided.scatter [tilespmem:s31], [sflag:$0x1], $0x3000, s3, s30, $0x38;
	[tilespmem:$0x1AA00] =	vst v63  }
0x23c: {  	s1 =	simm.s32 $0x1  }
0x23d: {  	_ =	swait.ge [sflag:s1], $0x3000  }
0x23e: {  	[sflag:s1] =	ssyncset.done $0x0  }
0x23f: {  	[sflag:s1] =	ssyncadd.s32 $0xFFFFD000  }
0x240: {  	_ =	swait.ge [sflag:s1], $0x3000  }
0x241: {  	s3 =	rddreg [dreg:$0x9]  }
0x242: {  	s0 =	rddreg [dreg:$0x8];
	s3 =	sadd.s32 $0x1, s3  }
0x243: {  	p0 =	sne.s32 s3, s0  }
.Ltmp5:
0x244: {  	_ = 	snop;
	(pc) =	sbr.rel @p0 .LBB2_1-.Ltmp5, $4  }
0x245: {  	v0 =	vld [tilespmem:$0x1FFC0]  }
0x246: {  	v1 =	vld [tilespmem:$0x1FFD0]  }
0x247: {  	s5 =	simm.s32 $0x2;
	[sflag:s1] =	ssyncset.done $0x0;
	v2 =	vld [tilespmem:$0x1FFE0]  }
0x248: {  	s6 =	simm.s32 $0x10;
	s7 =	simm.s32 $0x180;
	v3 =	vld [tilespmem:$0x1FFF0];
	[sflag:s1] =	ssyncadd.s32 $0xFFFFD000  }
0x249: {  	_ =	sfence.sel $0x180000  }
0x24a: {  	[bflag:$0x0] =	sbarrier.arrive $0xFFFF  }
0x24b: {  	_ =	strace $0x90000047  }
0x24c: {  	s0 =	stileid.u32;
	[bflag:$0x2] =	sbarrier.arrive $0xFFFF  }
0x24d: {  	p0 =	sne.s32 s0, $0x0;
	s0 =	rddreg [dreg:$0x2]  }
0x24e: {  	s0 =	sadd.s32 @!p0 $0x100000, s0  }
0x24f: {  	[sflag:s0] =	ssyncadd.tile.s32 @!p0 $0x1;
	_ =	shalt  }
.Lfunc_end2:
_tile_overlayer_lowered:
.L_overlay_start_2:
0x250: {  	(tag) =	ssettag $0x2  }
0x251: {  	s0 =	rddreg [dreg:$0x0];
	s2 =	stileid.u32  }
0x252: {  	s1 =	rddreg [dreg:$0x1];
	p0 =	sne.s32 s2, $0x0  }
0x253: {  	s3 =	rddreg [dreg:$0x2];
	[bflag:$0x3] =	sbarrier.arrive $0xFFFF;
	s2 =	simm.s32 @!p0 $0x1C02  }
0x254: {  	[timem:s3], [sflag:s2] =	dma.local @!p0 [hbm:s0], s1  }
0x255: {  	s0 =	simm.s32 @!p0 $0x2  }
0x256: {  	_ =	swait.ge @!p0 [sflag:s0], s1  }
0x257: {  	s1 =	ssub.s32 @!p0 $0x0, s1;
	[sflag:s0] =	ssyncset.done @!p0 $0x0  }
0x258: {  	[sflag:s0] =	ssyncadd.s32 @!p0 s1  }
0x259: {  	[bflag:$0x3] =	sbarrier.arrive $0xFFFF  }
0x25a: {  	_ =	shalt  }

// kernel: sparse-core-data-format-call.cloned.1.call-start
scs
called_computation_lowered:
.L_overlay_start_0:
0x0: {  	s2 =	sld [smem:$0x3FD9]  }
0x1: {  	s3 =	sld [smem:$0x3FFE];
	_ =	sdelay $0x1  }
0x2: {  	s1 =	srdreg.scid  }
0x3: {  	s0 =	sand.u32 $0x1, s1  }
0x4: {  	s18 =	sshll.u32 s0, $0xA;
	s2 =	sadd.s32 s3, s2  }
0x5: {  	s2 =	sadd.s32 s2, s18  }
0x6: {  	[smem:$0x3FC5] =	sst s2  }
0x7: {  	_ = 	snop  }
0x8: {  	s2 =	sld [smem:$0x3FD0];
	(tm) =	ssettm $0x1  }
0x9: {  	s19 =	sld [smem:$0x3FFB];
	_ =	sdelay $0x3  }
0xa: {  	_ =	strace s19  }
0xb: {  	s3 =	sld [smem:$0x3FFC];
	_ =	sdelay $0x3  }
0xc: {  	_ =	strace s3  }
0xd: {  	s3 =	sld [smem:$0x3FFD];
	_ =	sdelay $0x3  }
0xe: {  	_ =	strace s3  }
0xf: {  	_ =	strace $0x8FFFFFFF  }
0x10: {  	s20 =	sld [smem:$0x3FDB];
	_ =	sdelay $0x1  }
0x11: {  	s4 =	simm.s32 $_scs_section_size  }
0x12: {  	s5 =	simm.s32 $_size__tile_overlayer_lowered;
	s6 =	simm.s32 $_tile_overlayer_lowered  }
0x13: {  	s23 =	simm.s32 $0x1BFF;
	s22 =	sshll.u32 s6, $0x1;
	s3 =	sadd.s32 s4, s20  }
0x14: {  	s7 =	simm.s32 $0x0;
	s21 =	sshll.u32 s5, $0x1;
	s5 =	sadd.s32 s22, s3  }
0x15: {  	[timem:s7], [sflag:s23] =	dma.local [hbm:s5], s21  }
0x16: {  	_ =	swait.ge [sflag:s23], s21  }
0x17: {  	s4 =	ssub.s32 $0x0, s21;
	[sflag:s23] =	ssyncset.done $0x0  }
0x18: {  	[sflag:s23] =	ssyncadd.s32 s4;
	_ =	sdelay $0x1  }
0x19: {  	s24 =	simm.s32 $0x1B8B  }
0x1a: {  	_ =	swait.ge [sflag:s24], $0x1  }
0x1b: {  	[sflag:s24] =	ssyncset.done $0x0  }
0x1c: {  	s26 =	simm.s32 $0x1B8E;
	s25 =	sld [smem:$0x3FFE];
	[sflag:s24] =	ssyncadd.s32 $0xFFFFFFFF  }
0x1d: {  	s27 =	simm.s32 $execute0_lowered;
	[smem:$0x3FD2] =	sst s26  }
0x1e: {  	s5 =	sshll.u32 s27, $0x1;
	_ =	strace $0x80000049;
	[dreg:$0x1] =	wrdreg $0xFFFFFFFF  }
0x1f: {  	s28 =	simm.s32 $_size_execute0_lowered;
	s3 =	sadd.s32 s3, s5;
	[dreg:$0x0] =	wrdreg $0x0  }
0x20: {  	s5 =	sshll.u32 s28, $0x1;
	[dreg:$0x2] =	wrdreg s3  }
0x21: {  	[dreg:$0x3] =	wrdreg s5  }
0x22: {  	[dreg:$0x4] =	wrdreg $0xC0  }
0x23: {  	_ =	task [dreg:s7], $0x5FFFF  }
0x24: {  	[dreg:$0x1] =	wrdreg $0xFFFFFFFF  }
0x25: {  	[dreg:$0x0] =	wrdreg $0x60  }
0x26: {  	[dreg:$0x2] =	wrdreg s25  }
0x27: {  	[dreg:$0x3] =	wrdreg s2  }
0x28: {  	[dreg:$0x4] =	wrdreg $0x9  }
0x29: {  	_ =	task.clear_ibuf [dreg:s7], $0x5FFFF;
	_ =	strace $0x90000049  }
0x2a: {  	s29 =	simm.s32 $0x9;
	_ =	strace $0x8000004B  }
0x2b: {  	_ =	swait.ge [sflag:s29], $0x1  }
0x2c: {  	[sflag:s29] =	ssyncadd.s32 $0xFFFFFFFF  }
0x2d: {  	_ =	strace $0x9000004B  }
0x2e: {  	_ =	sfence  }
0x2f: {  	s30 =	sld [smem:$0x0];
	_ =	sdelay $0x2  }
0x30: {  	s31 =	sshll.u32 s1, $0xD;
	s1 =	sshrl.u32 s1, $0x2  }
0x31: {  	s3 =	sand.u32 $0x4000, s31;
	s1 =	sadd.s32 s1, s30  }
0x32: {  	s0 =	sor.u32 s3, s0;
	s1 =	sshll.u32 s1, $0x11  }
0x33: {  	s0 =	sor.u32 s1, s0  }
0x34: {  	s0 =	sadd.s32 $0x8F2B, s0  }
0x35: {  	[sflag:s0] =	ssyncadd.remote.s32 $0x1  }
0x36: {  	_ =	sfence.sel $0xFFFF  }
0x37: {  	[dreg:$0x0] =	wrdreg $0xFFFFFFFF;
	(pc) =	sbr.abs _section_cstart, $3  }
0x38: {  	[dreg:$0x1] =	wrdreg $0xFFFFFFFF  }
0x39: {  	_ =	task.clear_ibuf [dreg:s7], $0x2FFFF;
	_ =	strace $0x9FFFFFFF  }
0x3a: {  	(tm) =	ssettm $0x7FFFFFFF  }
0x3b: {  	_ =	shalt  }
tec
execute0_lowered:
.L_overlay_start_1:
0x0: {  	(tag) =	ssettag $0x1  }
0x1: {  	s1 =	rddreg [dreg:$0x0]  }
0x2: {  	s2 =	rddreg [dreg:$0x1]  }
0x3: {  	s0 =	rddreg [dreg:$0x2]  }
0x4: {  	s4 =	srdreg.scid;
	_ =	strace $0x8000004A;
	s6 =	simm.s32 $0x2  }
0x5: {  	s15 =	simm.s32 $0x0;
	p0 =	por $0x0, $0x0;
	s14 =	simm.s32 $0x0  }
0x6: {  	s16 =	simm.s32 $0x0;
	s7 =	simm.s32 $0x0;
	s9 =	simm.s32 $0x0  }
.Ltmp0:
0x7: {  	s10 =	simm.s32 $0x0;
	s11 =	simm.s32 $0x0;
	(pc) =	sbr.rel .LBB1_1-.Ltmp0, $4  }
0x8: {  	s12 =	simm.s32 $0x0;
	s3 =	sadd.s32 $0x600E00, s1;
	s4 =	sshll.u32 s4, $0x4  }
0x9: {  	s1 =	stileid.u32;
	s5 =	sand.u32 $0x10, s4;
	s4 =	simm.s32 $0x1  }
0xa: {  	s8 =	simm.s32 $0x0;
	s5 =	sor.u32 s1, s5;
	[sflag:s4] =	ssyncpa.u1 $0x0  }
0xb: {  	[sflag:s6] =	ssyncpa.u1 $0x0;
	s6 =	simm.s32 $0x30000;
	s13 =	smov.u32 s5  }
.LBB1_5:
0xc: {  	p1 =	slt.u32 s8, $0x2;
	s18 =	smov.u32 s16  }
0xd: {  	p2 =	sgt.s32 @!p1 s15, $0x44;
	s17 =	sshra.s32 @!p1 s15, $0x1F;
	p3 =	sgt.s32 @!p1 s16, $0x1FF  }
0xe: {  	s19 =	sshra.s32 @!p1 s16, $0x1F;
	p2 =	por !p2, p1;
	s17 =	sand.u32 @!p1 s17, s15  }
0xf: {  	p3 =	por !p3, p1;
	s16 =	sand.u32 @!p1 s19, s16;
	s19 =	sshra.s32 @!p1 s14, $0x1F  }
0x10: {  	s18 =	simm.s32 @p3 $0x1FF;
	p3 =	sgt.s32 @!p1 s14, $0x100;
	s15 =	simm.s32 @p2 $0x44  }
0x11: {  	s16 =	ssub.s32 @!p1 s18, s16;
	p3 =	por !p3, p1;
	s18 =	smov.u32 s14  }
0x12: {  	s14 =	sand.u32 @!p1 s19, s14;
	s15 =	ssub.s32 @!p1 s15, s17;
	s18 =	simm.s32 @p3 $0x100  }
0x13: {  	s17 =	sadd.s32 @!p1 $0xFFFFFE01, s16;
	s16 =	ssub.s32 @!p1 $0x200, s16;
	s14 =	ssub.s32 @!p1 s18, s14  }
0x14: {  	s18 =	sadd.s32 @!p1 $0xFFFFFFBC, s15;
	p2 =	sgt.s32 @!p1 s17, $0x0;
	s17 =	sadd.s32 @!p1 $0xFFFFFF00, s14  }
0x15: {  	s15 =	ssub.s32 @!p1 $0xC4, s15;
	p2 =	por !p2, p1;
	p3 =	sgt.s32 @!p1 s17, $0x7F  }
0x16: {  	s14 =	ssub.s32 @!p1 $0x180, s14;
	s16 =	simm.s32 @!p2 $0x0;
	p2 =	por !p3, p1  }
0x17: {  	s17 =	sadd.s32 $0x80, s11;
	p3 =	sgt.s32 @!p1 s18, $0x7F;
	s14 =	simm.s32 @!p2 $0x0  }
0x18: {  	s18 =	smov.u32 s12;
	p2 =	por !p3, p1;
	s14 =	smul.u32 @!p1 s16, s14  }
0x19: {  	s15 =	simm.s32 @!p2 $0x0;
	p2 =	sgt.s32 s17, $0xC3;
	s16 =	sadd.s32 $0x80, s12  }
0x1a: {  	s19 =	smov.u32 s13;
	s18 =	smov.u32 @p2 s16  }
0x1b: {  	s14 =	smul.u32 @!p1 s15, s14;
	p3 =	sgt.s32 s18, $0x17F;
	s15 =	sadd.s32 $0x20, s13  }
0x1c: {  	s8 =	sadd.s32 $0x1, s8;
	p0 =	por !p0, !p0;
	s19 =	smov.u32 @p3 s15  }
0x1d: {  	s20 =	simm.s32 @!p1 $0x2;
	s17 =	simm.s32 @p2 $0x0;
	p2 =	sgt.s32 s19, $0x1FF  }
0x1e: {  	s16 =	smov.u32 s10;
	s19 =	smov.u32 @p2 s5;
	p2 =	sne.s32 s8, $0x62  }
.Ltmp1:
0x1f: {  	s10 =	smov.u32 s13;
	s18 =	simm.s32 @p3 $0x0;
	(pc) =	sbr.rel @!p2 .LBB1_6-.Ltmp1, $4  }
0x20: {  	s15 =	smov.u32 s7;
	s7 =	smov.u32 s11;
	s14 =	sand.u32 @!p1 $0x3FFFFFFF, s14  }
0x21: {  	s11 =	smov.u32 s17;
	_ =	swait.ge @!p1 [sflag:s20], s14;
	s21 =	ssub.s32 @!p1 $0x0, s14  }
0x22: {  	s14 =	smov.u32 s9;
	s9 =	smov.u32 s12;
	[sflag:s20] =	ssyncset.done @!p1 $0x0  }
0x23: {  	s12 =	smov.u32 s18;
	s13 =	smov.u32 s19;
	[sflag:s20] =	ssyncadd.s32 @!p1 s21  }
.LBB1_1:
0x24: {  	p1 =	sgt.u32 s8, $0x5F  }
0x25: {  	s17 =	sshll.u32 @!p1 s12, $0x8;
	s18 =	sshll.u32 @!p1 s11, $0x3  }
0x26: {  	s19 =	sshll.u32 @!p1 s12, $0x7;
	s17 =	sand.u32 @!p1 $0xFFFFF800, s17;
	s18 =	sand.u32 @!p1 $0xFFFFFC00, s18  }
0x27: {  	s17 =	sadd.s32 @!p1 s17, s18;
	s18 =	sand.u32 @!p1 $0x300, s19  }
0x28: {  	s17 =	sor.u32 @!p1 s18, s17  }
0x29: {  	s17 =	sshrl.u32 @!p1 s17, $0x8  }
0x2a: {  	s18 =	smulhi.u32 @!p1 $0xAAAAAB, s17  }
0x2b: {  	s20 =	sxor.u32 @!p1 $0xFFFFFFFF, s8;
	s21 =	sand.u32 @!p1 $0x78, s11;
	s22 =	smul.u32 @!p1 $0x3000, s13  }
0x2c: {  	s20 =	sshll.u32 @!p1 s20, $0xE;
	s19 =	sand.u32 @!p1 $0x80, s19;
	s18 =	smul.u32 @!p1 $0x180, s18  }
0x2d: {  	s20 =	sand.u32 @!p1 $0x4000, s20;
	s19 =	sor.u32 @!p1 s21, s19;
	s21 =	sand.u32 @!p1 $0x7, s11  }
0x2e: {  	s17 =	ssub.s32 @!p1 s17, s18;
	s18 =	sshrl.u32 @!p1 s19, $0x3;
	s19 =	sadd.s32 @!p1 s3, s22  }
0x2f: {  	s17 =	sshll.u32 @!p1 s17, $0x5;
	s18 =	sadd.s32 @!p1 s18, s19;
	s19 =	sshll.u32 @!p1 s21, $0x12  }
0x30: {  	s17 =	sadd.s32 @!p1 s17, s18;
	s18 =	sor.u32 @!p1 $0x400, s19;
	s19 =	simm.s32 @!p1 $0x800  }
0x31: {  	[tilespmem:s20], [sflag:$0x1] =	stream.strided.gather @!p1 [hbm4b:s17+s18], $0x4000, s19, s18, $0x38;
	[tilespmem:$0x10100] =	vst v63  }
0x32: {  	p1 =	seq.s32 s8, $0x0  }
0x33: {  	p2 =	seq.s32 @!p1 s8, $0x61  }
0x34: {  	p1 =	por p1, p2  }
.Ltmp2:
0x35: {  	_ = 	snop;
	(pc) =	sbr.rel @p1 .LBB1_5-.Ltmp2, $1  }
0x36: {  	_ =	sdelay $0x3  }
0x37: {  	s17 =	simm.s32 $0x1  }
0x38: {  	_ =	swait.ge [sflag:s4], $0x4000;
	s17 =	simm.s32 @!p0 $0x0  }
0x39: {  	[sflag:s4] =	ssyncset.done $0x0;
	s18 =	sshll.u32 s17, $0xE  }
0x3a: {  	[sflag:s4] =	ssyncadd.s32 $0xFFFFC000;
	s18 =	sor.u32 $0x40, s18  }
0x3b: {  	s17 =	smul.u32 $0x10200, s17;
	v0 =	vld [tilespmem:s18+$0x30]  }
0x3c: {  	v1 =	vld [tilespmem:s18+$0xFFFFFFD0]  }
0x3d: {  	s17 =	sshrl.u32 s17, $0x2;
	v5 =	vld [tilespmem:s18+$0xFFFFFFE0]  }
0x3e: {  	v6 =	vld [tilespmem:s18+$0xFFFFFFF0];
	s20 =	sor.u32 $0x8000, s17  }
0x3f: {  	s31 =	sand.u32 $0x1, s8;
	v4 =	vld [tilespmem:s18+$0x0];
	s19 =	sadd.s32 $0x0, s20  }
0x40: {  	v3 =	vld [tilespmem:s18+$0x10];
	s17 =	smul.u32 $0x10200, s31;
	[tilespmem:s19+$0x3870 ss:$0x81] =	vst.msk $0xffff, v0  }
0x41: {  	v2 =	vld [tilespmem:s18+$0x20];
	[tilespmem:s19+$0x810 ss:$0x81] =	vst.msk $0xffff, v1  }
0x42: {  	s17 =	sshrl.u32 s17, $0x2;
	v1 =	vld [tilespmem:s18+$0xFFFFFFC0];
	[tilespmem:s19+$0x1020 ss:$0x81] =	vst.msk $0xffff, v5;
	s18 =	sadd.s32 $0x80, s18  }
0x43: {  	s21 =	simm.s32 $0x4;
	s22 =	simm.s32 $0x8;
	s17 =	sor.u32 $0x8000, s17;
	[tilespmem:s19+$0x1830 ss:$0x81] =	vst.msk $0xffff, v6;
	v0 =	vld [tilespmem:s18+$0x30]  }
.LBB1_3:
0x44: {  	p1 =	sne.s32 s22, $0x1FC;
	v5 =	vld [tilespmem:s18+$0xFFFFFFD0];
	[tilespmem:s19+$0x2040 ss:$0x81] =	vst.msk $0xffff, v4  }
0x45: {  	v6 =	vld [tilespmem:s18+$0xFFFFFFE0];
	[tilespmem:s19+$0x2850 ss:$0x81] =	vst.msk $0xffff, v3  }
0x46: {  	s23 =	sshra.s32 s21, $0x2;
	s21 =	smov.u32 s22;
	v7 =	vld [tilespmem:s18+$0xFFFFFFF0];
	[tilespmem:s19+$0x3060 ss:$0x81] =	vst.msk $0xffff, v2  }
.Ltmp3:
0x47: {  	v4 =	vld [tilespmem:s18+$0x0];
	[tilespmem:s19+$0x0 ss:$0x81] =	vst.msk $0xffff, v1;
	s19 =	sadd.s32 s23, s20;
	(pc) =	sbr.rel @p1 .LBB1_3-.Ltmp3, $4  }
0x48: {  	v3 =	vld [tilespmem:s18+$0x10];
	[tilespmem:s19+$0x3870 ss:$0x81] =	vst.msk $0xffff, v0  }
0x49: {  	[tilespmem:s19+$0x810 ss:$0x81] =	vst.msk $0xffff, v5;
	v2 =	vld [tilespmem:s18+$0x20]  }
0x4a: {  	v1 =	vld [tilespmem:s18+$0xFFFFFFC0];
	[tilespmem:s19+$0x1020 ss:$0x81] =	vst.msk $0xffff, v6;
	s18 =	sadd.s32 $0x80, s18  }
0x4b: {  	s22 =	sadd.s32 $0x4, s22;
	v0 =	vld [tilespmem:s18+$0x30];
	[tilespmem:s19+$0x1830 ss:$0x81] =	vst.msk $0xffff, v7  }
0x4c: {  	s22 =	sshrl.u32 s10, $0x3;
	s23 =	sshll.u32 s9, $0x3  }
0x4d: {  	s24 =	sshll.u32 s10, $0x7;
	s21 =	sshra.s32 s21, $0x2;
	s30 =	sand.u32 $0x7F, s9  }
0x4e: {  	p1 =	sgt.s32 s7, $0x44;
	s25 =	sshra.s32 s10, $0x1F;
	s26 =	sshra.s32 s7, $0x1F  }
0x4f: {  	s27 =	sshra.s32 s9, $0x1F;
	s22 =	smul.u32 $0xC00, s22;
	s23 =	sand.u32 $0xFFFFFC00, s23  }
0x50: {  	s29 =	sand.u32 $0x380, s24;
	s20 =	sadd.s32 s21, s20;
	s24 =	smov.u32 s10  }
0x51: {  	s25 =	sand.u32 s25, s10;
	s26 =	sand.u32 s26, s7;
	s22 =	sadd.s32 s22, s23  }
0x52: {  	s27 =	sand.u32 s27, s9;
	s23 =	smov.u32 s7;
	s22 =	sor.u32 s29, s22  }
0x53: {  	s23 =	simm.s32 @!p1 $0x44;
	p1 =	sgt.s32 s10, $0x1FF;
	s21 =	sor.u32 s30, s22  }
0x54: {  	[tilespmem:s19+$0x2040 ss:$0x81] =	vst.msk $0xffff, v4;
	s24 =	simm.s32 @!p1 $0x1FF;
	p1 =	sgt.s32 s9, $0x100;
	s23 =	ssub.s32 s23, s26  }
0x55: {  	v5 =	vld [tilespmem:s18+$0xFFFFFFD0];
	[tilespmem:s19+$0x2850 ss:$0x81] =	vst.msk $0xffff, v3;
	s30 =	smulhi.u32 $0xAAAAAAAB, s22;
	s24 =	ssub.s32 s24, s25;
	s25 =	smov.u32 s9  }
0x56: {  	v58 =	vld [tilespmem:s18+$0xFFFFFFE0];
	[tilespmem:s19+$0x3060 ss:$0x81] =	vst.msk $0xffff, v2;
	s28 =	smulhi.u32 $0xAAAAAAAB, s21;
	s26 =	sadd.s32 $0xFFFFFFBC, s23;
	s25 =	simm.s32 @!p1 $0x100  }
0x57: {  	v59 =	vld [tilespmem:s18+$0xFFFFFFF0];
	[tilespmem:s19+$0x0 ss:$0x81] =	vst.msk $0xffff, v1;
	s31 =	sadd.s32 $0xFFFFFE01, s24;
	s22 =	ssub.s32 $0x200, s24;
	s19 =	sshrl.u32 s30, $0x8  }
0x58: {  	v60 =	vld [tilespmem:s18+$0x0];
	s25 =	ssub.s32 s25, s27;
	p1 =	sgt.s32 s31, $0x0;
	s31 =	sshrl.u32 s28, $0x8  }
0x59: {  	v61 =	vld [tilespmem:s18+$0x10];
	[tilespmem:s20+$0x3870 ss:$0x81] =	vst.msk $0xffff, v0;
	s19 =	sand.u32 $0x1FF, s19;
	s27 =	smul.u32 $0x6000, s7;
	s29 =	sadd.s32 $0xFFFFFF00, s25  }
0x5a: {  	v62 =	vld [tilespmem:s18+$0x20];
	[tilespmem:s20+$0x810 ss:$0x81] =	vst.msk $0xffff, v5;
	s25 =	ssub.s32 $0x180, s25;
	s24 =	smul.u32 $0x180, s31;
	p2 =	sgt.s32 s29, $0x7F  }
0x5b: {  	v63 =	vld [tilespmem:s18+$0xFFFFFFC0];
	[tilespmem:s20+$0x1020 ss:$0x81] =	vst.msk $0xffff, v58;
	s22 =	simm.s32 @p1 $0x0;
	s18 =	smul.u32 $0x30, s19;
	s25 =	simm.s32 @p2 $0x0  }
0x5c: {  	[tilespmem:s20+$0x1830 ss:$0x81] =	vst.msk $0xffff, v59;
	p1 =	sgt.s32 s26, $0x7F;
	s25 =	smul.u32 s22, s25;
	s22 =	ssub.s32 $0xC4, s23  }
.Ltmp4:
0x5d: {  	[tilespmem:s20+$0x2040 ss:$0x81] =	vst.msk $0xffff, v60;
	s21 =	ssub.s32 s21, s24;
	s22 =	simm.s32 @p1 $0x0;
	(pc) =	sbr.rel .LBB1_5-.Ltmp4, $4  }
0x5e: {  	[tilespmem:s20+$0x2850 ss:$0x81] =	vst.msk $0xffff, v61;
	s28 =	sadd.s32 s2, s27;
	s29 =	sand.u32 $0x7, s21;
	s19 =	smul.u32 s22, s25  }
0x5f: {  	[tilespmem:s20+$0x3060 ss:$0x81] =	vst.msk $0xffff, v62;
	s18 =	sadd.s32 s18, s28;
	s21 =	sshrl.u32 s21, $0x3;
	s30 =	sshll.u32 s29, $0x12  }
0x60: {  	[tilespmem:s20+$0x0 ss:$0x81] =	vst.msk $0xffff, v63;
	s18 =	sadd.s32 s21, s18;
	s31 =	sor.u32 $0x80, s30;
	s19 =	sand.u32 $0x3FFFFFFF, s19  }
0x61: {  	[hbm4b:s18+s31] =	stream.strided.scatter [tilespmem:s17], [sflag:$0x2], s19, s6, s31, $0x20;
	[tilespmem:$0x10100] =	vst v63  }
.LBB1_6:
0x62: {  	_ =	sfence.sel $0x180000  }
0x63: {  	s2 =	simm.s32 $0x1;
	[bflag:$0x0] =	sbarrier.arrive $0xFFFF  }
0x64: {  	s31 =	simm.s32 $0x2;
	[sflag:s2] =	ssyncpa.u1 $0x1  }
0x65: {  	[sflag:s31] =	ssyncpa.u1 $0x1  }
0x66: {  	p0 =	sne.s32 s1, $0x0;
	_ =	strace $0x9000004A  }
0x67: {  	s0 =	sadd.s32 @!p0 $0x100000, s0;
	[bflag:$0x2] =	sbarrier.arrive $0xFFFF  }
0x68: {  	[sflag:s0] =	ssyncadd.tile.s32 @!p0 $0x1;
	_ =	shalt  }
.Lfunc_end1:
_tile_overlayer_lowered:
.L_overlay_start_2:
0x69: {  	(tag) =	ssettag $0x2  }
0x6a: {  	s0 =	rddreg [dreg:$0x0];
	s2 =	stileid.u32  }
0x6b: {  	s1 =	rddreg [dreg:$0x1];
	p0 =	sne.s32 s2, $0x0  }
0x6c: {  	s3 =	rddreg [dreg:$0x2];
	[bflag:$0x3] =	sbarrier.arrive $0xFFFF;
	s2 =	simm.s32 @!p0 $0x1C01  }
0x6d: {  	[timem:s3], [sflag:s2] =	dma.local @!p0 [hbm:s0], s1  }
0x6e: {  	s0 =	simm.s32 @!p0 $0x1  }
0x6f: {  	_ =	swait.ge @!p0 [sflag:s0], s1  }
0x70: {  	s1 =	ssub.s32 @!p0 $0x0, s1;
	[sflag:s0] =	ssyncset.done @!p0 $0x0  }
0x71: {  	[sflag:s0] =	ssyncadd.s32 @!p0 s1  }
0x72: {  	[bflag:$0x3] =	sbarrier.arrive $0xFFFF  }
0x73: {  	_ =	shalt  }

</sc_bundles>
